<compile_context>
chip_gen: v7x
topology: tpu7x:2x2x1
jax: 0.10.2.dev20260603
libtpu: 0.0.44.dev20260713+nightly
codegen_flags: <defaults>
</compile_context>

<pallas_src>
import functools

import jax
import jax.numpy as jnp
from jax import lax
from jax.experimental import pallas as pl
from jax.experimental.pallas import tpu as pltpu
from jax.experimental.pallas import tpu_sc as plsc

VOCAB = 1000000
D = 32
B = 16384

NC = 2
NS = 16
NW = NC * NS
BPW = B // NW
IROWS = 4
CH = 128
NCH = BPW // CH

BLK = 8192
RPB = BLK // 4
SUB = 4
GL = SUB * BLK
NSTEP = (VOCAB + GL - 1) // GL
RPT = NSTEP * SUB * RPB


def _repack_body(tt_ref, rp_ref):
    x = tt_ref[...]
    xt = x.T
    rows = []
    for sub in range(SUB):
        parts = [xt[sub * BLK + k * RPB: sub * BLK + (k + 1) * RPB]
                 for k in range(4)]
        rows.append(jnp.concatenate(parts, axis=1))
    rp_ref[...] = jnp.concatenate(rows, axis=0)


def _repack(tt):
    return pl.pallas_call(
        _repack_body,
        grid=(NSTEP,),
        in_specs=[pl.BlockSpec((D, GL), lambda j: (0, j))],
        out_specs=pl.BlockSpec((SUB * RPB, 4 * D), lambda j: (j, 0)),
        out_shape=jax.ShapeDtypeStruct((RPT, 4 * D), jnp.float32),
    )(tt)


def _gather_body(rp0_hbm, rp1_hbm, idx0_hbm, idx1_hbm,
                 pred_hbm, part_hbm,
                 idx_v, q_v, rows_v, out_v, acc_v, sem):
    wid = lax.axis_index("s") * NC + lax.axis_index("c")
    base = wid * BPW
    irow = wid * IROWS

    def do_table(rp_hbm, idx_hbm, out_base, acc):
        pltpu.sync_copy(idx_hbm.at[pl.ds(irow, IROWS)], idx_v)
        for j in range(IROWS):
            for k in range(CH // 16):
                v = idx_v[j, pl.ds(k * 16, 16)]
                q_v[j, pl.ds(k * 16, 16)] = jnp.bitwise_or(
                    lax.shift_left(lax.shift_right_logical(v, 13), 11),
                    jnp.bitwise_and(v, RPB - 1))

        def chunk_body(ch, acc):
            pltpu.async_copy(
                rp_hbm.at[q_v.at[ch]], rows_v, sem).wait()

            def g_body(g, acc):
                r16 = jnp.bitwise_and(lax.shift_right_logical(
                    idx_v[ch, pl.ds(g * 16, 16)], 11), 3)
                for l in range(16):
                    i = g * 16 + l
                    r = r16[l] * D
                    lo = rows_v[i, pl.ds(r, 16)]
                    hi = rows_v[i, pl.ds(r + 16, 16)]
                    out_v[i, pl.ds(0, 16)] = lo
                    out_v[i, pl.ds(16, 16)] = hi
                    acc = acc + lo + hi
                return acc

            acc = lax.fori_loop(0, CH // 16, g_body, acc)
            pltpu.sync_copy(out_v, pred_hbm.at[pl.ds(out_base + ch * CH, CH)])
            return acc

        return lax.fori_loop(0, NCH, chunk_body, acc)

    acc = do_table(rp0_hbm, idx0_hbm, base, jnp.zeros((16,), jnp.float32))
    acc = do_table(rp1_hbm, idx1_hbm, B + base, acc)
    acc_v[...] = acc
    pltpu.sync_copy(acc_v, part_hbm.at[wid])


@jax.jit
def _sc_lookup(t0, t1, i0, i1):
    rp0 = _repack(t0.T)
    rp1 = _repack(t1.T)

    mesh = plsc.VectorSubcoreMesh(core_axis_name="c", subcore_axis_name="s")
    f = functools.partial(
        pl.kernel, mesh=mesh,
        out_type=[
            jax.ShapeDtypeStruct((2 * B, D), jnp.float32),
            jax.ShapeDtypeStruct((NW, 16), jnp.float32),
        ],
        scratch_types=[
            pltpu.VMEM((IROWS, CH), jnp.int32),
            pltpu.VMEM((IROWS, CH), jnp.int32),
            pltpu.VMEM((CH, 4 * D), jnp.float32),
            pltpu.VMEM((CH, D), jnp.float32),
            pltpu.VMEM((16,), jnp.float32),
            pltpu.SemaphoreType.DMA,
        ],
    )(_gather_body)
    pred, partials = f(rp0, rp1,
                       i0.reshape(NW * IROWS, CH),
                       i1.reshape(NW * IROWS, CH))
    return pred, partials


def kernel(table_0, table_1, indices_0, indices_1):
    pred, partials = _sc_lookup(table_0, table_1, indices_0, indices_1)
    loss = jnp.sum(partials) / jnp.float32(2 * B * D)
    return (loss, pred)

# --- scband reference (transcript-rebuilt; emitter-appended) ---
"""Pipeline reference for scband-sparse-arch-91182155694393 (READ-ONLY COPY).

The authoritative reference and input builder live on the scoring server;
editing this copy changes nothing except your own understanding.
"""

import jax, jax.numpy as jnp
import numpy as np

VOCAB = 1000000
EMBED_DIM = 32
BATCH = 16384

def setup_inputs(seed: int = 0) -> dict:
    key = jax.random.key(seed)
    k0, k1, k2, k3 = jax.random.split(key, 4)
    table_0 = jax.random.normal(k0, (VOCAB, EMBED_DIM), dtype=jnp.float32) * 0.01
    table_1 = jax.random.normal(k1, (VOCAB, EMBED_DIM), dtype=jnp.float32) * 0.01
    indices_0 = jax.random.randint(k2, (BATCH,), 0, VOCAB, dtype=jnp.int64 if jax.config.jax_enable_x64 else jnp.int32).astype(jnp.int32)
    indices_1 = jax.random.randint(k3, (BATCH,), 0, VOCAB, dtype=jnp.int64 if jax.config.jax_enable_x64 else jnp.int32).astype(jnp.int32)
    return {"table_0": table_0, "table_1": table_1, "indices_0": indices_0, "indices_1": indices_1}

def reference(table_0, table_1, indices_0, indices_1):
    # MappedEmbeddingCollection lookup per feature key of the KJT.
    # JaggedTensor.values() for a feature with one id per sample is just [B, D].
    e0 = jnp.take(table_0, indices_0, axis=0)  # feature_0 values: [B, D]
    e1 = jnp.take(table_1, indices_1, axis=0)  # feature_1 values: [B, D]
    # pred = torch.cat([ec_out['feature_0'].values(), ec_out['feature_1'].values()], dim=0)
    pred = jnp.concatenate([e0, e1], axis=0)   # [2B, D]
    loss = pred.mean()
    return (loss, pred)

if __name__ == "__main__":
    import jax
    _d = setup_inputs()
    print(jax.jit(kernel)(*tuple(_d.values())))

</pallas_src>

<mosaic_0001>
#map = affine_map<(d0, d1) -> (0, 0)>
module attributes {stable_mosaic.version = 14 : i64} {
  func.func @_gather_body(%arg0: i32, %arg1: i32, %arg2: memref<253952x128xf32, #tpu.memory_space<hbm>>, %arg3: memref<253952x128xf32, #tpu.memory_space<hbm>>, %arg4: memref<128x128xi32, #tpu.memory_space<hbm>>, %arg5: memref<128x128xi32, #tpu.memory_space<hbm>>, %arg6: memref<32768x32xf32, #tpu.memory_space<hbm>>, %arg7: memref<32x16xf32, #tpu.memory_space<hbm>>, %arg8: memref<4x128xi32, #tpu.memory_space<vmem>>, %arg9: memref<4x128xi32, #tpu.memory_space<vmem>>, %arg10: memref<128x128xf32, #tpu.memory_space<vmem>>, %arg11: memref<128x32xf32, #tpu.memory_space<vmem>>, %arg12: memref<16xf32, #tpu.memory_space<vmem>>, %arg13: memref<!tpu.dma_semaphore, #tpu.memory_space<semaphore_mem>>) attributes {dimension_semantics = [#tpu.dimension_semantics<core_parallel>, #tpu.dimension_semantics<subcore_parallel>], iteration_bounds = array<i64: 2, 16>, scalar_prefetch = 0 : i64, scratch_operands = 6 : i64, tpu.core_type = #tpu.core_type<sc_vector_subcore>, window_params = [{transform_indices = #map}, {transform_indices = #map}, {transform_indices = #map}, {transform_indices = #map}, {transform_indices = #map}, {transform_indices = #map}]} {
    %mul3A = arith.constant 2 : i32
    %mul3A_0 = arith.muli %arg1, %mul3A : i32
    %add3A = arith.addi %mul3A_0, %arg0 : i32
    %mul3A_1 = arith.constant 512 : i32
    %mul3A_2 = arith.muli %add3A, %mul3A_1 : i32
    %mul3A_3 = arith.constant 4 : i32
    %mul3A_4 = arith.muli %add3A, %mul3A_3 : i32
    %broadcast_in_dim3A = arith.constant 0.000000e+00 : f32
    %broadcast_in_dim3A_5 = vector.broadcast %broadcast_in_dim3A : f32 to vector<16xf32>
    "tpu.region"() ({
      %run_scoped3A = tpu.sem_alloc : memref<!tpu.dma_semaphore, #tpu.memory_space<semaphore_mem>>
      %dma_start3A = arith.constant 0 : i32
      %dma_start3A_1361 = tpu.memref_slice %arg4[%mul3A_4, %dma_start3A] : memref<128x128xi32, #tpu.memory_space<hbm>> -> memref<4x128xi32, #tpu.memory_space<hbm>>
      %dma_start3A_1362 = arith.constant 0 : i32
      %dma_start3A_1363 = tpu.memref_slice %arg4[%mul3A_4, %dma_start3A_1362] : memref<128x128xi32, #tpu.memory_space<hbm>> -> memref<4x128xi32, #tpu.memory_space<hbm>>
      tpu.enqueue_dma source(%dma_start3A_1363 : memref<4x128xi32, #tpu.memory_space<hbm>>) target(%arg8 : memref<4x128xi32, #tpu.memory_space<vmem>>) target_semaphore(%run_scoped3A : memref<!tpu.dma_semaphore, #tpu.memory_space<semaphore_mem>>)
      %dma_wait3A = arith.constant 0 : i32
      %dma_wait3A_1364 = tpu.memref_slice %arg4[%mul3A_4, %dma_wait3A] : memref<128x128xi32, #tpu.memory_space<hbm>> -> memref<4x128xi32, #tpu.memory_space<hbm>>
      %dma_wait3A_1365 = arith.constant 0 : i32
      %dma_wait3A_1366 = tpu.memref_slice %arg4[%mul3A_4, %dma_wait3A_1365] : memref<128x128xi32, #tpu.memory_space<hbm>> -> memref<4x128xi32, #tpu.memory_space<hbm>>
      tpu.wait_dma2 semaphore(%run_scoped3A : memref<!tpu.dma_semaphore, #tpu.memory_space<semaphore_mem>>) src(%dma_wait3A_1366 : memref<4x128xi32, #tpu.memory_space<hbm>>) dst(%arg8 : memref<4x128xi32, #tpu.memory_space<vmem>>)
      tpu.yield
    }) : () -> ()
    %get3A = arith.constant 0 : i32
    %get3A_6 = arith.index_cast %get3A : i32 to index
    %get3A_7 = arith.constant 0 : index
    %get3A_8 = tpu.vector_load %arg8[%get3A_6, %get3A_7] {strides = array<i32>} : memref<4x128xi32, #tpu.memory_space<vmem>>, vector<1x16xi32>,
    %get3A_9 = vector.shape_cast %get3A_8 : vector<1x16xi32> to vector<16xi32>
    %shift_right_logical3A = arith.constant 13 : i32
    %shift_right_logical3A_10 = vector.broadcast %shift_right_logical3A : i32 to vector<16xi32>
    %shift_right_logical3A_11 = arith.shrui %get3A_9, %shift_right_logical3A_10 : vector<16xi32>
    %shift_left3A = arith.constant 11 : i32
    %shift_left3A_12 = vector.broadcast %shift_left3A : i32 to vector<16xi32>
    %shift_left3A_13 = arith.shli %shift_right_logical3A_11, %shift_left3A_12 : vector<16xi32>
    %and3A = arith.constant 2047 : i32
    %and3A_14 = vector.broadcast %and3A : i32 to vector<16xi32>
    %and3A_15 = arith.andi %get3A_9, %and3A_14 : vector<16xi32>
    %or3A = arith.ori %shift_left3A_13, %and3A_15 : vector<16xi32>
    %swap3A = arith.constant 0 : i32
    %swap3A_16 = arith.index_cast %swap3A : i32 to index
    %swap3A_17 = arith.constant 0 : index
    %swap3A_18 = tpu.vector_load %arg9[%swap3A_16, %swap3A_17] {strides = array<i32>} : memref<4x128xi32, #tpu.memory_space<vmem>>, vector<1x16xi32>,
    %swap3A_19 = vector.shape_cast %swap3A_18 : vector<1x16xi32> to vector<16xi32>
    %swap3A_20 = vector.shape_cast %or3A : vector<16xi32> to vector<1x16xi32>
    tpu.vector_store %arg9[%swap3A_16, %swap3A_17], %swap3A_20 {strides = array<i32>} : memref<4x128xi32, #tpu.memory_space<vmem>>, vector<1x16xi32>,
    %get3A_21 = arith.constant 0 : i32
    %get3A_22 = arith.index_cast %get3A_21 : i32 to index
    %get3A_23 = arith.constant 16 : index
    %get3A_24 = tpu.vector_load %arg8[%get3A_22, %get3A_23] {strides = array<i32>} : memref<4x128xi32, #tpu.memory_space<vmem>>, vector<1x16xi32>,
    %get3A_25 = vector.shape_cast %get3A_24 : vector<1x16xi32> to vector<16xi32>
    %shift_right_logical3A_26 = arith.constant 13 : i32
    %shift_right_logical3A_27 = vector.broadcast %shift_right_logical3A_26 : i32 to vector<16xi32>
    %shift_right_logical3A_28 = arith.shrui %get3A_25, %shift_right_logical3A_27 : vector<16xi32>
    %shift_left3A_29 = arith.constant 11 : i32
    %shift_left3A_30 = vector.broadcast %shift_left3A_29 : i32 to vector<16xi32>
    %shift_left3A_31 = arith.shli %shift_right_logical3A_28, %shift_left3A_30 : vector<16xi32>
    %and3A_32 = arith.constant 2047 : i32
    %and3A_33 = vector.broadcast %and3A_32 : i32 to vector<16xi32>
    %and3A_34 = arith.andi %get3A_25, %and3A_33 : vector<16xi32>
    %or3A_35 = arith.ori %shift_left3A_31, %and3A_34 : vector<16xi32>
    %swap3A_36 = arith.constant 0 : i32
    %swap3A_37 = arith.index_cast %swap3A_36 : i32 to index
    %swap3A_38 = arith.constant 16 : index
    %swap3A_39 = tpu.vector_load %arg9[%swap3A_37, %swap3A_38] {strides = array<i32>} : memref<4x128xi32, #tpu.memory_space<vmem>>, vector<1x16xi32>,
    %swap3A_40 = vector.shape_cast %swap3A_39 : vector<1x16xi32> to vector<16xi32>
    %swap3A_41 = vector.shape_cast %or3A_35 : vector<16xi32> to vector<1x16xi32>
    tpu.vector_store %arg9[%swap3A_37, %swap3A_38], %swap3A_41 {strides = array<i32>} : memref<4x128xi32, #tpu.memory_space<vmem>>, vector<1x16xi32>,
    %get3A_42 = arith.constant 0 : i32
    %get3A_43 = arith.index_cast %get3A_42 : i32 to index
    %get3A_44 = arith.constant 32 : index
    %get3A_45 = tpu.vector_load %arg8[%get3A_43, %get3A_44] {strides = array<i32>} : memref<4x128xi32, #tpu.memory_space<vmem>>, vector<1x16xi32>,
    %get3A_46 = vector.shape_cast %get3A_45 : vector<1x16xi32> to vector<16xi32>
    %shift_right_logical3A_47 = arith.constant 13 : i32
    %shift_right_logical3A_48 = vector.broadcast %shift_right_logical3A_47 : i32 to vector<16xi32>
    %shift_right_logical3A_49 = arith.shrui %get3A_46, %shift_right_logical3A_48 : vector<16xi32>
    %shift_left3A_50 = arith.constant 11 : i32
    %shift_left3A_51 = vector.broadcast %shift_left3A_50 : i32 to vector<16xi32>
    %shift_left3A_52 = arith.shli %shift_right_logical3A_49, %shift_left3A_51 : vector<16xi32>
    %and3A_53 = arith.constant 2047 : i32
    %and3A_54 = vector.broadcast %and3A_53 : i32 to vector<16xi32>
    %and3A_55 = arith.andi %get3A_46, %and3A_54 : vector<16xi32>
    %or3A_56 = arith.ori %shift_left3A_52, %and3A_55 : vector<16xi32>
    %swap3A_57 = arith.constant 0 : i32
    %swap3A_58 = arith.index_cast %swap3A_57 : i32 to index
    %swap3A_59 = arith.constant 32 : index
    %swap3A_60 = tpu.vector_load %arg9[%swap3A_58, %swap3A_59] {strides = array<i32>} : memref<4x128xi32, #tpu.memory_space<vmem>>, vector<1x16xi32>,
    %swap3A_61 = vector.shape_cast %swap3A_60 : vector<1x16xi32> to vector<16xi32>
    %swap3A_62 = vector.shape_cast %or3A_56 : vector<16xi32> to vector<1x16xi32>
    tpu.vector_store %arg9[%swap3A_58, %swap3A_59], %swap3A_62 {strides = array<i32>} : memref<4x128xi32, #tpu.memory_space<vmem>>, vector<1x16xi32>,
    %get3A_63 = arith.constant 0 : i32
    %get3A_64 = arith.index_cast %get3A_63 : i32 to index
    %get3A_65 = arith.constant 48 : index
    %get3A_66 = tpu.vector_load %arg8[%get3A_64, %get3A_65] {strides = array<i32>} : memref<4x128xi32, #tpu.memory_space<vmem>>, vector<1x16xi32>,
    %get3A_67 = vector.shape_cast %get3A_66 : vector<1x16xi32> to vector<16xi32>
    %shift_right_logical3A_68 = arith.constant 13 : i32
    %shift_right_logical3A_69 = vector.broadcast %shift_right_logical3A_68 : i32 to vector<16xi32>
    %shift_right_logical3A_70 = arith.shrui %get3A_67, %shift_right_logical3A_69 : vector<16xi32>
    %shift_left3A_71 = arith.constant 11 : i32
    %shift_left3A_72 = vector.broadcast %shift_left3A_71 : i32 to vector<16xi32>
    %shift_left3A_73 = arith.shli %shift_right_logical3A_70, %shift_left3A_72 : vector<16xi32>
    %and3A_74 = arith.constant 2047 : i32
    %and3A_75 = vector.broadcast %and3A_74 : i32 to vector<16xi32>
    %and3A_76 = arith.andi %get3A_67, %and3A_75 : vector<16xi32>
    %or3A_77 = arith.ori %shift_left3A_73, %and3A_76 : vector<16xi32>
    %swap3A_78 = arith.constant 0 : i32
    %swap3A_79 = arith.index_cast %swap3A_78 : i32 to index
    %swap3A_80 = arith.constant 48 : index
    %swap3A_81 = tpu.vector_load %arg9[%swap3A_79, %swap3A_80] {strides = array<i32>} : memref<4x128xi32, #tpu.memory_space<vmem>>, vector<1x16xi32>,
    %swap3A_82 = vector.shape_cast %swap3A_81 : vector<1x16xi32> to vector<16xi32>
    %swap3A_83 = vector.shape_cast %or3A_77 : vector<16xi32> to vector<1x16xi32>
    tpu.vector_store %arg9[%swap3A_79, %swap3A_80], %swap3A_83 {strides = array<i32>} : memref<4x128xi32, #tpu.memory_space<vmem>>, vector<1x16xi32>,
    %get3A_84 = arith.constant 0 : i32
    %get3A_85 = arith.index_cast %get3A_84 : i32 to index
    %get3A_86 = arith.constant 64 : index
    %get3A_87 = tpu.vector_load %arg8[%get3A_85, %get3A_86] {strides = array<i32>} : memref<4x128xi32, #tpu.memory_space<vmem>>, vector<1x16xi32>,
    %get3A_88 = vector.shape_cast %get3A_87 : vector<1x16xi32> to vector<16xi32>
    %shift_right_logical3A_89 = arith.constant 13 : i32
    %shift_right_logical3A_90 = vector.broadcast %shift_right_logical3A_89 : i32 to vector<16xi32>
    %shift_right_logical3A_91 = arith.shrui %get3A_88, %shift_right_logical3A_90 : vector<16xi32>
    %shift_left3A_92 = arith.constant 11 : i32
    %shift_left3A_93 = vector.broadcast %shift_left3A_92 : i32 to vector<16xi32>
    %shift_left3A_94 = arith.shli %shift_right_logical3A_91, %shift_left3A_93 : vector<16xi32>
    %and3A_95 = arith.constant 2047 : i32
    %and3A_96 = vector.broadcast %and3A_95 : i32 to vector<16xi32>
    %and3A_97 = arith.andi %get3A_88, %and3A_96 : vector<16xi32>
    %or3A_98 = arith.ori %shift_left3A_94, %and3A_97 : vector<16xi32>
    %swap3A_99 = arith.constant 0 : i32
    %swap3A_100 = arith.index_cast %swap3A_99 : i32 to index
    %swap3A_101 = arith.constant 64 : index
    %swap3A_102 = tpu.vector_load %arg9[%swap3A_100, %swap3A_101] {strides = array<i32>} : memref<4x128xi32, #tpu.memory_space<vmem>>, vector<1x16xi32>,
    %swap3A_103 = vector.shape_cast %swap3A_102 : vector<1x16xi32> to vector<16xi32>
    %swap3A_104 = vector.shape_cast %or3A_98 : vector<16xi32> to vector<1x16xi32>
    tpu.vector_store %arg9[%swap3A_100, %swap3A_101], %swap3A_104 {strides = array<i32>} : memref<4x128xi32, #tpu.memory_space<vmem>>, vector<1x16xi32>,
    %get3A_105 = arith.constant 0 : i32
    %get3A_106 = arith.index_cast %get3A_105 : i32 to index
    %get3A_107 = arith.constant 80 : index
    %get3A_108 = tpu.vector_load %arg8[%get3A_106, %get3A_107] {strides = array<i32>} : memref<4x128xi32, #tpu.memory_space<vmem>>, vector<1x16xi32>,
    %get3A_109 = vector.shape_cast %get3A_108 : vector<1x16xi32> to vector<16xi32>
    %shift_right_logical3A_110 = arith.constant 13 : i32
    %shift_right_logical3A_111 = vector.broadcast %shift_right_logical3A_110 : i32 to vector<16xi32>
    %shift_right_logical3A_112 = arith.shrui %get3A_109, %shift_right_logical3A_111 : vector<16xi32>
    %shift_left3A_113 = arith.constant 11 : i32
    %shift_left3A_114 = vector.broadcast %shift_left3A_113 : i32 to vector<16xi32>
    %shift_left3A_115 = arith.shli %shift_right_logical3A_112, %shift_left3A_114 : vector<16xi32>
    %and3A_116 = arith.constant 2047 : i32
    %and3A_117 = vector.broadcast %and3A_116 : i32 to vector<16xi32>
    %and3A_118 = arith.andi %get3A_109, %and3A_117 : vector<16xi32>
    %or3A_119 = arith.ori %shift_left3A_115, %and3A_118 : vector<16xi32>
    %swap3A_120 = arith.constant 0 : i32
    %swap3A_121 = arith.index_cast %swap3A_120 : i32 to index
    %swap3A_122 = arith.constant 80 : index
    %swap3A_123 = tpu.vector_load %arg9[%swap3A_121, %swap3A_122] {strides = array<i32>} : memref<4x128xi32, #tpu.memory_space<vmem>>, vector<1x16xi32>,
    %swap3A_124 = vector.shape_cast %swap3A_123 : vector<1x16xi32> to vector<16xi32>
    %swap3A_125 = vector.shape_cast %or3A_119 : vector<16xi32> to vector<1x16xi32>
    tpu.vector_store %arg9[%swap3A_121, %swap3A_122], %swap3A_125 {strides = array<i32>} : memref<4x128xi32, #tpu.memory_space<vmem>>, vector<1x16xi32>,
    %get3A_126 = arith.constant 0 : i32
    %get3A_127 = arith.index_cast %get3A_126 : i32 to index
    %get3A_128 = arith.constant 96 : index
    %get3A_129 = tpu.vector_load %arg8[%get3A_127, %get3A_128] {strides = array<i32>} : memref<4x128xi32, #tpu.memory_space<vmem>>, vector<1x16xi32>,
    %get3A_130 = vector.shape_cast %get3A_129 : vector<1x16xi32> to vector<16xi32>
    %shift_right_logical3A_131 = arith.constant 13 : i32
    %shift_right_logical3A_132 = vector.broadcast %shift_right_logical3A_131 : i32 to vector<16xi32>
    %shift_right_logical3A_133 = arith.shrui %get3A_130, %shift_right_logical3A_132 : vector<16xi32>
    %shift_left3A_134 = arith.constant 11 : i32
    %shift_left3A_135 = vector.broadcast %shift_left3A_134 : i32 to vector<16xi32>
    %shift_left3A_136 = arith.shli %shift_right_logical3A_133, %shift_left3A_135 : vector<16xi32>
    %and3A_137 = arith.constant 2047 : i32
    %and3A_138 = vector.broadcast %and3A_137 : i32 to vector<16xi32>
    %and3A_139 = arith.andi %get3A_130, %and3A_138 : vector<16xi32>
    %or3A_140 = arith.ori %shift_left3A_136, %and3A_139 : vector<16xi32>
    %swap3A_141 = arith.constant 0 : i32
    %swap3A_142 = arith.index_cast %swap3A_141 : i32 to index
    %swap3A_143 = arith.constant 96 : index
    %swap3A_144 = tpu.vector_load %arg9[%swap3A_142, %swap3A_143] {strides = array<i32>} : memref<4x128xi32, #tpu.memory_space<vmem>>, vector<1x16xi32>,
    %swap3A_145 = vector.shape_cast %swap3A_144 : vector<1x16xi32> to vector<16xi32>
    %swap3A_146 = vector.shape_cast %or3A_140 : vector<16xi32> to vector<1x16xi32>
    tpu.vector_store %arg9[%swap3A_142, %swap3A_143], %swap3A_146 {strides = array<i32>} : memref<4x128xi32, #tpu.memory_space<vmem>>, vector<1x16xi32>,
    %get3A_147 = arith.constant 0 : i32
    %get3A_148 = arith.index_cast %get3A_147 : i32 to index
    %get3A_149 = arith.constant 112 : index
    %get3A_150 = tpu.vector_load %arg8[%get3A_148, %get3A_149] {strides = array<i32>} : memref<4x128xi32, #tpu.memory_space<vmem>>, vector<1x16xi32>,
    %get3A_151 = vector.shape_cast %get3A_150 : vector<1x16xi32> to vector<16xi32>
    %shift_right_logical3A_152 = arith.constant 13 : i32
    %shift_right_logical3A_153 = vector.broadcast %shift_right_logical3A_152 : i32 to vector<16xi32>
    %shift_right_logical3A_154 = arith.shrui %get3A_151, %shift_right_logical3A_153 : vector<16xi32>
    %shift_left3A_155 = arith.constant 11 : i32
    %shift_left3A_156 = vector.broadcast %shift_left3A_155 : i32 to vector<16xi32>
    %shift_left3A_157 = arith.shli %shift_right_logical3A_154, %shift_left3A_156 : vector<16xi32>
    %and3A_158 = arith.constant 2047 : i32
    %and3A_159 = vector.broadcast %and3A_158 : i32 to vector<16xi32>
    %and3A_160 = arith.andi %get3A_151, %and3A_159 : vector<16xi32>
    %or3A_161 = arith.ori %shift_left3A_157, %and3A_160 : vector<16xi32>
    %swap3A_162 = arith.constant 0 : i32
    %swap3A_163 = arith.index_cast %swap3A_162 : i32 to index
    %swap3A_164 = arith.constant 112 : index
    %swap3A_165 = tpu.vector_load %arg9[%swap3A_163, %swap3A_164] {strides = array<i32>} : memref<4x128xi32, #tpu.memory_space<vmem>>, vector<1x16xi32>,
    %swap3A_166 = vector.shape_cast %swap3A_165 : vector<1x16xi32> to vector<16xi32>
    %swap3A_167 = vector.shape_cast %or3A_161 : vector<16xi32> to vector<1x16xi32>
    tpu.vector_store %arg9[%swap3A_163, %swap3A_164], %swap3A_167 {strides = array<i32>} : memref<4x128xi32, #tpu.memory_space<vmem>>, vector<1x16xi32>,
    %get3A_168 = arith.constant 1 : i32
    %get3A_169 = arith.index_cast %get3A_168 : i32 to index
    %get3A_170 = arith.constant 0 : index
    %get3A_171 = tpu.vector_load %arg8[%get3A_169, %get3A_170] {strides = array<i32>} : memref<4x128xi32, #tpu.memory_space<vmem>>, vector<1x16xi32>,
    %get3A_172 = vector.shape_cast %get3A_171 : vector<1x16xi32> to vector<16xi32>
    %shift_right_logical3A_173 = arith.constant 13 : i32
    %shift_right_logical3A_174 = vector.broadcast %shift_right_logical3A_173 : i32 to vector<16xi32>
    %shift_right_logical3A_175 = arith.shrui %get3A_172, %shift_right_logical3A_174 : vector<16xi32>
    %shift_left3A_176 = arith.constant 11 : i32
    %shift_left3A_177 = vector.broadcast %shift_left3A_176 : i32 to vector<16xi32>
    %shift_left3A_178 = arith.shli %shift_right_logical3A_175, %shift_left3A_177 : vector<16xi32>
    %and3A_179 = arith.constant 2047 : i32
    %and3A_180 = vector.broadcast %and3A_179 : i32 to vector<16xi32>
    %and3A_181 = arith.andi %get3A_172, %and3A_180 : vector<16xi32>
    %or3A_182 = arith.ori %shift_left3A_178, %and3A_181 : vector<16xi32>
    %swap3A_183 = arith.constant 1 : i32
    %swap3A_184 = arith.index_cast %swap3A_183 : i32 to index
    %swap3A_185 = arith.constant 0 : index
    %swap3A_186 = tpu.vector_load %arg9[%swap3A_184, %swap3A_185] {strides = array<i32>} : memref<4x128xi32, #tpu.memory_space<vmem>>, vector<1x16xi32>,
    %swap3A_187 = vector.shape_cast %swap3A_186 : vector<1x16xi32> to vector<16xi32>
    %swap3A_188 = vector.shape_cast %or3A_182 : vector<16xi32> to vector<1x16xi32>
    tpu.vector_store %arg9[%swap3A_184, %swap3A_185], %swap3A_188 {strides = array<i32>} : memref<4x128xi32, #tpu.memory_space<vmem>>, vector<1x16xi32>,
    %get3A_189 = arith.constant 1 : i32
    %get3A_190 = arith.index_cast %get3A_189 : i32 to index
    %get3A_191 = arith.constant 16 : index
    %get3A_192 = tpu.vector_load %arg8[%get3A_190, %get3A_191] {strides = array<i32>} : memref<4x128xi32, #tpu.memory_space<vmem>>, vector<1x16xi32>,
    %get3A_193 = vector.shape_cast %get3A_192 : vector<1x16xi32> to vector<16xi32>
    %shift_right_logical3A_194 = arith.constant 13 : i32
    %shift_right_logical3A_195 = vector.broadcast %shift_right_logical3A_194 : i32 to vector<16xi32>
    %shift_right_logical3A_196 = arith.shrui %get3A_193, %shift_right_logical3A_195 : vector<16xi32>
    %shift_left3A_197 = arith.constant 11 : i32
    %shift_left3A_198 = vector.broadcast %shift_left3A_197 : i32 to vector<16xi32>
    %shift_left3A_199 = arith.shli %shift_right_logical3A_196, %shift_left3A_198 : vector<16xi32>
    %and3A_200 = arith.constant 2047 : i32
    %and3A_201 = vector.broadcast %and3A_200 : i32 to vector<16xi32>
    %and3A_202 = arith.andi %get3A_193, %and3A_201 : vector<16xi32>
    %or3A_203 = arith.ori %shift_left3A_199, %and3A_202 : vector<16xi32>
    %swap3A_204 = arith.constant 1 : i32
    %swap3A_205 = arith.index_cast %swap3A_204 : i32 to index
    %swap3A_206 = arith.constant 16 : index
    %swap3A_207 = tpu.vector_load %arg9[%swap3A_205, %swap3A_206] {strides = array<i32>} : memref<4x128xi32, #tpu.memory_space<vmem>>, vector<1x16xi32>,
    %swap3A_208 = vector.shape_cast %swap3A_207 : vector<1x16xi32> to vector<16xi32>
    %swap3A_209 = vector.shape_cast %or3A_203 : vector<16xi32> to vector<1x16xi32>
    tpu.vector_store %arg9[%swap3A_205, %swap3A_206], %swap3A_209 {strides = array<i32>} : memref<4x128xi32, #tpu.memory_space<vmem>>, vector<1x16xi32>,
    %get3A_210 = arith.constant 1 : i32
    %get3A_211 = arith.index_cast %get3A_210 : i32 to index
    %get3A_212 = arith.constant 32 : index
    %get3A_213 = tpu.vector_load %arg8[%get3A_211, %get3A_212] {strides = array<i32>} : memref<4x128xi32, #tpu.memory_space<vmem>>, vector<1x16xi32>,
    %get3A_214 = vector.shape_cast %get3A_213 : vector<1x16xi32> to vector<16xi32>
    %shift_right_logical3A_215 = arith.constant 13 : i32
    %shift_right_logical3A_216 = vector.broadcast %shift_right_logical3A_215 : i32 to vector<16xi32>
    %shift_right_logical3A_217 = arith.shrui %get3A_214, %shift_right_logical3A_216 : vector<16xi32>
    %shift_left3A_218 = arith.constant 11 : i32
    %shift_left3A_219 = vector.broadcast %shift_left3A_218 : i32 to vector<16xi32>
    %shift_left3A_220 = arith.shli %shift_right_logical3A_217, %shift_left3A_219 : vector<16xi32>
    %and3A_221 = arith.constant 2047 : i32
    %and3A_222 = vector.broadcast %and3A_221 : i32 to vector<16xi32>
    %and3A_223 = arith.andi %get3A_214, %and3A_222 : vector<16xi32>
    %or3A_224 = arith.ori %shift_left3A_220, %and3A_223 : vector<16xi32>
    %swap3A_225 = arith.constant 1 : i32
    %swap3A_226 = arith.index_cast %swap3A_225 : i32 to index
    %swap3A_227 = arith.constant 32 : index
    %swap3A_228 = tpu.vector_load %arg9[%swap3A_226, %swap3A_227] {strides = array<i32>} : memref<4x128xi32, #tpu.memory_space<vmem>>, vector<1x16xi32>,
    %swap3A_229 = vector.shape_cast %swap3A_228 : vector<1x16xi32> to vector<16xi32>
    %swap3A_230 = vector.shape_cast %or3A_224 : vector<16xi32> to vector<1x16xi32>
    tpu.vector_store %arg9[%swap3A_226, %swap3A_227], %swap3A_230 {strides = array<i32>} : memref<4x128xi32, #tpu.memory_space<vmem>>, vector<1x16xi32>,
    %get3A_231 = arith.constant 1 : i32
    %get3A_232 = arith.index_cast %get3A_231 : i32 to index
    %get3A_233 = arith.constant 48 : index
    %get3A_234 = tpu.vector_load %arg8[%get3A_232, %get3A_233] {strides = array<i32>} : memref<4x128xi32, #tpu.memory_space<vmem>>, vector<1x16xi32>,
    %get3A_235 = vector.shape_cast %get3A_234 : vector<1x16xi32> to vector<16xi32>
    %shift_right_logical3A_236 = arith.constant 13 : i32
    %shift_right_logical3A_237 = vector.broadcast %shift_right_logical3A_236 : i32 to vector<16xi32>
    %shift_right_logical3A_238 = arith.shrui %get3A_235, %shift_right_logical3A_237 : vector<16xi32>
    %shift_left3A_239 = arith.constant 11 : i32
    %shift_left3A_240 = vector.broadcast %shift_left3A_239 : i32 to vector<16xi32>
    %shift_left3A_241 = arith.shli %shift_right_logical3A_238, %shift_left3A_240 : vector<16xi32>
    %and3A_242 = arith.constant 2047 : i32
    %and3A_243 = vector.broadcast %and3A_242 : i32 to vector<16xi32>
    %and3A_244 = arith.andi %get3A_235, %and3A_243 : vector<16xi32>
    %or3A_245 = arith.ori %shift_left3A_241, %and3A_244 : vector<16xi32>
    %swap3A_246 = arith.constant 1 : i32
    %swap3A_247 = arith.index_cast %swap3A_246 : i32 to index
    %swap3A_248 = arith.constant 48 : index
    %swap3A_249 = tpu.vector_load %arg9[%swap3A_247, %swap3A_248] {strides = array<i32>} : memref<4x128xi32, #tpu.memory_space<vmem>>, vector<1x16xi32>,
    %swap3A_250 = vector.shape_cast %swap3A_249 : vector<1x16xi32> to vector<16xi32>
    %swap3A_251 = vector.shape_cast %or3A_245 : vector<16xi32> to vector<1x16xi32>
    tpu.vector_store %arg9[%swap3A_247, %swap3A_248], %swap3A_251 {strides = array<i32>} : memref<4x128xi32, #tpu.memory_space<vmem>>, vector<1x16xi32>,
    %get3A_252 = arith.constant 1 : i32
    %get3A_253 = arith.index_cast %get3A_252 : i32 to index
    %get3A_254 = arith.constant 64 : index
    %get3A_255 = tpu.vector_load %arg8[%get3A_253, %get3A_254] {strides = array<i32>} : memref<4x128xi32, #tpu.memory_space<vmem>>, vector<1x16xi32>,
    %get3A_256 = vector.shape_cast %get3A_255 : vector<1x16xi32> to vector<16xi32>
    %shift_right_logical3A_257 = arith.constant 13 : i32
    %shift_right_logical3A_258 = vector.broadcast %shift_right_logical3A_257 : i32 to vector<16xi32>
    %shift_right_logical3A_259 = arith.shrui %get3A_256, %shift_right_logical3A_258 : vector<16xi32>
    %shift_left3A_260 = arith.constant 11 : i32
    %shift_left3A_261 = vector.broadcast %shift_left3A_260 : i32 to vector<16xi32>
    %shift_left3A_262 = arith.shli %shift_right_logical3A_259, %shift_left3A_261 : vector<16xi32>
    %and3A_263 = arith.constant 2047 : i32
    %and3A_264 = vector.broadcast %and3A_263 : i32 to vector<16xi32>
    %and3A_265 = arith.andi %get3A_256, %and3A_264 : vector<16xi32>
    %or3A_266 = arith.ori %shift_left3A_262, %and3A_265 : vector<16xi32>
    %swap3A_267 = arith.constant 1 : i32
    %swap3A_268 = arith.index_cast %swap3A_267 : i32 to index
    %swap3A_269 = arith.constant 64 : index
    %swap3A_270 = tpu.vector_load %arg9[%swap3A_268, %swap3A_269] {strides = array<i32>} : memref<4x128xi32, #tpu.memory_space<vmem>>, vector<1x16xi32>,
    %swap3A_271 = vector.shape_cast %swap3A_270 : vector<1x16xi32> to vector<16xi32>
    %swap3A_272 = vector.shape_cast %or3A_266 : vector<16xi32> to vector<1x16xi32>
    tpu.vector_store %arg9[%swap3A_268, %swap3A_269], %swap3A_272 {strides = array<i32>} : memref<4x128xi32, #tpu.memory_space<vmem>>, vector<1x16xi32>,
    %get3A_273 = arith.constant 1 : i32
    %get3A_274 = arith.index_cast %get3A_273 : i32 to index
    %get3A_275 = arith.constant 80 : index
    %get3A_276 = tpu.vector_load %arg8[%get3A_274, %get3A_275] {strides = array<i32>} : memref<4x128xi32, #tpu.memory_space<vmem>>, vector<1x16xi32>,
    %get3A_277 = vector.shape_cast %get3A_276 : vector<1x16xi32> to vector<16xi32>
    %shift_right_logical3A_278 = arith.constant 13 : i32
    %shift_right_logical3A_279 = vector.broadcast %shift_right_logical3A_278 : i32 to vector<16xi32>
    %shift_right_logical3A_280 = arith.shrui %get3A_277, %shift_right_logical3A_279 : vector<16xi32>
    %shift_left3A_281 = arith.constant 11 : i32
    %shift_left3A_282 = vector.broadcast %shift_left3A_281 : i32 to vector<16xi32>
    %shift_left3A_283 = arith.shli %shift_right_logical3A_280, %shift_left3A_282 : vector<16xi32>
    %and3A_284 = arith.constant 2047 : i32
    %and3A_285 = vector.broadcast %and3A_284 : i32 to vector<16xi32>
    %and3A_286 = arith.andi %get3A_277, %and3A_285 : vector<16xi32>
    %or3A_287 = arith.ori %shift_left3A_283, %and3A_286 : vector<16xi32>
    %swap3A_288 = arith.constant 1 : i32
    %swap3A_289 = arith.index_cast %swap3A_288 : i32 to index
    %swap3A_290 = arith.constant 80 : index
    %swap3A_291 = tpu.vector_load %arg9[%swap3A_289, %swap3A_290] {strides = array<i32>} : memref<4x128xi32, #tpu.memory_space<vmem>>, vector<1x16xi32>,
    %swap3A_292 = vector.shape_cast %swap3A_291 : vector<1x16xi32> to vector<16xi32>
    %swap3A_293 = vector.shape_cast %or3A_287 : vector<16xi32> to vector<1x16xi32>
    tpu.vector_store %arg9[%swap3A_289, %swap3A_290], %swap3A_293 {strides = array<i32>} : memref<4x128xi32, #tpu.memory_space<vmem>>, vector<1x16xi32>,
    %get3A_294 = arith.constant 1 : i32
    %get3A_295 = arith.index_cast %get3A_294 : i32 to index
    %get3A_296 = arith.constant 96 : index
    %get3A_297 = tpu.vector_load %arg8[%get3A_295, %get3A_296] {strides = array<i32>} : memref<4x128xi32, #tpu.memory_space<vmem>>, vector<1x16xi32>,
    %get3A_298 = vector.shape_cast %get3A_297 : vector<1x16xi32> to vector<16xi32>
    %shift_right_logical3A_299 = arith.constant 13 : i32
    %shift_right_logical3A_300 = vector.broadcast %shift_right_logical3A_299 : i32 to vector<16xi32>
    %shift_right_logical3A_301 = arith.shrui %get3A_298, %shift_right_logical3A_300 : vector<16xi32>
    %shift_left3A_302 = arith.constant 11 : i32
    %shift_left3A_303 = vector.broadcast %shift_left3A_302 : i32 to vector<16xi32>
    %shift_left3A_304 = arith.shli %shift_right_logical3A_301, %shift_left3A_303 : vector<16xi32>
    %and3A_305 = arith.constant 2047 : i32
    %and3A_306 = vector.broadcast %and3A_305 : i32 to vector<16xi32>
    %and3A_307 = arith.andi %get3A_298, %and3A_306 : vector<16xi32>
    %or3A_308 = arith.ori %shift_left3A_304, %and3A_307 : vector<16xi32>
    %swap3A_309 = arith.constant 1 : i32
    %swap3A_310 = arith.index_cast %swap3A_309 : i32 to index
    %swap3A_311 = arith.constant 96 : index
    %swap3A_312 = tpu.vector_load %arg9[%swap3A_310, %swap3A_311] {strides = array<i32>} : memref<4x128xi32, #tpu.memory_space<vmem>>, vector<1x16xi32>,
    %swap3A_313 = vector.shape_cast %swap3A_312 : vector<1x16xi32> to vector<16xi32>
    %swap3A_314 = vector.shape_cast %or3A_308 : vector<16xi32> to vector<1x16xi32>
    tpu.vector_store %arg9[%swap3A_310, %swap3A_311], %swap3A_314 {strides = array<i32>} : memref<4x128xi32, #tpu.memory_space<vmem>>, vector<1x16xi32>,
    %get3A_315 = arith.constant 1 : i32
    %get3A_316 = arith.index_cast %get3A_315 : i32 to index
    %get3A_317 = arith.constant 112 : index
    %get3A_318 = tpu.vector_load %arg8[%get3A_316, %get3A_317] {strides = array<i32>} : memref<4x128xi32, #tpu.memory_space<vmem>>, vector<1x16xi32>,
    %get3A_319 = vector.shape_cast %get3A_318 : vector<1x16xi32> to vector<16xi32>
    %shift_right_logical3A_320 = arith.constant 13 : i32
    %shift_right_logical3A_321 = vector.broadcast %shift_right_logical3A_320 : i32 to vector<16xi32>
    %shift_right_logical3A_322 = arith.shrui %get3A_319, %shift_right_logical3A_321 : vector<16xi32>
    %shift_left3A_323 = arith.constant 11 : i32
    %shift_left3A_324 = vector.broadcast %shift_left3A_323 : i32 to vector<16xi32>
    %shift_left3A_325 = arith.shli %shift_right_logical3A_322, %shift_left3A_324 : vector<16xi32>
    %and3A_326 = arith.constant 2047 : i32
    %and3A_327 = vector.broadcast %and3A_326 : i32 to vector<16xi32>
    %and3A_328 = arith.andi %get3A_319, %and3A_327 : vector<16xi32>
    %or3A_329 = arith.ori %shift_left3A_325, %and3A_328 : vector<16xi32>
    %swap3A_330 = arith.constant 1 : i32
    %swap3A_331 = arith.index_cast %swap3A_330 : i32 to index
    %swap3A_332 = arith.constant 112 : index
    %swap3A_333 = tpu.vector_load %arg9[%swap3A_331, %swap3A_332] {strides = array<i32>} : memref<4x128xi32, #tpu.memory_space<vmem>>, vector<1x16xi32>,
    %swap3A_334 = vector.shape_cast %swap3A_333 : vector<1x16xi32> to vector<16xi32>
    %swap3A_335 = vector.shape_cast %or3A_329 : vector<16xi32> to vector<1x16xi32>
    tpu.vector_store %arg9[%swap3A_331, %swap3A_332], %swap3A_335 {strides = array<i32>} : memref<4x128xi32, #tpu.memory_space<vmem>>, vector<1x16xi32>,
    %get3A_336 = arith.constant 2 : i32
    %get3A_337 = arith.index_cast %get3A_336 : i32 to index
    %get3A_338 = arith.constant 0 : index
    %get3A_339 = tpu.vector_load %arg8[%get3A_337, %get3A_338] {strides = array<i32>} : memref<4x128xi32, #tpu.memory_space<vmem>>, vector<1x16xi32>,
    %get3A_340 = vector.shape_cast %get3A_339 : vector<1x16xi32> to vector<16xi32>
    %shift_right_logical3A_341 = arith.constant 13 : i32
    %shift_right_logical3A_342 = vector.broadcast %shift_right_logical3A_341 : i32 to vector<16xi32>
    %shift_right_logical3A_343 = arith.shrui %get3A_340, %shift_right_logical3A_342 : vector<16xi32>
    %shift_left3A_344 = arith.constant 11 : i32
    %shift_left3A_345 = vector.broadcast %shift_left3A_344 : i32 to vector<16xi32>
    %shift_left3A_346 = arith.shli %shift_right_logical3A_343, %shift_left3A_345 : vector<16xi32>
    %and3A_347 = arith.constant 2047 : i32
    %and3A_348 = vector.broadcast %and3A_347 : i32 to vector<16xi32>
    %and3A_349 = arith.andi %get3A_340, %and3A_348 : vector<16xi32>
    %or3A_350 = arith.ori %shift_left3A_346, %and3A_349 : vector<16xi32>
    %swap3A_351 = arith.constant 2 : i32
    %swap3A_352 = arith.index_cast %swap3A_351 : i32 to index
    %swap3A_353 = arith.constant 0 : index
    %swap3A_354 = tpu.vector_load %arg9[%swap3A_352, %swap3A_353] {strides = array<i32>} : memref<4x128xi32, #tpu.memory_space<vmem>>, vector<1x16xi32>,
    %swap3A_355 = vector.shape_cast %swap3A_354 : vector<1x16xi32> to vector<16xi32>
    %swap3A_356 = vector.shape_cast %or3A_350 : vector<16xi32> to vector<1x16xi32>
    tpu.vector_store %arg9[%swap3A_352, %swap3A_353], %swap3A_356 {strides = array<i32>} : memref<4x128xi32, #tpu.memory_space<vmem>>, vector<1x16xi32>,
    %get3A_357 = arith.constant 2 : i32
    %get3A_358 = arith.index_cast %get3A_357 : i32 to index
    %get3A_359 = arith.constant 16 : index
    %get3A_360 = tpu.vector_load %arg8[%get3A_358, %get3A_359] {strides = array<i32>} : memref<4x128xi32, #tpu.memory_space<vmem>>, vector<1x16xi32>,
    %get3A_361 = vector.shape_cast %get3A_360 : vector<1x16xi32> to vector<16xi32>
    %shift_right_logical3A_362 = arith.constant 13 : i32
    %shift_right_logical3A_363 = vector.broadcast %shift_right_logical3A_362 : i32 to vector<16xi32>
    %shift_right_logical3A_364 = arith.shrui %get3A_361, %shift_right_logical3A_363 : vector<16xi32>
    %shift_left3A_365 = arith.constant 11 : i32
    %shift_left3A_366 = vector.broadcast %shift_left3A_365 : i32 to vector<16xi32>
    %shift_left3A_367 = arith.shli %shift_right_logical3A_364, %shift_left3A_366 : vector<16xi32>
    %and3A_368 = arith.constant 2047 : i32
    %and3A_369 = vector.broadcast %and3A_368 : i32 to vector<16xi32>
    %and3A_370 = arith.andi %get3A_361, %and3A_369 : vector<16xi32>
    %or3A_371 = arith.ori %shift_left3A_367, %and3A_370 : vector<16xi32>
    %swap3A_372 = arith.constant 2 : i32
    %swap3A_373 = arith.index_cast %swap3A_372 : i32 to index
    %swap3A_374 = arith.constant 16 : index
    %swap3A_375 = tpu.vector_load %arg9[%swap3A_373, %swap3A_374] {strides = array<i32>} : memref<4x128xi32, #tpu.memory_space<vmem>>, vector<1x16xi32>,
    %swap3A_376 = vector.shape_cast %swap3A_375 : vector<1x16xi32> to vector<16xi32>
    %swap3A_377 = vector.shape_cast %or3A_371 : vector<16xi32> to vector<1x16xi32>
    tpu.vector_store %arg9[%swap3A_373, %swap3A_374], %swap3A_377 {strides = array<i32>} : memref<4x128xi32, #tpu.memory_space<vmem>>, vector<1x16xi32>,
    %get3A_378 = arith.constant 2 : i32
    %get3A_379 = arith.index_cast %get3A_378 : i32 to index
    %get3A_380 = arith.constant 32 : index
    %get3A_381 = tpu.vector_load %arg8[%get3A_379, %get3A_380] {strides = array<i32>} : memref<4x128xi32, #tpu.memory_space<vmem>>, vector<1x16xi32>,
    %get3A_382 = vector.shape_cast %get3A_381 : vector<1x16xi32> to vector<16xi32>
    %shift_right_logical3A_383 = arith.constant 13 : i32
    %shift_right_logical3A_384 = vector.broadcast %shift_right_logical3A_383 : i32 to vector<16xi32>
    %shift_right_logical3A_385 = arith.shrui %get3A_382, %shift_right_logical3A_384 : vector<16xi32>
    %shift_left3A_386 = arith.constant 11 : i32
    %shift_left3A_387 = vector.broadcast %shift_left3A_386 : i32 to vector<16xi32>
    %shift_left3A_388 = arith.shli %shift_right_logical3A_385, %shift_left3A_387 : vector<16xi32>
    %and3A_389 = arith.constant 2047 : i32
    %and3A_390 = vector.broadcast %and3A_389 : i32 to vector<16xi32>
    %and3A_391 = arith.andi %get3A_382, %and3A_390 : vector<16xi32>
    %or3A_392 = arith.ori %shift_left3A_388, %and3A_391 : vector<16xi32>
    %swap3A_393 = arith.constant 2 : i32
    %swap3A_394 = arith.index_cast %swap3A_393 : i32 to index
    %swap3A_395 = arith.constant 32 : index
    %swap3A_396 = tpu.vector_load %arg9[%swap3A_394, %swap3A_395] {strides = array<i32>} : memref<4x128xi32, #tpu.memory_space<vmem>>, vector<1x16xi32>,
    %swap3A_397 = vector.shape_cast %swap3A_396 : vector<1x16xi32> to vector<16xi32>
    %swap3A_398 = vector.shape_cast %or3A_392 : vector<16xi32> to vector<1x16xi32>
    tpu.vector_store %arg9[%swap3A_394, %swap3A_395], %swap3A_398 {strides = array<i32>} : memref<4x128xi32, #tpu.memory_space<vmem>>, vector<1x16xi32>,
    %get3A_399 = arith.constant 2 : i32
    %get3A_400 = arith.index_cast %get3A_399 : i32 to index
    %get3A_401 = arith.constant 48 : index
    %get3A_402 = tpu.vector_load %arg8[%get3A_400, %get3A_401] {strides = array<i32>} : memref<4x128xi32, #tpu.memory_space<vmem>>, vector<1x16xi32>,
    %get3A_403 = vector.shape_cast %get3A_402 : vector<1x16xi32> to vector<16xi32>
    %shift_right_logical3A_404 = arith.constant 13 : i32
    %shift_right_logical3A_405 = vector.broadcast %shift_right_logical3A_404 : i32 to vector<16xi32>
    %shift_right_logical3A_406 = arith.shrui %get3A_403, %shift_right_logical3A_405 : vector<16xi32>
    %shift_left3A_407 = arith.constant 11 : i32
    %shift_left3A_408 = vector.broadcast %shift_left3A_407 : i32 to vector<16xi32>
    %shift_left3A_409 = arith.shli %shift_right_logical3A_406, %shift_left3A_408 : vector<16xi32>
    %and3A_410 = arith.constant 2047 : i32
    %and3A_411 = vector.broadcast %and3A_410 : i32 to vector<16xi32>
    %and3A_412 = arith.andi %get3A_403, %and3A_411 : vector<16xi32>
    %or3A_413 = arith.ori %shift_left3A_409, %and3A_412 : vector<16xi32>
    %swap3A_414 = arith.constant 2 : i32
    %swap3A_415 = arith.index_cast %swap3A_414 : i32 to index
    %swap3A_416 = arith.constant 48 : index
    %swap3A_417 = tpu.vector_load %arg9[%swap3A_415, %swap3A_416] {strides = array<i32>} : memref<4x128xi32, #tpu.memory_space<vmem>>, vector<1x16xi32>,
    %swap3A_418 = vector.shape_cast %swap3A_417 : vector<1x16xi32> to vector<16xi32>
    %swap3A_419 = vector.shape_cast %or3A_413 : vector<16xi32> to vector<1x16xi32>
    tpu.vector_store %arg9[%swap3A_415, %swap3A_416], %swap3A_419 {strides = array<i32>} : memref<4x128xi32, #tpu.memory_space<vmem>>, vector<1x16xi32>,
    %get3A_420 = arith.constant 2 : i32
    %get3A_421 = arith.index_cast %get3A_420 : i32 to index
    %get3A_422 = arith.constant 64 : index
    %get3A_423 = tpu.vector_load %arg8[%get3A_421, %get3A_422] {strides = array<i32>} : memref<4x128xi32, #tpu.memory_space<vmem>>, vector<1x16xi32>,
    %get3A_424 = vector.shape_cast %get3A_423 : vector<1x16xi32> to vector<16xi32>
    %shift_right_logical3A_425 = arith.constant 13 : i32
    %shift_right_logical3A_426 = vector.broadcast %shift_right_logical3A_425 : i32 to vector<16xi32>
    %shift_right_logical3A_427 = arith.shrui %get3A_424, %shift_right_logical3A_426 : vector<16xi32>
    %shift_left3A_428 = arith.constant 11 : i32
    %shift_left3A_429 = vector.broadcast %shift_left3A_428 : i32 to vector<16xi32>
    %shift_left3A_430 = arith.shli %shift_right_logical3A_427, %shift_left3A_429 : vector<16xi32>
    %and3A_431 = arith.constant 2047 : i32
    %and3A_432 = vector.broadcast %and3A_431 : i32 to vector<16xi32>
    %and3A_433 = arith.andi %get3A_424, %and3A_432 : vector<16xi32>
    %or3A_434 = arith.ori %shift_left3A_430, %and3A_433 : vector<16xi32>
    %swap3A_435 = arith.constant 2 : i32
    %swap3A_436 = arith.index_cast %swap3A_435 : i32 to index
    %swap3A_437 = arith.constant 64 : index
    %swap3A_438 = tpu.vector_load %arg9[%swap3A_436, %swap3A_437] {strides = array<i32>} : memref<4x128xi32, #tpu.memory_space<vmem>>, vector<1x16xi32>,
    %swap3A_439 = vector.shape_cast %swap3A_438 : vector<1x16xi32> to vector<16xi32>
    %swap3A_440 = vector.shape_cast %or3A_434 : vector<16xi32> to vector<1x16xi32>
    tpu.vector_store %arg9[%swap3A_436, %swap3A_437], %swap3A_440 {strides = array<i32>} : memref<4x128xi32, #tpu.memory_space<vmem>>, vector<1x16xi32>,
    %get3A_441 = arith.constant 2 : i32
    %get3A_442 = arith.index_cast %get3A_441 : i32 to index
    %get3A_443 = arith.constant 80 : index
    %get3A_444 = tpu.vector_load %arg8[%get3A_442, %get3A_443] {strides = array<i32>} : memref<4x128xi32, #tpu.memory_space<vmem>>, vector<1x16xi32>,
    %get3A_445 = vector.shape_cast %get3A_444 : vector<1x16xi32> to vector<16xi32>
    %shift_right_logical3A_446 = arith.constant 13 : i32
    %shift_right_logical3A_447 = vector.broadcast %shift_right_logical3A_446 : i32 to vector<16xi32>
    %shift_right_logical3A_448 = arith.shrui %get3A_445, %shift_right_logical3A_447 : vector<16xi32>
    %shift_left3A_449 = arith.constant 11 : i32
    %shift_left3A_450 = vector.broadcast %shift_left3A_449 : i32 to vector<16xi32>
    %shift_left3A_451 = arith.shli %shift_right_logical3A_448, %shift_left3A_450 : vector<16xi32>
    %and3A_452 = arith.constant 2047 : i32
    %and3A_453 = vector.broadcast %and3A_452 : i32 to vector<16xi32>
    %and3A_454 = arith.andi %get3A_445, %and3A_453 : vector<16xi32>
    %or3A_455 = arith.ori %shift_left3A_451, %and3A_454 : vector<16xi32>
    %swap3A_456 = arith.constant 2 : i32
    %swap3A_457 = arith.index_cast %swap3A_456 : i32 to index
    %swap3A_458 = arith.constant 80 : index
    %swap3A_459 = tpu.vector_load %arg9[%swap3A_457, %swap3A_458] {strides = array<i32>} : memref<4x128xi32, #tpu.memory_space<vmem>>, vector<1x16xi32>,
    %swap3A_460 = vector.shape_cast %swap3A_459 : vector<1x16xi32> to vector<16xi32>
    %swap3A_461 = vector.shape_cast %or3A_455 : vector<16xi32> to vector<1x16xi32>
    tpu.vector_store %arg9[%swap3A_457, %swap3A_458], %swap3A_461 {strides = array<i32>} : memref<4x128xi32, #tpu.memory_space<vmem>>, vector<1x16xi32>,
    %get3A_462 = arith.constant 2 : i32
    %get3A_463 = arith.index_cast %get3A_462 : i32 to index
    %get3A_464 = arith.constant 96 : index
    %get3A_465 = tpu.vector_load %arg8[%get3A_463, %get3A_464] {strides = array<i32>} : memref<4x128xi32, #tpu.memory_space<vmem>>, vector<1x16xi32>,
    %get3A_466 = vector.shape_cast %get3A_465 : vector<1x16xi32> to vector<16xi32>
    %shift_right_logical3A_467 = arith.constant 13 : i32
    %shift_right_logical3A_468 = vector.broadcast %shift_right_logical3A_467 : i32 to vector<16xi32>
    %shift_right_logical3A_469 = arith.shrui %get3A_466, %shift_right_logical3A_468 : vector<16xi32>
    %shift_left3A_470 = arith.constant 11 : i32
    %shift_left3A_471 = vector.broadcast %shift_left3A_470 : i32 to vector<16xi32>
    %shift_left3A_472 = arith.shli %shift_right_logical3A_469, %shift_left3A_471 : vector<16xi32>
    %and3A_473 = arith.constant 2047 : i32
    %and3A_474 = vector.broadcast %and3A_473 : i32 to vector<16xi32>
    %and3A_475 = arith.andi %get3A_466, %and3A_474 : vector<16xi32>
    %or3A_476 = arith.ori %shift_left3A_472, %and3A_475 : vector<16xi32>
    %swap3A_477 = arith.constant 2 : i32
    %swap3A_478 = arith.index_cast %swap3A_477 : i32 to index
    %swap3A_479 = arith.constant 96 : index
    %swap3A_480 = tpu.vector_load %arg9[%swap3A_478, %swap3A_479] {strides = array<i32>} : memref<4x128xi32, #tpu.memory_space<vmem>>, vector<1x16xi32>,
    %swap3A_481 = vector.shape_cast %swap3A_480 : vector<1x16xi32> to vector<16xi32>
    %swap3A_482 = vector.shape_cast %or3A_476 : vector<16xi32> to vector<1x16xi32>
    tpu.vector_store %arg9[%swap3A_478, %swap3A_479], %swap3A_482 {strides = array<i32>} : memref<4x128xi32, #tpu.memory_space<vmem>>, vector<1x16xi32>,
    %get3A_483 = arith.constant 2 : i32
    %get3A_484 = arith.index_cast %get3A_483 : i32 to index
    %get3A_485 = arith.constant 112 : index
    %get3A_486 = tpu.vector_load %arg8[%get3A_484, %get3A_485] {strides = array<i32>} : memref<4x128xi32, #tpu.memory_space<vmem>>, vector<1x16xi32>,
    %get3A_487 = vector.shape_cast %get3A_486 : vector<1x16xi32> to vector<16xi32>
    %shift_right_logical3A_488 = arith.constant 13 : i32
    %shift_right_logical3A_489 = vector.broadcast %shift_right_logical3A_488 : i32 to vector<16xi32>
    %shift_right_logical3A_490 = arith.shrui %get3A_487, %shift_right_logical3A_489 : vector<16xi32>
    %shift_left3A_491 = arith.constant 11 : i32
    %shift_left3A_492 = vector.broadcast %shift_left3A_491 : i32 to vector<16xi32>
    %shift_left3A_493 = arith.shli %shift_right_logical3A_490, %shift_left3A_492 : vector<16xi32>
    %and3A_494 = arith.constant 2047 : i32
    %and3A_495 = vector.broadcast %and3A_494 : i32 to vector<16xi32>
    %and3A_496 = arith.andi %get3A_487, %and3A_495 : vector<16xi32>
    %or3A_497 = arith.ori %shift_left3A_493, %and3A_496 : vector<16xi32>
    %swap3A_498 = arith.constant 2 : i32
    %swap3A_499 = arith.index_cast %swap3A_498 : i32 to index
    %swap3A_500 = arith.constant 112 : index
    %swap3A_501 = tpu.vector_load %arg9[%swap3A_499, %swap3A_500] {strides = array<i32>} : memref<4x128xi32, #tpu.memory_space<vmem>>, vector<1x16xi32>,
    %swap3A_502 = vector.shape_cast %swap3A_501 : vector<1x16xi32> to vector<16xi32>
    %swap3A_503 = vector.shape_cast %or3A_497 : vector<16xi32> to vector<1x16xi32>
    tpu.vector_store %arg9[%swap3A_499, %swap3A_500], %swap3A_503 {strides = array<i32>} : memref<4x128xi32, #tpu.memory_space<vmem>>, vector<1x16xi32>,
    %get3A_504 = arith.constant 3 : i32
    %get3A_505 = arith.index_cast %get3A_504 : i32 to index
    %get3A_506 = arith.constant 0 : index
    %get3A_507 = tpu.vector_load %arg8[%get3A_505, %get3A_506] {strides = array<i32>} : memref<4x128xi32, #tpu.memory_space<vmem>>, vector<1x16xi32>,
    %get3A_508 = vector.shape_cast %get3A_507 : vector<1x16xi32> to vector<16xi32>
    %shift_right_logical3A_509 = arith.constant 13 : i32
    %shift_right_logical3A_510 = vector.broadcast %shift_right_logical3A_509 : i32 to vector<16xi32>
    %shift_right_logical3A_511 = arith.shrui %get3A_508, %shift_right_logical3A_510 : vector<16xi32>
    %shift_left3A_512 = arith.constant 11 : i32
    %shift_left3A_513 = vector.broadcast %shift_left3A_512 : i32 to vector<16xi32>
    %shift_left3A_514 = arith.shli %shift_right_logical3A_511, %shift_left3A_513 : vector<16xi32>
    %and3A_515 = arith.constant 2047 : i32
    %and3A_516 = vector.broadcast %and3A_515 : i32 to vector<16xi32>
    %and3A_517 = arith.andi %get3A_508, %and3A_516 : vector<16xi32>
    %or3A_518 = arith.ori %shift_left3A_514, %and3A_517 : vector<16xi32>
    %swap3A_519 = arith.constant 3 : i32
    %swap3A_520 = arith.index_cast %swap3A_519 : i32 to index
    %swap3A_521 = arith.constant 0 : index
    %swap3A_522 = tpu.vector_load %arg9[%swap3A_520, %swap3A_521] {strides = array<i32>} : memref<4x128xi32, #tpu.memory_space<vmem>>, vector<1x16xi32>,
    %swap3A_523 = vector.shape_cast %swap3A_522 : vector<1x16xi32> to vector<16xi32>
    %swap3A_524 = vector.shape_cast %or3A_518 : vector<16xi32> to vector<1x16xi32>
    tpu.vector_store %arg9[%swap3A_520, %swap3A_521], %swap3A_524 {strides = array<i32>} : memref<4x128xi32, #tpu.memory_space<vmem>>, vector<1x16xi32>,
    %get3A_525 = arith.constant 3 : i32
    %get3A_526 = arith.index_cast %get3A_525 : i32 to index
    %get3A_527 = arith.constant 16 : index
    %get3A_528 = tpu.vector_load %arg8[%get3A_526, %get3A_527] {strides = array<i32>} : memref<4x128xi32, #tpu.memory_space<vmem>>, vector<1x16xi32>,
    %get3A_529 = vector.shape_cast %get3A_528 : vector<1x16xi32> to vector<16xi32>
    %shift_right_logical3A_530 = arith.constant 13 : i32
    %shift_right_logical3A_531 = vector.broadcast %shift_right_logical3A_530 : i32 to vector<16xi32>
    %shift_right_logical3A_532 = arith.shrui %get3A_529, %shift_right_logical3A_531 : vector<16xi32>
    %shift_left3A_533 = arith.constant 11 : i32
    %shift_left3A_534 = vector.broadcast %shift_left3A_533 : i32 to vector<16xi32>
    %shift_left3A_535 = arith.shli %shift_right_logical3A_532, %shift_left3A_534 : vector<16xi32>
    %and3A_536 = arith.constant 2047 : i32
    %and3A_537 = vector.broadcast %and3A_536 : i32 to vector<16xi32>
    %and3A_538 = arith.andi %get3A_529, %and3A_537 : vector<16xi32>
    %or3A_539 = arith.ori %shift_left3A_535, %and3A_538 : vector<16xi32>
    %swap3A_540 = arith.constant 3 : i32
    %swap3A_541 = arith.index_cast %swap3A_540 : i32 to index
    %swap3A_542 = arith.constant 16 : index
    %swap3A_543 = tpu.vector_load %arg9[%swap3A_541, %swap3A_542] {strides = array<i32>} : memref<4x128xi32, #tpu.memory_space<vmem>>, vector<1x16xi32>,
    %swap3A_544 = vector.shape_cast %swap3A_543 : vector<1x16xi32> to vector<16xi32>
    %swap3A_545 = vector.shape_cast %or3A_539 : vector<16xi32> to vector<1x16xi32>
    tpu.vector_store %arg9[%swap3A_541, %swap3A_542], %swap3A_545 {strides = array<i32>} : memref<4x128xi32, #tpu.memory_space<vmem>>, vector<1x16xi32>,
    %get3A_546 = arith.constant 3 : i32
    %get3A_547 = arith.index_cast %get3A_546 : i32 to index
    %get3A_548 = arith.constant 32 : index
    %get3A_549 = tpu.vector_load %arg8[%get3A_547, %get3A_548] {strides = array<i32>} : memref<4x128xi32, #tpu.memory_space<vmem>>, vector<1x16xi32>,
    %get3A_550 = vector.shape_cast %get3A_549 : vector<1x16xi32> to vector<16xi32>
    %shift_right_logical3A_551 = arith.constant 13 : i32
    %shift_right_logical3A_552 = vector.broadcast %shift_right_logical3A_551 : i32 to vector<16xi32>
    %shift_right_logical3A_553 = arith.shrui %get3A_550, %shift_right_logical3A_552 : vector<16xi32>
    %shift_left3A_554 = arith.constant 11 : i32
    %shift_left3A_555 = vector.broadcast %shift_left3A_554 : i32 to vector<16xi32>
    %shift_left3A_556 = arith.shli %shift_right_logical3A_553, %shift_left3A_555 : vector<16xi32>
    %and3A_557 = arith.constant 2047 : i32
    %and3A_558 = vector.broadcast %and3A_557 : i32 to vector<16xi32>
    %and3A_559 = arith.andi %get3A_550, %and3A_558 : vector<16xi32>
    %or3A_560 = arith.ori %shift_left3A_556, %and3A_559 : vector<16xi32>
    %swap3A_561 = arith.constant 3 : i32
    %swap3A_562 = arith.index_cast %swap3A_561 : i32 to index
    %swap3A_563 = arith.constant 32 : index
    %swap3A_564 = tpu.vector_load %arg9[%swap3A_562, %swap3A_563] {strides = array<i32>} : memref<4x128xi32, #tpu.memory_space<vmem>>, vector<1x16xi32>,
    %swap3A_565 = vector.shape_cast %swap3A_564 : vector<1x16xi32> to vector<16xi32>
    %swap3A_566 = vector.shape_cast %or3A_560 : vector<16xi32> to vector<1x16xi32>
    tpu.vector_store %arg9[%swap3A_562, %swap3A_563], %swap3A_566 {strides = array<i32>} : memref<4x128xi32, #tpu.memory_space<vmem>>, vector<1x16xi32>,
    %get3A_567 = arith.constant 3 : i32
    %get3A_568 = arith.index_cast %get3A_567 : i32 to index
    %get3A_569 = arith.constant 48 : index
    %get3A_570 = tpu.vector_load %arg8[%get3A_568, %get3A_569] {strides = array<i32>} : memref<4x128xi32, #tpu.memory_space<vmem>>, vector<1x16xi32>,
    %get3A_571 = vector.shape_cast %get3A_570 : vector<1x16xi32> to vector<16xi32>
    %shift_right_logical3A_572 = arith.constant 13 : i32
    %shift_right_logical3A_573 = vector.broadcast %shift_right_logical3A_572 : i32 to vector<16xi32>
    %shift_right_logical3A_574 = arith.shrui %get3A_571, %shift_right_logical3A_573 : vector<16xi32>
    %shift_left3A_575 = arith.constant 11 : i32
    %shift_left3A_576 = vector.broadcast %shift_left3A_575 : i32 to vector<16xi32>
    %shift_left3A_577 = arith.shli %shift_right_logical3A_574, %shift_left3A_576 : vector<16xi32>
    %and3A_578 = arith.constant 2047 : i32
    %and3A_579 = vector.broadcast %and3A_578 : i32 to vector<16xi32>
    %and3A_580 = arith.andi %get3A_571, %and3A_579 : vector<16xi32>
    %or3A_581 = arith.ori %shift_left3A_577, %and3A_580 : vector<16xi32>
    %swap3A_582 = arith.constant 3 : i32
    %swap3A_583 = arith.index_cast %swap3A_582 : i32 to index
    %swap3A_584 = arith.constant 48 : index
    %swap3A_585 = tpu.vector_load %arg9[%swap3A_583, %swap3A_584] {strides = array<i32>} : memref<4x128xi32, #tpu.memory_space<vmem>>, vector<1x16xi32>,
    %swap3A_586 = vector.shape_cast %swap3A_585 : vector<1x16xi32> to vector<16xi32>
    %swap3A_587 = vector.shape_cast %or3A_581 : vector<16xi32> to vector<1x16xi32>
    tpu.vector_store %arg9[%swap3A_583, %swap3A_584], %swap3A_587 {strides = array<i32>} : memref<4x128xi32, #tpu.memory_space<vmem>>, vector<1x16xi32>,
    %get3A_588 = arith.constant 3 : i32
    %get3A_589 = arith.index_cast %get3A_588 : i32 to index
    %get3A_590 = arith.constant 64 : index
    %get3A_591 = tpu.vector_load %arg8[%get3A_589, %get3A_590] {strides = array<i32>} : memref<4x128xi32, #tpu.memory_space<vmem>>, vector<1x16xi32>,
    %get3A_592 = vector.shape_cast %get3A_591 : vector<1x16xi32> to vector<16xi32>
    %shift_right_logical3A_593 = arith.constant 13 : i32
    %shift_right_logical3A_594 = vector.broadcast %shift_right_logical3A_593 : i32 to vector<16xi32>
    %shift_right_logical3A_595 = arith.shrui %get3A_592, %shift_right_logical3A_594 : vector<16xi32>
    %shift_left3A_596 = arith.constant 11 : i32
    %shift_left3A_597 = vector.broadcast %shift_left3A_596 : i32 to vector<16xi32>
    %shift_left3A_598 = arith.shli %shift_right_logical3A_595, %shift_left3A_597 : vector<16xi32>
    %and3A_599 = arith.constant 2047 : i32
    %and3A_600 = vector.broadcast %and3A_599 : i32 to vector<16xi32>
    %and3A_601 = arith.andi %get3A_592, %and3A_600 : vector<16xi32>
    %or3A_602 = arith.ori %shift_left3A_598, %and3A_601 : vector<16xi32>
    %swap3A_603 = arith.constant 3 : i32
    %swap3A_604 = arith.index_cast %swap3A_603 : i32 to index
    %swap3A_605 = arith.constant 64 : index
    %swap3A_606 = tpu.vector_load %arg9[%swap3A_604, %swap3A_605] {strides = array<i32>} : memref<4x128xi32, #tpu.memory_space<vmem>>, vector<1x16xi32>,
    %swap3A_607 = vector.shape_cast %swap3A_606 : vector<1x16xi32> to vector<16xi32>
    %swap3A_608 = vector.shape_cast %or3A_602 : vector<16xi32> to vector<1x16xi32>
    tpu.vector_store %arg9[%swap3A_604, %swap3A_605], %swap3A_608 {strides = array<i32>} : memref<4x128xi32, #tpu.memory_space<vmem>>, vector<1x16xi32>,
    %get3A_609 = arith.constant 3 : i32
    %get3A_610 = arith.index_cast %get3A_609 : i32 to index
    %get3A_611 = arith.constant 80 : index
    %get3A_612 = tpu.vector_load %arg8[%get3A_610, %get3A_611] {strides = array<i32>} : memref<4x128xi32, #tpu.memory_space<vmem>>, vector<1x16xi32>,
    %get3A_613 = vector.shape_cast %get3A_612 : vector<1x16xi32> to vector<16xi32>
    %shift_right_logical3A_614 = arith.constant 13 : i32
    %shift_right_logical3A_615 = vector.broadcast %shift_right_logical3A_614 : i32 to vector<16xi32>
    %shift_right_logical3A_616 = arith.shrui %get3A_613, %shift_right_logical3A_615 : vector<16xi32>
    %shift_left3A_617 = arith.constant 11 : i32
    %shift_left3A_618 = vector.broadcast %shift_left3A_617 : i32 to vector<16xi32>
    %shift_left3A_619 = arith.shli %shift_right_logical3A_616, %shift_left3A_618 : vector<16xi32>
    %and3A_620 = arith.constant 2047 : i32
    %and3A_621 = vector.broadcast %and3A_620 : i32 to vector<16xi32>
    %and3A_622 = arith.andi %get3A_613, %and3A_621 : vector<16xi32>
    %or3A_623 = arith.ori %shift_left3A_619, %and3A_622 : vector<16xi32>
    %swap3A_624 = arith.constant 3 : i32
    %swap3A_625 = arith.index_cast %swap3A_624 : i32 to index
    %swap3A_626 = arith.constant 80 : index
    %swap3A_627 = tpu.vector_load %arg9[%swap3A_625, %swap3A_626] {strides = array<i32>} : memref<4x128xi32, #tpu.memory_space<vmem>>, vector<1x16xi32>,
    %swap3A_628 = vector.shape_cast %swap3A_627 : vector<1x16xi32> to vector<16xi32>
    %swap3A_629 = vector.shape_cast %or3A_623 : vector<16xi32> to vector<1x16xi32>
    tpu.vector_store %arg9[%swap3A_625, %swap3A_626], %swap3A_629 {strides = array<i32>} : memref<4x128xi32, #tpu.memory_space<vmem>>, vector<1x16xi32>,
    %get3A_630 = arith.constant 3 : i32
    %get3A_631 = arith.index_cast %get3A_630 : i32 to index
    %get3A_632 = arith.constant 96 : index
    %get3A_633 = tpu.vector_load %arg8[%get3A_631, %get3A_632] {strides = array<i32>} : memref<4x128xi32, #tpu.memory_space<vmem>>, vector<1x16xi32>,
    %get3A_634 = vector.shape_cast %get3A_633 : vector<1x16xi32> to vector<16xi32>
    %shift_right_logical3A_635 = arith.constant 13 : i32
    %shift_right_logical3A_636 = vector.broadcast %shift_right_logical3A_635 : i32 to vector<16xi32>
    %shift_right_logical3A_637 = arith.shrui %get3A_634, %shift_right_logical3A_636 : vector<16xi32>
    %shift_left3A_638 = arith.constant 11 : i32
    %shift_left3A_639 = vector.broadcast %shift_left3A_638 : i32 to vector<16xi32>
    %shift_left3A_640 = arith.shli %shift_right_logical3A_637, %shift_left3A_639 : vector<16xi32>
    %and3A_641 = arith.constant 2047 : i32
    %and3A_642 = vector.broadcast %and3A_641 : i32 to vector<16xi32>
    %and3A_643 = arith.andi %get3A_634, %and3A_642 : vector<16xi32>
    %or3A_644 = arith.ori %shift_left3A_640, %and3A_643 : vector<16xi32>
    %swap3A_645 = arith.constant 3 : i32
    %swap3A_646 = arith.index_cast %swap3A_645 : i32 to index
    %swap3A_647 = arith.constant 96 : index
    %swap3A_648 = tpu.vector_load %arg9[%swap3A_646, %swap3A_647] {strides = array<i32>} : memref<4x128xi32, #tpu.memory_space<vmem>>, vector<1x16xi32>,
    %swap3A_649 = vector.shape_cast %swap3A_648 : vector<1x16xi32> to vector<16xi32>
    %swap3A_650 = vector.shape_cast %or3A_644 : vector<16xi32> to vector<1x16xi32>
    tpu.vector_store %arg9[%swap3A_646, %swap3A_647], %swap3A_650 {strides = array<i32>} : memref<4x128xi32, #tpu.memory_space<vmem>>, vector<1x16xi32>,
    %get3A_651 = arith.constant 3 : i32
    %get3A_652 = arith.index_cast %get3A_651 : i32 to index
    %get3A_653 = arith.constant 112 : index
    %get3A_654 = tpu.vector_load %arg8[%get3A_652, %get3A_653] {strides = array<i32>} : memref<4x128xi32, #tpu.memory_space<vmem>>, vector<1x16xi32>,
    %get3A_655 = vector.shape_cast %get3A_654 : vector<1x16xi32> to vector<16xi32>
    %shift_right_logical3A_656 = arith.constant 13 : i32
    %shift_right_logical3A_657 = vector.broadcast %shift_right_logical3A_656 : i32 to vector<16xi32>
    %shift_right_logical3A_658 = arith.shrui %get3A_655, %shift_right_logical3A_657 : vector<16xi32>
    %shift_left3A_659 = arith.constant 11 : i32
    %shift_left3A_660 = vector.broadcast %shift_left3A_659 : i32 to vector<16xi32>
    %shift_left3A_661 = arith.shli %shift_right_logical3A_658, %shift_left3A_660 : vector<16xi32>
    %and3A_662 = arith.constant 2047 : i32
    %and3A_663 = vector.broadcast %and3A_662 : i32 to vector<16xi32>
    %and3A_664 = arith.andi %get3A_655, %and3A_663 : vector<16xi32>
    %or3A_665 = arith.ori %shift_left3A_661, %and3A_664 : vector<16xi32>
    %swap3A_666 = arith.constant 3 : i32
    %swap3A_667 = arith.index_cast %swap3A_666 : i32 to index
    %swap3A_668 = arith.constant 112 : index
    %swap3A_669 = tpu.vector_load %arg9[%swap3A_667, %swap3A_668] {strides = array<i32>} : memref<4x128xi32, #tpu.memory_space<vmem>>, vector<1x16xi32>,
    %swap3A_670 = vector.shape_cast %swap3A_669 : vector<1x16xi32> to vector<16xi32>
    %swap3A_671 = vector.shape_cast %or3A_665 : vector<16xi32> to vector<1x16xi32>
    tpu.vector_store %arg9[%swap3A_667, %swap3A_668], %swap3A_671 {strides = array<i32>} : memref<4x128xi32, #tpu.memory_space<vmem>>, vector<1x16xi32>,
    %scan3A = arith.constant 0 : i32
    %scan3A_672 = arith.constant 4 : i32
    %scan3A_673 = arith.addi %scan3A, %scan3A_672 : i32
    %scan3A_674 = arith.constant 1 : i32
    %scan3A_675 = scf.for %scan3A_1361 = %scan3A to %scan3A_673 step %scan3A_674 iter_args(%scan3A_1362 = %broadcast_in_dim3A_5) -> (vector<16xf32>)  : i32 {
      %dma_start3A = arith.constant 0 : i32
      %dma_start3A_1363 = tpu.memref_slice %arg9[%scan3A_1361, %dma_start3A] : memref<4x128xi32, #tpu.memory_space<vmem>> -> memref<1x128xi32, #tpu.memory_space<vmem>>
      %dma_start3A_1364 = tpu.memref_squeeze %dma_start3A_1363 : memref<1x128xi32, #tpu.memory_space<vmem>> -> memref<128xi32, #tpu.memory_space<vmem>>
      %dma_start3A_1365 = arith.constant 0 : i32
      %dma_start3A_1366 = arith.constant 0 : i32
      %dma_start3A_1367 = tpu.memref_slice %arg2[%dma_start3A_1365, %dma_start3A_1366] : memref<253952x128xf32, #tpu.memory_space<hbm>> -> memref<253952x128xf32, #tpu.memory_space<hbm>>
      tpu.enqueue_indirect_dma source(%dma_start3A_1367 : memref<253952x128xf32, #tpu.memory_space<hbm>>) target(%arg10 : memref<128x128xf32, #tpu.memory_space<vmem>>) offsets(%dma_start3A_1364 : memref<128xi32, #tpu.memory_space<vmem>>) semaphore(%arg13 : memref<!tpu.dma_semaphore, #tpu.memory_space<semaphore_mem>>)
      %dma_wait3A = arith.constant 0 : i32
      %dma_wait3A_1368 = tpu.memref_slice %arg9[%scan3A_1361, %dma_wait3A] : memref<4x128xi32, #tpu.memory_space<vmem>> -> memref<1x128xi32, #tpu.memory_space<vmem>>
      %dma_wait3A_1369 = tpu.memref_squeeze %dma_wait3A_1368 : memref<1x128xi32, #tpu.memory_space<vmem>> -> memref<128xi32, #tpu.memory_space<vmem>>
      %dma_wait3A_1370 = arith.constant 0 : i32
      %dma_wait3A_1371 = arith.constant 0 : i32
      %dma_wait3A_1372 = tpu.memref_slice %arg2[%dma_wait3A_1370, %dma_wait3A_1371] : memref<253952x128xf32, #tpu.memory_space<hbm>> -> memref<253952x128xf32, #tpu.memory_space<hbm>>
      tpu.wait_indirect_dma semaphore(%arg13 : memref<!tpu.dma_semaphore, #tpu.memory_space<semaphore_mem>>) src(%dma_wait3A_1372 : memref<253952x128xf32, #tpu.memory_space<hbm>>) dst(%arg10 : memref<128x128xf32, #tpu.memory_space<vmem>>)
      %scan3A_1373 = arith.constant 0 : i32
      %scan3A_1374 = arith.constant 8 : i32
      %scan3A_1375 = arith.addi %scan3A_1373, %scan3A_1374 : i32
      %scan3A_1376 = arith.constant 1 : i32
      %scan3A_1377 = scf.for %scan3A_1382 = %scan3A_1373 to %scan3A_1375 step %scan3A_1376 iter_args(%scan3A_1383 = %scan3A_1362) -> (vector<16xf32>)  : i32 {
        %mul3A_1384 = arith.constant 16 : i32
        %mul3A_1385 = arith.muli %scan3A_1382, %mul3A_1384 : i32
        %get3A_1386 = arith.index_cast %scan3A_1361 : i32 to index
        %get3A_1387 = arith.index_cast %mul3A_1385 : i32 to index
        %get3A_1388 = tpu.vector_load %arg8[%get3A_1386, %get3A_1387] {strides = array<i32>} : memref<4x128xi32, #tpu.memory_space<vmem>>, vector<1x16xi32>,
        %get3A_1389 = vector.shape_cast %get3A_1388 : vector<1x16xi32> to vector<16xi32>
        %shift_right_logical3A_1390 = arith.constant 11 : i32
        %shift_right_logical3A_1391 = vector.broadcast %shift_right_logical3A_1390 : i32 to vector<16xi32>
        %shift_right_logical3A_1392 = arith.shrui %get3A_1389, %shift_right_logical3A_1391 : vector<16xi32>
        %and3A_1393 = arith.constant 3 : i32
        %and3A_1394 = vector.broadcast %and3A_1393 : i32 to vector<16xi32>
        %and3A_1395 = arith.andi %shift_right_logical3A_1392, %and3A_1394 : vector<16xi32>
        %mul3A_1396 = arith.constant 16 : i32
        %mul3A_1397 = arith.muli %scan3A_1382, %mul3A_1396 : i32
        %add3A_1398 = arith.constant 0 : i32
        %add3A_1399 = arith.addi %mul3A_1397, %add3A_1398 : i32
        %slice3A = vector.extract_strided_slice %and3A_1395 {offsets = [0], sizes = [1], strides = [1]} : vector<16xi32> to vector<1xi32>
        %squeeze3A = vector.extract %slice3A[0] : i32 from vector<1xi32>
        %mul3A_1400 = arith.constant 32 : i32
        %mul3A_1401 = arith.muli %squeeze3A, %mul3A_1400 : i32
        %get3A_1402 = arith.index_cast %add3A_1399 : i32 to index
        %get3A_1403 = arith.index_cast %mul3A_1401 : i32 to index
        %get3A_1404 = tpu.vector_load %arg10[%get3A_1402, %get3A_1403] {strides = array<i32>} : memref<128x128xf32, #tpu.memory_space<vmem>>, vector<1x16xf32>,
        %get3A_1405 = vector.shape_cast %get3A_1404 : vector<1x16xf32> to vector<16xf32>
        %add3A_1406 = arith.constant 16 : i32
        %add3A_1407 = arith.addi %mul3A_1401, %add3A_1406 : i32
        %get3A_1408 = arith.index_cast %add3A_1399 : i32 to index
        %get3A_1409 = arith.index_cast %add3A_1407 : i32 to index
        %get3A_1410 = tpu.vector_load %arg10[%get3A_1408, %get3A_1409] {strides = array<i32>} : memref<128x128xf32, #tpu.memory_space<vmem>>, vector<1x16xf32>,
        %get3A_1411 = vector.shape_cast %get3A_1410 : vector<1x16xf32> to vector<16xf32>
        %swap3A_1412 = arith.index_cast %add3A_1399 : i32 to index
        %swap3A_1413 = arith.constant 0 : index
        %swap3A_1414 = tpu.vector_load %arg11[%swap3A_1412, %swap3A_1413] {strides = array<i32>} : memref<128x32xf32, #tpu.memory_space<vmem>>, vector<1x16xf32>,
        %swap3A_1415 = vector.shape_cast %swap3A_1414 : vector<1x16xf32> to vector<16xf32>
        %swap3A_1416 = vector.shape_cast %get3A_1405 : vector<16xf32> to vector<1x16xf32>
        tpu.vector_store %arg11[%swap3A_1412, %swap3A_1413], %swap3A_1416 {strides = array<i32>} : memref<128x32xf32, #tpu.memory_space<vmem>>, vector<1x16xf32>,
        %swap3A_1417 = arith.index_cast %add3A_1399 : i32 to index
        %swap3A_1418 = arith.constant 16 : index
        %swap3A_1419 = tpu.vector_load %arg11[%swap3A_1417, %swap3A_1418] {strides = array<i32>} : memref<128x32xf32, #tpu.memory_space<vmem>>, vector<1x16xf32>,
        %swap3A_1420 = vector.shape_cast %swap3A_1419 : vector<1x16xf32> to vector<16xf32>
        %swap3A_1421 = vector.shape_cast %get3A_1411 : vector<16xf32> to vector<1x16xf32>
        tpu.vector_store %arg11[%swap3A_1417, %swap3A_1418], %swap3A_1421 {strides = array<i32>} : memref<128x32xf32, #tpu.memory_space<vmem>>, vector<1x16xf32>,
        %add3A_1422 = arith.addf %scan3A_1383, %get3A_1405 : vector<16xf32>
        %add3A_1423 = arith.addf %add3A_1422, %get3A_1411 : vector<16xf32>
        %mul3A_1424 = arith.constant 16 : i32
        %mul3A_1425 = arith.muli %scan3A_1382, %mul3A_1424 : i32
        %add3A_1426 = arith.constant 1 : i32
        %add3A_1427 = arith.addi %mul3A_1425, %add3A_1426 : i32
        %slice3A_1428 = vector.extract_strided_slice %and3A_1395 {offsets = [1], sizes = [1], strides = [1]} : vector<16xi32> to vector<1xi32>
        %squeeze3A_1429 = vector.extract %slice3A_1428[0] : i32 from vector<1xi32>
        %mul3A_1430 = arith.constant 32 : i32
        %mul3A_1431 = arith.muli %squeeze3A_1429, %mul3A_1430 : i32
        %get3A_1432 = arith.index_cast %add3A_1427 : i32 to index
        %get3A_1433 = arith.index_cast %mul3A_1431 : i32 to index
        %get3A_1434 = tpu.vector_load %arg10[%get3A_1432, %get3A_1433] {strides = array<i32>} : memref<128x128xf32, #tpu.memory_space<vmem>>, vector<1x16xf32>,
        %get3A_1435 = vector.shape_cast %get3A_1434 : vector<1x16xf32> to vector<16xf32>
        %add3A_1436 = arith.constant 16 : i32
        %add3A_1437 = arith.addi %mul3A_1431, %add3A_1436 : i32
        %get3A_1438 = arith.index_cast %add3A_1427 : i32 to index
        %get3A_1439 = arith.index_cast %add3A_1437 : i32 to index
        %get3A_1440 = tpu.vector_load %arg10[%get3A_1438, %get3A_1439] {strides = array<i32>} : memref<128x128xf32, #tpu.memory_space<vmem>>, vector<1x16xf32>,
        %get3A_1441 = vector.shape_cast %get3A_1440 : vector<1x16xf32> to vector<16xf32>
        %swap3A_1442 = arith.index_cast %add3A_1427 : i32 to index
        %swap3A_1443 = arith.constant 0 : index
        %swap3A_1444 = tpu.vector_load %arg11[%swap3A_1442, %swap3A_1443] {strides = array<i32>} : memref<128x32xf32, #tpu.memory_space<vmem>>, vector<1x16xf32>,
        %swap3A_1445 = vector.shape_cast %swap3A_1444 : vector<1x16xf32> to vector<16xf32>
        %swap3A_1446 = vector.shape_cast %get3A_1435 : vector<16xf32> to vector<1x16xf32>
        tpu.vector_store %arg11[%swap3A_1442, %swap3A_1443], %swap3A_1446 {strides = array<i32>} : memref<128x32xf32, #tpu.memory_space<vmem>>, vector<1x16xf32>,
        %swap3A_1447 = arith.index_cast %add3A_1427 : i32 to index
        %swap3A_1448 = arith.constant 16 : index
        %swap3A_1449 = tpu.vector_load %arg11[%swap3A_1447, %swap3A_1448] {strides = array<i32>} : memref<128x32xf32, #tpu.memory_space<vmem>>, vector<1x16xf32>,
        %swap3A_1450 = vector.shape_cast %swap3A_1449 : vector<1x16xf32> to vector<16xf32>
        %swap3A_1451 = vector.shape_cast %get3A_1441 : vector<16xf32> to vector<1x16xf32>
        tpu.vector_store %arg11[%swap3A_1447, %swap3A_1448], %swap3A_1451 {strides = array<i32>} : memref<128x32xf32, #tpu.memory_space<vmem>>, vector<1x16xf32>,
        %add3A_1452 = arith.addf %add3A_1423, %get3A_1435 : vector<16xf32>
        %add3A_1453 = arith.addf %add3A_1452, %get3A_1441 : vector<16xf32>
        %mul3A_1454 = arith.constant 16 : i32
        %mul3A_1455 = arith.muli %scan3A_1382, %mul3A_1454 : i32
        %add3A_1456 = arith.constant 2 : i32
        %add3A_1457 = arith.addi %mul3A_1455, %add3A_1456 : i32
        %slice3A_1458 = vector.extract_strided_slice %and3A_1395 {offsets = [2], sizes = [1], strides = [1]} : vector<16xi32> to vector<1xi32>
        %squeeze3A_1459 = vector.extract %slice3A_1458[0] : i32 from vector<1xi32>
        %mul3A_1460 = arith.constant 32 : i32
        %mul3A_1461 = arith.muli %squeeze3A_1459, %mul3A_1460 : i32
        %get3A_1462 = arith.index_cast %add3A_1457 : i32 to index
        %get3A_1463 = arith.index_cast %mul3A_1461 : i32 to index
        %get3A_1464 = tpu.vector_load %arg10[%get3A_1462, %get3A_1463] {strides = array<i32>} : memref<128x128xf32, #tpu.memory_space<vmem>>, vector<1x16xf32>,
        %get3A_1465 = vector.shape_cast %get3A_1464 : vector<1x16xf32> to vector<16xf32>
        %add3A_1466 = arith.constant 16 : i32
        %add3A_1467 = arith.addi %mul3A_1461, %add3A_1466 : i32
        %get3A_1468 = arith.index_cast %add3A_1457 : i32 to index
        %get3A_1469 = arith.index_cast %add3A_1467 : i32 to index
        %get3A_1470 = tpu.vector_load %arg10[%get3A_1468, %get3A_1469] {strides = array<i32>} : memref<128x128xf32, #tpu.memory_space<vmem>>, vector<1x16xf32>,
        %get3A_1471 = vector.shape_cast %get3A_1470 : vector<1x16xf32> to vector<16xf32>
        %swap3A_1472 = arith.index_cast %add3A_1457 : i32 to index
        %swap3A_1473 = arith.constant 0 : index
        %swap3A_1474 = tpu.vector_load %arg11[%swap3A_1472, %swap3A_1473] {strides = array<i32>} : memref<128x32xf32, #tpu.memory_space<vmem>>, vector<1x16xf32>,
        %swap3A_1475 = vector.shape_cast %swap3A_1474 : vector<1x16xf32> to vector<16xf32>
        %swap3A_1476 = vector.shape_cast %get3A_1465 : vector<16xf32> to vector<1x16xf32>
        tpu.vector_store %arg11[%swap3A_1472, %swap3A_1473], %swap3A_1476 {strides = array<i32>} : memref<128x32xf32, #tpu.memory_space<vmem>>, vector<1x16xf32>,
        %swap3A_1477 = arith.index_cast %add3A_1457 : i32 to index
        %swap3A_1478 = arith.constant 16 : index
        %swap3A_1479 = tpu.vector_load %arg11[%swap3A_1477, %swap3A_1478] {strides = array<i32>} : memref<128x32xf32, #tpu.memory_space<vmem>>, vector<1x16xf32>,
        %swap3A_1480 = vector.shape_cast %swap3A_1479 : vector<1x16xf32> to vector<16xf32>
        %swap3A_1481 = vector.shape_cast %get3A_1471 : vector<16xf32> to vector<1x16xf32>
        tpu.vector_store %arg11[%swap3A_1477, %swap3A_1478], %swap3A_1481 {strides = array<i32>} : memref<128x32xf32, #tpu.memory_space<vmem>>, vector<1x16xf32>,
        %add3A_1482 = arith.addf %add3A_1453, %get3A_1465 : vector<16xf32>
        %add3A_1483 = arith.addf %add3A_1482, %get3A_1471 : vector<16xf32>
        %mul3A_1484 = arith.constant 16 : i32
        %mul3A_1485 = arith.muli %scan3A_1382, %mul3A_1484 : i32
        %add3A_1486 = arith.constant 3 : i32
        %add3A_1487 = arith.addi %mul3A_1485, %add3A_1486 : i32
        %slice3A_1488 = vector.extract_strided_slice %and3A_1395 {offsets = [3], sizes = [1], strides = [1]} : vector<16xi32> to vector<1xi32>
        %squeeze3A_1489 = vector.extract %slice3A_1488[0] : i32 from vector<1xi32>
        %mul3A_1490 = arith.constant 32 : i32
        %mul3A_1491 = arith.muli %squeeze3A_1489, %mul3A_1490 : i32
        %get3A_1492 = arith.index_cast %add3A_1487 : i32 to index
        %get3A_1493 = arith.index_cast %mul3A_1491 : i32 to index
        %get3A_1494 = tpu.vector_load %arg10[%get3A_1492, %get3A_1493] {strides = array<i32>} : memref<128x128xf32, #tpu.memory_space<vmem>>, vector<1x16xf32>,
        %get3A_1495 = vector.shape_cast %get3A_1494 : vector<1x16xf32> to vector<16xf32>
        %add3A_1496 = arith.constant 16 : i32
        %add3A_1497 = arith.addi %mul3A_1491, %add3A_1496 : i32
        %get3A_1498 = arith.index_cast %add3A_1487 : i32 to index
        %get3A_1499 = arith.index_cast %add3A_1497 : i32 to index
        %get3A_1500 = tpu.vector_load %arg10[%get3A_1498, %get3A_1499] {strides = array<i32>} : memref<128x128xf32, #tpu.memory_space<vmem>>, vector<1x16xf32>,
        %get3A_1501 = vector.shape_cast %get3A_1500 : vector<1x16xf32> to vector<16xf32>
        %swap3A_1502 = arith.index_cast %add3A_1487 : i32 to index
        %swap3A_1503 = arith.constant 0 : index
        %swap3A_1504 = tpu.vector_load %arg11[%swap3A_1502, %swap3A_1503] {strides = array<i32>} : memref<128x32xf32, #tpu.memory_space<vmem>>, vector<1x16xf32>,
        %swap3A_1505 = vector.shape_cast %swap3A_1504 : vector<1x16xf32> to vector<16xf32>
        %swap3A_1506 = vector.shape_cast %get3A_1495 : vector<16xf32> to vector<1x16xf32>
        tpu.vector_store %arg11[%swap3A_1502, %swap3A_1503], %swap3A_1506 {strides = array<i32>} : memref<128x32xf32, #tpu.memory_space<vmem>>, vector<1x16xf32>,
        %swap3A_1507 = arith.index_cast %add3A_1487 : i32 to index
        %swap3A_1508 = arith.constant 16 : index
        %swap3A_1509 = tpu.vector_load %arg11[%swap3A_1507, %swap3A_1508] {strides = array<i32>} : memref<128x32xf32, #tpu.memory_space<vmem>>, vector<1x16xf32>,
        %swap3A_1510 = vector.shape_cast %swap3A_1509 : vector<1x16xf32> to vector<16xf32>
        %swap3A_1511 = vector.shape_cast %get3A_1501 : vector<16xf32> to vector<1x16xf32>
        tpu.vector_store %arg11[%swap3A_1507, %swap3A_1508], %swap3A_1511 {strides = array<i32>} : memref<128x32xf32, #tpu.memory_space<vmem>>, vector<1x16xf32>,
        %add3A_1512 = arith.addf %add3A_1483, %get3A_1495 : vector<16xf32>
        %add3A_1513 = arith.addf %add3A_1512, %get3A_1501 : vector<16xf32>
        %mul3A_1514 = arith.constant 16 : i32
        %mul3A_1515 = arith.muli %scan3A_1382, %mul3A_1514 : i32
        %add3A_1516 = arith.constant 4 : i32
        %add3A_1517 = arith.addi %mul3A_1515, %add3A_1516 : i32
        %slice3A_1518 = vector.extract_strided_slice %and3A_1395 {offsets = [4], sizes = [1], strides = [1]} : vector<16xi32> to vector<1xi32>
        %squeeze3A_1519 = vector.extract %slice3A_1518[0] : i32 from vector<1xi32>
        %mul3A_1520 = arith.constant 32 : i32
        %mul3A_1521 = arith.muli %squeeze3A_1519, %mul3A_1520 : i32
        %get3A_1522 = arith.index_cast %add3A_1517 : i32 to index
        %get3A_1523 = arith.index_cast %mul3A_1521 : i32 to index
        %get3A_1524 = tpu.vector_load %arg10[%get3A_1522, %get3A_1523] {strides = array<i32>} : memref<128x128xf32, #tpu.memory_space<vmem>>, vector<1x16xf32>,
        %get3A_1525 = vector.shape_cast %get3A_1524 : vector<1x16xf32> to vector<16xf32>
        %add3A_1526 = arith.constant 16 : i32
        %add3A_1527 = arith.addi %mul3A_1521, %add3A_1526 : i32
        %get3A_1528 = arith.index_cast %add3A_1517 : i32 to index
        %get3A_1529 = arith.index_cast %add3A_1527 : i32 to index
        %get3A_1530 = tpu.vector_load %arg10[%get3A_1528, %get3A_1529] {strides = array<i32>} : memref<128x128xf32, #tpu.memory_space<vmem>>, vector<1x16xf32>,
        %get3A_1531 = vector.shape_cast %get3A_1530 : vector<1x16xf32> to vector<16xf32>
        %swap3A_1532 = arith.index_cast %add3A_1517 : i32 to index
        %swap3A_1533 = arith.constant 0 : index
        %swap3A_1534 = tpu.vector_load %arg11[%swap3A_1532, %swap3A_1533] {strides = array<i32>} : memref<128x32xf32, #tpu.memory_space<vmem>>, vector<1x16xf32>,
        %swap3A_1535 = vector.shape_cast %swap3A_1534 : vector<1x16xf32> to vector<16xf32>
        %swap3A_1536 = vector.shape_cast %get3A_1525 : vector<16xf32> to vector<1x16xf32>
        tpu.vector_store %arg11[%swap3A_1532, %swap3A_1533], %swap3A_1536 {strides = array<i32>} : memref<128x32xf32, #tpu.memory_space<vmem>>, vector<1x16xf32>,
        %swap3A_1537 = arith.index_cast %add3A_1517 : i32 to index
        %swap3A_1538 = arith.constant 16 : index
        %swap3A_1539 = tpu.vector_load %arg11[%swap3A_1537, %swap3A_1538] {strides = array<i32>} : memref<128x32xf32, #tpu.memory_space<vmem>>, vector<1x16xf32>,
        %swap3A_1540 = vector.shape_cast %swap3A_1539 : vector<1x16xf32> to vector<16xf32>
        %swap3A_1541 = vector.shape_cast %get3A_1531 : vector<16xf32> to vector<1x16xf32>
        tpu.vector_store %arg11[%swap3A_1537, %swap3A_1538], %swap3A_1541 {strides = array<i32>} : memref<128x32xf32, #tpu.memory_space<vmem>>, vector<1x16xf32>,
        %add3A_1542 = arith.addf %add3A_1513, %get3A_1525 : vector<16xf32>
        %add3A_1543 = arith.addf %add3A_1542, %get3A_1531 : vector<16xf32>
        %mul3A_1544 = arith.constant 16 : i32
        %mul3A_1545 = arith.muli %scan3A_1382, %mul3A_1544 : i32
        %add3A_1546 = arith.constant 5 : i32
        %add3A_1547 = arith.addi %mul3A_1545, %add3A_1546 : i32
        %slice3A_1548 = vector.extract_strided_slice %and3A_1395 {offsets = [5], sizes = [1], strides = [1]} : vector<16xi32> to vector<1xi32>
        %squeeze3A_1549 = vector.extract %slice3A_1548[0] : i32 from vector<1xi32>
        %mul3A_1550 = arith.constant 32 : i32
        %mul3A_1551 = arith.muli %squeeze3A_1549, %mul3A_1550 : i32
        %get3A_1552 = arith.index_cast %add3A_1547 : i32 to index
        %get3A_1553 = arith.index_cast %mul3A_1551 : i32 to index
        %get3A_1554 = tpu.vector_load %arg10[%get3A_1552, %get3A_1553] {strides = array<i32>} : memref<128x128xf32, #tpu.memory_space<vmem>>, vector<1x16xf32>,
        %get3A_1555 = vector.shape_cast %get3A_1554 : vector<1x16xf32> to vector<16xf32>
        %add3A_1556 = arith.constant 16 : i32
        %add3A_1557 = arith.addi %mul3A_1551, %add3A_1556 : i32
        %get3A_1558 = arith.index_cast %add3A_1547 : i32 to index
        %get3A_1559 = arith.index_cast %add3A_1557 : i32 to index
        %get3A_1560 = tpu.vector_load %arg10[%get3A_1558, %get3A_1559] {strides = array<i32>} : memref<128x128xf32, #tpu.memory_space<vmem>>, vector<1x16xf32>,
        %get3A_1561 = vector.shape_cast %get3A_1560 : vector<1x16xf32> to vector<16xf32>
        %swap3A_1562 = arith.index_cast %add3A_1547 : i32 to index
        %swap3A_1563 = arith.constant 0 : index
        %swap3A_1564 = tpu.vector_load %arg11[%swap3A_1562, %swap3A_1563] {strides = array<i32>} : memref<128x32xf32, #tpu.memory_space<vmem>>, vector<1x16xf32>,
        %swap3A_1565 = vector.shape_cast %swap3A_1564 : vector<1x16xf32> to vector<16xf32>
        %swap3A_1566 = vector.shape_cast %get3A_1555 : vector<16xf32> to vector<1x16xf32>
        tpu.vector_store %arg11[%swap3A_1562, %swap3A_1563], %swap3A_1566 {strides = array<i32>} : memref<128x32xf32, #tpu.memory_space<vmem>>, vector<1x16xf32>,
        %swap3A_1567 = arith.index_cast %add3A_1547 : i32 to index
        %swap3A_1568 = arith.constant 16 : index
        %swap3A_1569 = tpu.vector_load %arg11[%swap3A_1567, %swap3A_1568] {strides = array<i32>} : memref<128x32xf32, #tpu.memory_space<vmem>>, vector<1x16xf32>,
        %swap3A_1570 = vector.shape_cast %swap3A_1569 : vector<1x16xf32> to vector<16xf32>
        %swap3A_1571 = vector.shape_cast %get3A_1561 : vector<16xf32> to vector<1x16xf32>
        tpu.vector_store %arg11[%swap3A_1567, %swap3A_1568], %swap3A_1571 {strides = array<i32>} : memref<128x32xf32, #tpu.memory_space<vmem>>, vector<1x16xf32>,
        %add3A_1572 = arith.addf %add3A_1543, %get3A_1555 : vector<16xf32>
        %add3A_1573 = arith.addf %add3A_1572, %get3A_1561 : vector<16xf32>
        %mul3A_1574 = arith.constant 16 : i32
        %mul3A_1575 = arith.muli %scan3A_1382, %mul3A_1574 : i32
        %add3A_1576 = arith.constant 6 : i32
        %add3A_1577 = arith.addi %mul3A_1575, %add3A_1576 : i32
        %slice3A_1578 = vector.extract_strided_slice %and3A_1395 {offsets = [6], sizes = [1], strides = [1]} : vector<16xi32> to vector<1xi32>
        %squeeze3A_1579 = vector.extract %slice3A_1578[0] : i32 from vector<1xi32>
        %mul3A_1580 = arith.constant 32 : i32
        %mul3A_1581 = arith.muli %squeeze3A_1579, %mul3A_1580 : i32
        %get3A_1582 = arith.index_cast %add3A_1577 : i32 to index
        %get3A_1583 = arith.index_cast %mul3A_1581 : i32 to index
        %get3A_1584 = tpu.vector_load %arg10[%get3A_1582, %get3A_1583] {strides = array<i32>} : memref<128x128xf32, #tpu.memory_space<vmem>>, vector<1x16xf32>,
        %get3A_1585 = vector.shape_cast %get3A_1584 : vector<1x16xf32> to vector<16xf32>
        %add3A_1586 = arith.constant 16 : i32
        %add3A_1587 = arith.addi %mul3A_1581, %add3A_1586 : i32
        %get3A_1588 = arith.index_cast %add3A_1577 : i32 to index
        %get3A_1589 = arith.index_cast %add3A_1587 : i32 to index
        %get3A_1590 = tpu.vector_load %arg10[%get3A_1588, %get3A_1589] {strides = array<i32>} : memref<128x128xf32, #tpu.memory_space<vmem>>, vector<1x16xf32>,
        %get3A_1591 = vector.shape_cast %get3A_1590 : vector<1x16xf32> to vector<16xf32>
        %swap3A_1592 = arith.index_cast %add3A_1577 : i32 to index
        %swap3A_1593 = arith.constant 0 : index
        %swap3A_1594 = tpu.vector_load %arg11[%swap3A_1592, %swap3A_1593] {strides = array<i32>} : memref<128x32xf32, #tpu.memory_space<vmem>>, vector<1x16xf32>,
        %swap3A_1595 = vector.shape_cast %swap3A_1594 : vector<1x16xf32> to vector<16xf32>
        %swap3A_1596 = vector.shape_cast %get3A_1585 : vector<16xf32> to vector<1x16xf32>
        tpu.vector_store %arg11[%swap3A_1592, %swap3A_1593], %swap3A_1596 {strides = array<i32>} : memref<128x32xf32, #tpu.memory_space<vmem>>, vector<1x16xf32>,
        %swap3A_1597 = arith.index_cast %add3A_1577 : i32 to index
        %swap3A_1598 = arith.constant 16 : index
        %swap3A_1599 = tpu.vector_load %arg11[%swap3A_1597, %swap3A_1598] {strides = array<i32>} : memref<128x32xf32, #tpu.memory_space<vmem>>, vector<1x16xf32>,
        %swap3A_1600 = vector.shape_cast %swap3A_1599 : vector<1x16xf32> to vector<16xf32>
        %swap3A_1601 = vector.shape_cast %get3A_1591 : vector<16xf32> to vector<1x16xf32>
        tpu.vector_store %arg11[%swap3A_1597, %swap3A_1598], %swap3A_1601 {strides = array<i32>} : memref<128x32xf32, #tpu.memory_space<vmem>>, vector<1x16xf32>,
        %add3A_1602 = arith.addf %add3A_1573, %get3A_1585 : vector<16xf32>
        %add3A_1603 = arith.addf %add3A_1602, %get3A_1591 : vector<16xf32>
        %mul3A_1604 = arith.constant 16 : i32
        %mul3A_1605 = arith.muli %scan3A_1382, %mul3A_1604 : i32
        %add3A_1606 = arith.constant 7 : i32
        %add3A_1607 = arith.addi %mul3A_1605, %add3A_1606 : i32
        %slice3A_1608 = vector.extract_strided_slice %and3A_1395 {offsets = [7], sizes = [1], strides = [1]} : vector<16xi32> to vector<1xi32>
        %squeeze3A_1609 = vector.extract %slice3A_1608[0] : i32 from vector<1xi32>
        %mul3A_1610 = arith.constant 32 : i32
        %mul3A_1611 = arith.muli %squeeze3A_1609, %mul3A_1610 : i32
        %get3A_1612 = arith.index_cast %add3A_1607 : i32 to index
        %get3A_1613 = arith.index_cast %mul3A_1611 : i32 to index
        %get3A_1614 = tpu.vector_load %arg10[%get3A_1612, %get3A_1613] {strides = array<i32>} : memref<128x128xf32, #tpu.memory_space<vmem>>, vector<1x16xf32>,
        %get3A_1615 = vector.shape_cast %get3A_1614 : vector<1x16xf32> to vector<16xf32>
        %add3A_1616 = arith.constant 16 : i32
        %add3A_1617 = arith.addi %mul3A_1611, %add3A_1616 : i32
        %get3A_1618 = arith.index_cast %add3A_1607 : i32 to index
        %get3A_1619 = arith.index_cast %add3A_1617 : i32 to index
        %get3A_1620 = tpu.vector_load %arg10[%get3A_1618, %get3A_1619] {strides = array<i32>} : memref<128x128xf32, #tpu.memory_space<vmem>>, vector<1x16xf32>,
        %get3A_1621 = vector.shape_cast %get3A_1620 : vector<1x16xf32> to vector<16xf32>
        %swap3A_1622 = arith.index_cast %add3A_1607 : i32 to index
        %swap3A_1623 = arith.constant 0 : index
        %swap3A_1624 = tpu.vector_load %arg11[%swap3A_1622, %swap3A_1623] {strides = array<i32>} : memref<128x32xf32, #tpu.memory_space<vmem>>, vector<1x16xf32>,
        %swap3A_1625 = vector.shape_cast %swap3A_1624 : vector<1x16xf32> to vector<16xf32>
        %swap3A_1626 = vector.shape_cast %get3A_1615 : vector<16xf32> to vector<1x16xf32>
        tpu.vector_store %arg11[%swap3A_1622, %swap3A_1623], %swap3A_1626 {strides = array<i32>} : memref<128x32xf32, #tpu.memory_space<vmem>>, vector<1x16xf32>,
        %swap3A_1627 = arith.index_cast %add3A_1607 : i32 to index
        %swap3A_1628 = arith.constant 16 : index
        %swap3A_1629 = tpu.vector_load %arg11[%swap3A_1627, %swap3A_1628] {strides = array<i32>} : memref<128x32xf32, #tpu.memory_space<vmem>>, vector<1x16xf32>,
        %swap3A_1630 = vector.shape_cast %swap3A_1629 : vector<1x16xf32> to vector<16xf32>
        %swap3A_1631 = vector.shape_cast %get3A_1621 : vector<16xf32> to vector<1x16xf32>
        tpu.vector_store %arg11[%swap3A_1627, %swap3A_1628], %swap3A_1631 {strides = array<i32>} : memref<128x32xf32, #tpu.memory_space<vmem>>, vector<1x16xf32>,
        %add3A_1632 = arith.addf %add3A_1603, %get3A_1615 : vector<16xf32>
        %add3A_1633 = arith.addf %add3A_1632, %get3A_1621 : vector<16xf32>
        %mul3A_1634 = arith.constant 16 : i32
        %mul3A_1635 = arith.muli %scan3A_1382, %mul3A_1634 : i32
        %add3A_1636 = arith.constant 8 : i32
        %add3A_1637 = arith.addi %mul3A_1635, %add3A_1636 : i32
        %slice3A_1638 = vector.extract_strided_slice %and3A_1395 {offsets = [8], sizes = [1], strides = [1]} : vector<16xi32> to vector<1xi32>
        %squeeze3A_1639 = vector.extract %slice3A_1638[0] : i32 from vector<1xi32>
        %mul3A_1640 = arith.constant 32 : i32
        %mul3A_1641 = arith.muli %squeeze3A_1639, %mul3A_1640 : i32
        %get3A_1642 = arith.index_cast %add3A_1637 : i32 to index
        %get3A_1643 = arith.index_cast %mul3A_1641 : i32 to index
        %get3A_1644 = tpu.vector_load %arg10[%get3A_1642, %get3A_1643] {strides = array<i32>} : memref<128x128xf32, #tpu.memory_space<vmem>>, vector<1x16xf32>,
        %get3A_1645 = vector.shape_cast %get3A_1644 : vector<1x16xf32> to vector<16xf32>
        %add3A_1646 = arith.constant 16 : i32
        %add3A_1647 = arith.addi %mul3A_1641, %add3A_1646 : i32
        %get3A_1648 = arith.index_cast %add3A_1637 : i32 to index
        %get3A_1649 = arith.index_cast %add3A_1647 : i32 to index
        %get3A_1650 = tpu.vector_load %arg10[%get3A_1648, %get3A_1649] {strides = array<i32>} : memref<128x128xf32, #tpu.memory_space<vmem>>, vector<1x16xf32>,
        %get3A_1651 = vector.shape_cast %get3A_1650 : vector<1x16xf32> to vector<16xf32>
        %swap3A_1652 = arith.index_cast %add3A_1637 : i32 to index
        %swap3A_1653 = arith.constant 0 : index
        %swap3A_1654 = tpu.vector_load %arg11[%swap3A_1652, %swap3A_1653] {strides = array<i32>} : memref<128x32xf32, #tpu.memory_space<vmem>>, vector<1x16xf32>,
        %swap3A_1655 = vector.shape_cast %swap3A_1654 : vector<1x16xf32> to vector<16xf32>
        %swap3A_1656 = vector.shape_cast %get3A_1645 : vector<16xf32> to vector<1x16xf32>
        tpu.vector_store %arg11[%swap3A_1652, %swap3A_1653], %swap3A_1656 {strides = array<i32>} : memref<128x32xf32, #tpu.memory_space<vmem>>, vector<1x16xf32>,
        %swap3A_1657 = arith.index_cast %add3A_1637 : i32 to index
        %swap3A_1658 = arith.constant 16 : index
        %swap3A_1659 = tpu.vector_load %arg11[%swap3A_1657, %swap3A_1658] {strides = array<i32>} : memref<128x32xf32, #tpu.memory_space<vmem>>, vector<1x16xf32>,
        %swap3A_1660 = vector.shape_cast %swap3A_1659 : vector<1x16xf32> to vector<16xf32>
        %swap3A_1661 = vector.shape_cast %get3A_1651 : vector<16xf32> to vector<1x16xf32>
        tpu.vector_store %arg11[%swap3A_1657, %swap3A_1658], %swap3A_1661 {strides = array<i32>} : memref<128x32xf32, #tpu.memory_space<vmem>>, vector<1x16xf32>,
        %add3A_1662 = arith.addf %add3A_1633, %get3A_1645 : vector<16xf32>
        %add3A_1663 = arith.addf %add3A_1662, %get3A_1651 : vector<16xf32>
        %mul3A_1664 = arith.constant 16 : i32
        %mul3A_1665 = arith.muli %scan3A_1382, %mul3A_1664 : i32
        %add3A_1666 = arith.constant 9 : i32
        %add3A_1667 = arith.addi %mul3A_1665, %add3A_1666 : i32
        %slice3A_1668 = vector.extract_strided_slice %and3A_1395 {offsets = [9], sizes = [1], strides = [1]} : vector<16xi32> to vector<1xi32>
        %squeeze3A_1669 = vector.extract %slice3A_1668[0] : i32 from vector<1xi32>
        %mul3A_1670 = arith.constant 32 : i32
        %mul3A_1671 = arith.muli %squeeze3A_1669, %mul3A_1670 : i32
        %get3A_1672 = arith.index_cast %add3A_1667 : i32 to index
        %get3A_1673 = arith.index_cast %mul3A_1671 : i32 to index
        %get3A_1674 = tpu.vector_load %arg10[%get3A_1672, %get3A_1673] {strides = array<i32>} : memref<128x128xf32, #tpu.memory_space<vmem>>, vector<1x16xf32>,
        %get3A_1675 = vector.shape_cast %get3A_1674 : vector<1x16xf32> to vector<16xf32>
        %add3A_1676 = arith.constant 16 : i32
        %add3A_1677 = arith.addi %mul3A_1671, %add3A_1676 : i32
        %get3A_1678 = arith.index_cast %add3A_1667 : i32 to index
        %get3A_1679 = arith.index_cast %add3A_1677 : i32 to index
        %get3A_1680 = tpu.vector_load %arg10[%get3A_1678, %get3A_1679] {strides = array<i32>} : memref<128x128xf32, #tpu.memory_space<vmem>>, vector<1x16xf32>,
        %get3A_1681 = vector.shape_cast %get3A_1680 : vector<1x16xf32> to vector<16xf32>
        %swap3A_1682 = arith.index_cast %add3A_1667 : i32 to index
        %swap3A_1683 = arith.constant 0 : index
        %swap3A_1684 = tpu.vector_load %arg11[%swap3A_1682, %swap3A_1683] {strides = array<i32>} : memref<128x32xf32, #tpu.memory_space<vmem>>, vector<1x16xf32>,
        %swap3A_1685 = vector.shape_cast %swap3A_1684 : vector<1x16xf32> to vector<16xf32>
        %swap3A_1686 = vector.shape_cast %get3A_1675 : vector<16xf32> to vector<1x16xf32>
        tpu.vector_store %arg11[%swap3A_1682, %swap3A_1683], %swap3A_1686 {strides = array<i32>} : memref<128x32xf32, #tpu.memory_space<vmem>>, vector<1x16xf32>,
        %swap3A_1687 = arith.index_cast %add3A_1667 : i32 to index
        %swap3A_1688 = arith.constant 16 : index
        %swap3A_1689 = tpu.vector_load %arg11[%swap3A_1687, %swap3A_1688] {strides = array<i32>} : memref<128x32xf32, #tpu.memory_space<vmem>>, vector<1x16xf32>,
        %swap3A_1690 = vector.shape_cast %swap3A_1689 : vector<1x16xf32> to vector<16xf32>
        %swap3A_1691 = vector.shape_cast %get3A_1681 : vector<16xf32> to vector<1x16xf32>
        tpu.vector_store %arg11[%swap3A_1687, %swap3A_1688], %swap3A_1691 {strides = array<i32>} : memref<128x32xf32, #tpu.memory_space<vmem>>, vector<1x16xf32>,
        %add3A_1692 = arith.addf %add3A_1663, %get3A_1675 : vector<16xf32>
        %add3A_1693 = arith.addf %add3A_1692, %get3A_1681 : vector<16xf32>
        %mul3A_1694 = arith.constant 16 : i32
        %mul3A_1695 = arith.muli %scan3A_1382, %mul3A_1694 : i32
        %add3A_1696 = arith.constant 10 : i32
        %add3A_1697 = arith.addi %mul3A_1695, %add3A_1696 : i32
        %slice3A_1698 = vector.extract_strided_slice %and3A_1395 {offsets = [10], sizes = [1], strides = [1]} : vector<16xi32> to vector<1xi32>
        %squeeze3A_1699 = vector.extract %slice3A_1698[0] : i32 from vector<1xi32>
        %mul3A_1700 = arith.constant 32 : i32
        %mul3A_1701 = arith.muli %squeeze3A_1699, %mul3A_1700 : i32
        %get3A_1702 = arith.index_cast %add3A_1697 : i32 to index
        %get3A_1703 = arith.index_cast %mul3A_1701 : i32 to index
        %get3A_1704 = tpu.vector_load %arg10[%get3A_1702, %get3A_1703] {strides = array<i32>} : memref<128x128xf32, #tpu.memory_space<vmem>>, vector<1x16xf32>,
        %get3A_1705 = vector.shape_cast %get3A_1704 : vector<1x16xf32> to vector<16xf32>
        %add3A_1706 = arith.constant 16 : i32
        %add3A_1707 = arith.addi %mul3A_1701, %add3A_1706 : i32
        %get3A_1708 = arith.index_cast %add3A_1697 : i32 to index
        %get3A_1709 = arith.index_cast %add3A_1707 : i32 to index
        %get3A_1710 = tpu.vector_load %arg10[%get3A_1708, %get3A_1709] {strides = array<i32>} : memref<128x128xf32, #tpu.memory_space<vmem>>, vector<1x16xf32>,
        %get3A_1711 = vector.shape_cast %get3A_1710 : vector<1x16xf32> to vector<16xf32>
        %swap3A_1712 = arith.index_cast %add3A_1697 : i32 to index
        %swap3A_1713 = arith.constant 0 : index
        %swap3A_1714 = tpu.vector_load %arg11[%swap3A_1712, %swap3A_1713] {strides = array<i32>} : memref<128x32xf32, #tpu.memory_space<vmem>>, vector<1x16xf32>,
        %swap3A_1715 = vector.shape_cast %swap3A_1714 : vector<1x16xf32> to vector<16xf32>
        %swap3A_1716 = vector.shape_cast %get3A_1705 : vector<16xf32> to vector<1x16xf32>
        tpu.vector_store %arg11[%swap3A_1712, %swap3A_1713], %swap3A_1716 {strides = array<i32>} : memref<128x32xf32, #tpu.memory_space<vmem>>, vector<1x16xf32>,
        %swap3A_1717 = arith.index_cast %add3A_1697 : i32 to index
        %swap3A_1718 = arith.constant 16 : index
        %swap3A_1719 = tpu.vector_load %arg11[%swap3A_1717, %swap3A_1718] {strides = array<i32>} : memref<128x32xf32, #tpu.memory_space<vmem>>, vector<1x16xf32>,
        %swap3A_1720 = vector.shape_cast %swap3A_1719 : vector<1x16xf32> to vector<16xf32>
        %swap3A_1721 = vector.shape_cast %get3A_1711 : vector<16xf32> to vector<1x16xf32>
        tpu.vector_store %arg11[%swap3A_1717, %swap3A_1718], %swap3A_1721 {strides = array<i32>} : memref<128x32xf32, #tpu.memory_space<vmem>>, vector<1x16xf32>,
        %add3A_1722 = arith.addf %add3A_1693, %get3A_1705 : vector<16xf32>
        %add3A_1723 = arith.addf %add3A_1722, %get3A_1711 : vector<16xf32>
        %mul3A_1724 = arith.constant 16 : i32
        %mul3A_1725 = arith.muli %scan3A_1382, %mul3A_1724 : i32
        %add3A_1726 = arith.constant 11 : i32
        %add3A_1727 = arith.addi %mul3A_1725, %add3A_1726 : i32
        %slice3A_1728 = vector.extract_strided_slice %and3A_1395 {offsets = [11], sizes = [1], strides = [1]} : vector<16xi32> to vector<1xi32>
        %squeeze3A_1729 = vector.extract %slice3A_1728[0] : i32 from vector<1xi32>
        %mul3A_1730 = arith.constant 32 : i32
        %mul3A_1731 = arith.muli %squeeze3A_1729, %mul3A_1730 : i32
        %get3A_1732 = arith.index_cast %add3A_1727 : i32 to index
        %get3A_1733 = arith.index_cast %mul3A_1731 : i32 to index
        %get3A_1734 = tpu.vector_load %arg10[%get3A_1732, %get3A_1733] {strides = array<i32>} : memref<128x128xf32, #tpu.memory_space<vmem>>, vector<1x16xf32>,
        %get3A_1735 = vector.shape_cast %get3A_1734 : vector<1x16xf32> to vector<16xf32>
        %add3A_1736 = arith.constant 16 : i32
        %add3A_1737 = arith.addi %mul3A_1731, %add3A_1736 : i32
        %get3A_1738 = arith.index_cast %add3A_1727 : i32 to index
        %get3A_1739 = arith.index_cast %add3A_1737 : i32 to index
        %get3A_1740 = tpu.vector_load %arg10[%get3A_1738, %get3A_1739] {strides = array<i32>} : memref<128x128xf32, #tpu.memory_space<vmem>>, vector<1x16xf32>,
        %get3A_1741 = vector.shape_cast %get3A_1740 : vector<1x16xf32> to vector<16xf32>
        %swap3A_1742 = arith.index_cast %add3A_1727 : i32 to index
        %swap3A_1743 = arith.constant 0 : index
        %swap3A_1744 = tpu.vector_load %arg11[%swap3A_1742, %swap3A_1743] {strides = array<i32>} : memref<128x32xf32, #tpu.memory_space<vmem>>, vector<1x16xf32>,
        %swap3A_1745 = vector.shape_cast %swap3A_1744 : vector<1x16xf32> to vector<16xf32>
        %swap3A_1746 = vector.shape_cast %get3A_1735 : vector<16xf32> to vector<1x16xf32>
        tpu.vector_store %arg11[%swap3A_1742, %swap3A_1743], %swap3A_1746 {strides = array<i32>} : memref<128x32xf32, #tpu.memory_space<vmem>>, vector<1x16xf32>,
        %swap3A_1747 = arith.index_cast %add3A_1727 : i32 to index
        %swap3A_1748 = arith.constant 16 : index
        %swap3A_1749 = tpu.vector_load %arg11[%swap3A_1747, %swap3A_1748] {strides = array<i32>} : memref<128x32xf32, #tpu.memory_space<vmem>>, vector<1x16xf32>,
        %swap3A_1750 = vector.shape_cast %swap3A_1749 : vector<1x16xf32> to vector<16xf32>
        %swap3A_1751 = vector.shape_cast %get3A_1741 : vector<16xf32> to vector<1x16xf32>
        tpu.vector_store %arg11[%swap3A_1747, %swap3A_1748], %swap3A_1751 {strides = array<i32>} : memref<128x32xf32, #tpu.memory_space<vmem>>, vector<1x16xf32>,
        %add3A_1752 = arith.addf %add3A_1723, %get3A_1735 : vector<16xf32>
        %add3A_1753 = arith.addf %add3A_1752, %get3A_1741 : vector<16xf32>
        %mul3A_1754 = arith.constant 16 : i32
        %mul3A_1755 = arith.muli %scan3A_1382, %mul3A_1754 : i32
        %add3A_1756 = arith.constant 12 : i32
        %add3A_1757 = arith.addi %mul3A_1755, %add3A_1756 : i32
        %slice3A_1758 = vector.extract_strided_slice %and3A_1395 {offsets = [12], sizes = [1], strides = [1]} : vector<16xi32> to vector<1xi32>
        %squeeze3A_1759 = vector.extract %slice3A_1758[0] : i32 from vector<1xi32>
        %mul3A_1760 = arith.constant 32 : i32
        %mul3A_1761 = arith.muli %squeeze3A_1759, %mul3A_1760 : i32
        %get3A_1762 = arith.index_cast %add3A_1757 : i32 to index
        %get3A_1763 = arith.index_cast %mul3A_1761 : i32 to index
        %get3A_1764 = tpu.vector_load %arg10[%get3A_1762, %get3A_1763] {strides = array<i32>} : memref<128x128xf32, #tpu.memory_space<vmem>>, vector<1x16xf32>,
        %get3A_1765 = vector.shape_cast %get3A_1764 : vector<1x16xf32> to vector<16xf32>
        %add3A_1766 = arith.constant 16 : i32
        %add3A_1767 = arith.addi %mul3A_1761, %add3A_1766 : i32
        %get3A_1768 = arith.index_cast %add3A_1757 : i32 to index
        %get3A_1769 = arith.index_cast %add3A_1767 : i32 to index
        %get3A_1770 = tpu.vector_load %arg10[%get3A_1768, %get3A_1769] {strides = array<i32>} : memref<128x128xf32, #tpu.memory_space<vmem>>, vector<1x16xf32>,
        %get3A_1771 = vector.shape_cast %get3A_1770 : vector<1x16xf32> to vector<16xf32>
        %swap3A_1772 = arith.index_cast %add3A_1757 : i32 to index
        %swap3A_1773 = arith.constant 0 : index
        %swap3A_1774 = tpu.vector_load %arg11[%swap3A_1772, %swap3A_1773] {strides = array<i32>} : memref<128x32xf32, #tpu.memory_space<vmem>>, vector<1x16xf32>,
        %swap3A_1775 = vector.shape_cast %swap3A_1774 : vector<1x16xf32> to vector<16xf32>
        %swap3A_1776 = vector.shape_cast %get3A_1765 : vector<16xf32> to vector<1x16xf32>
        tpu.vector_store %arg11[%swap3A_1772, %swap3A_1773], %swap3A_1776 {strides = array<i32>} : memref<128x32xf32, #tpu.memory_space<vmem>>, vector<1x16xf32>,
        %swap3A_1777 = arith.index_cast %add3A_1757 : i32 to index
        %swap3A_1778 = arith.constant 16 : index
        %swap3A_1779 = tpu.vector_load %arg11[%swap3A_1777, %swap3A_1778] {strides = array<i32>} : memref<128x32xf32, #tpu.memory_space<vmem>>, vector<1x16xf32>,
        %swap3A_1780 = vector.shape_cast %swap3A_1779 : vector<1x16xf32> to vector<16xf32>
        %swap3A_1781 = vector.shape_cast %get3A_1771 : vector<16xf32> to vector<1x16xf32>
        tpu.vector_store %arg11[%swap3A_1777, %swap3A_1778], %swap3A_1781 {strides = array<i32>} : memref<128x32xf32, #tpu.memory_space<vmem>>, vector<1x16xf32>,
        %add3A_1782 = arith.addf %add3A_1753, %get3A_1765 : vector<16xf32>
        %add3A_1783 = arith.addf %add3A_1782, %get3A_1771 : vector<16xf32>
        %mul3A_1784 = arith.constant 16 : i32
        %mul3A_1785 = arith.muli %scan3A_1382, %mul3A_1784 : i32
        %add3A_1786 = arith.constant 13 : i32
        %add3A_1787 = arith.addi %mul3A_1785, %add3A_1786 : i32
        %slice3A_1788 = vector.extract_strided_slice %and3A_1395 {offsets = [13], sizes = [1], strides = [1]} : vector<16xi32> to vector<1xi32>
        %squeeze3A_1789 = vector.extract %slice3A_1788[0] : i32 from vector<1xi32>
        %mul3A_1790 = arith.constant 32 : i32
        %mul3A_1791 = arith.muli %squeeze3A_1789, %mul3A_1790 : i32
        %get3A_1792 = arith.index_cast %add3A_1787 : i32 to index
        %get3A_1793 = arith.index_cast %mul3A_1791 : i32 to index
        %get3A_1794 = tpu.vector_load %arg10[%get3A_1792, %get3A_1793] {strides = array<i32>} : memref<128x128xf32, #tpu.memory_space<vmem>>, vector<1x16xf32>,
        %get3A_1795 = vector.shape_cast %get3A_1794 : vector<1x16xf32> to vector<16xf32>
        %add3A_1796 = arith.constant 16 : i32
        %add3A_1797 = arith.addi %mul3A_1791, %add3A_1796 : i32
        %get3A_1798 = arith.index_cast %add3A_1787 : i32 to index
        %get3A_1799 = arith.index_cast %add3A_1797 : i32 to index
        %get3A_1800 = tpu.vector_load %arg10[%get3A_1798, %get3A_1799] {strides = array<i32>} : memref<128x128xf32, #tpu.memory_space<vmem>>, vector<1x16xf32>,
        %get3A_1801 = vector.shape_cast %get3A_1800 : vector<1x16xf32> to vector<16xf32>
        %swap3A_1802 = arith.index_cast %add3A_1787 : i32 to index
        %swap3A_1803 = arith.constant 0 : index
        %swap3A_1804 = tpu.vector_load %arg11[%swap3A_1802, %swap3A_1803] {strides = array<i32>} : memref<128x32xf32, #tpu.memory_space<vmem>>, vector<1x16xf32>,
        %swap3A_1805 = vector.shape_cast %swap3A_1804 : vector<1x16xf32> to vector<16xf32>
        %swap3A_1806 = vector.shape_cast %get3A_1795 : vector<16xf32> to vector<1x16xf32>
        tpu.vector_store %arg11[%swap3A_1802, %swap3A_1803], %swap3A_1806 {strides = array<i32>} : memref<128x32xf32, #tpu.memory_space<vmem>>, vector<1x16xf32>,
        %swap3A_1807 = arith.index_cast %add3A_1787 : i32 to index
        %swap3A_1808 = arith.constant 16 : index
        %swap3A_1809 = tpu.vector_load %arg11[%swap3A_1807, %swap3A_1808] {strides = array<i32>} : memref<128x32xf32, #tpu.memory_space<vmem>>, vector<1x16xf32>,
        %swap3A_1810 = vector.shape_cast %swap3A_1809 : vector<1x16xf32> to vector<16xf32>
        %swap3A_1811 = vector.shape_cast %get3A_1801 : vector<16xf32> to vector<1x16xf32>
        tpu.vector_store %arg11[%swap3A_1807, %swap3A_1808], %swap3A_1811 {strides = array<i32>} : memref<128x32xf32, #tpu.memory_space<vmem>>, vector<1x16xf32>,
        %add3A_1812 = arith.addf %add3A_1783, %get3A_1795 : vector<16xf32>
        %add3A_1813 = arith.addf %add3A_1812, %get3A_1801 : vector<16xf32>
        %mul3A_1814 = arith.constant 16 : i32
        %mul3A_1815 = arith.muli %scan3A_1382, %mul3A_1814 : i32
        %add3A_1816 = arith.constant 14 : i32
        %add3A_1817 = arith.addi %mul3A_1815, %add3A_1816 : i32
        %slice3A_1818 = vector.extract_strided_slice %and3A_1395 {offsets = [14], sizes = [1], strides = [1]} : vector<16xi32> to vector<1xi32>
        %squeeze3A_1819 = vector.extract %slice3A_1818[0] : i32 from vector<1xi32>
        %mul3A_1820 = arith.constant 32 : i32
        %mul3A_1821 = arith.muli %squeeze3A_1819, %mul3A_1820 : i32
        %get3A_1822 = arith.index_cast %add3A_1817 : i32 to index
        %get3A_1823 = arith.index_cast %mul3A_1821 : i32 to index
        %get3A_1824 = tpu.vector_load %arg10[%get3A_1822, %get3A_1823] {strides = array<i32>} : memref<128x128xf32, #tpu.memory_space<vmem>>, vector<1x16xf32>,
        %get3A_1825 = vector.shape_cast %get3A_1824 : vector<1x16xf32> to vector<16xf32>
        %add3A_1826 = arith.constant 16 : i32
        %add3A_1827 = arith.addi %mul3A_1821, %add3A_1826 : i32
        %get3A_1828 = arith.index_cast %add3A_1817 : i32 to index
        %get3A_1829 = arith.index_cast %add3A_1827 : i32 to index
        %get3A_1830 = tpu.vector_load %arg10[%get3A_1828, %get3A_1829] {strides = array<i32>} : memref<128x128xf32, #tpu.memory_space<vmem>>, vector<1x16xf32>,
        %get3A_1831 = vector.shape_cast %get3A_1830 : vector<1x16xf32> to vector<16xf32>
        %swap3A_1832 = arith.index_cast %add3A_1817 : i32 to index
        %swap3A_1833 = arith.constant 0 : index
        %swap3A_1834 = tpu.vector_load %arg11[%swap3A_1832, %swap3A_1833] {strides = array<i32>} : memref<128x32xf32, #tpu.memory_space<vmem>>, vector<1x16xf32>,
        %swap3A_1835 = vector.shape_cast %swap3A_1834 : vector<1x16xf32> to vector<16xf32>
        %swap3A_1836 = vector.shape_cast %get3A_1825 : vector<16xf32> to vector<1x16xf32>
        tpu.vector_store %arg11[%swap3A_1832, %swap3A_1833], %swap3A_1836 {strides = array<i32>} : memref<128x32xf32, #tpu.memory_space<vmem>>, vector<1x16xf32>,
        %swap3A_1837 = arith.index_cast %add3A_1817 : i32 to index
        %swap3A_1838 = arith.constant 16 : index
        %swap3A_1839 = tpu.vector_load %arg11[%swap3A_1837, %swap3A_1838] {strides = array<i32>} : memref<128x32xf32, #tpu.memory_space<vmem>>, vector<1x16xf32>,
        %swap3A_1840 = vector.shape_cast %swap3A_1839 : vector<1x16xf32> to vector<16xf32>
        %swap3A_1841 = vector.shape_cast %get3A_1831 : vector<16xf32> to vector<1x16xf32>
        tpu.vector_store %arg11[%swap3A_1837, %swap3A_1838], %swap3A_1841 {strides = array<i32>} : memref<128x32xf32, #tpu.memory_space<vmem>>, vector<1x16xf32>,
        %add3A_1842 = arith.addf %add3A_1813, %get3A_1825 : vector<16xf32>
        %add3A_1843 = arith.addf %add3A_1842, %get3A_1831 : vector<16xf32>
        %mul3A_1844 = arith.constant 16 : i32
        %mul3A_1845 = arith.muli %scan3A_1382, %mul3A_1844 : i32
        %add3A_1846 = arith.constant 15 : i32
        %add3A_1847 = arith.addi %mul3A_1845, %add3A_1846 : i32
        %slice3A_1848 = vector.extract_strided_slice %and3A_1395 {offsets = [15], sizes = [1], strides = [1]} : vector<16xi32> to vector<1xi32>
        %squeeze3A_1849 = vector.extract %slice3A_1848[0] : i32 from vector<1xi32>
        %mul3A_1850 = arith.constant 32 : i32
        %mul3A_1851 = arith.muli %squeeze3A_1849, %mul3A_1850 : i32
        %get3A_1852 = arith.index_cast %add3A_1847 : i32 to index
        %get3A_1853 = arith.index_cast %mul3A_1851 : i32 to index
        %get3A_1854 = tpu.vector_load %arg10[%get3A_1852, %get3A_1853] {strides = array<i32>} : memref<128x128xf32, #tpu.memory_space<vmem>>, vector<1x16xf32>,
        %get3A_1855 = vector.shape_cast %get3A_1854 : vector<1x16xf32> to vector<16xf32>
        %add3A_1856 = arith.constant 16 : i32
        %add3A_1857 = arith.addi %mul3A_1851, %add3A_1856 : i32
        %get3A_1858 = arith.index_cast %add3A_1847 : i32 to index
        %get3A_1859 = arith.index_cast %add3A_1857 : i32 to index
        %get3A_1860 = tpu.vector_load %arg10[%get3A_1858, %get3A_1859] {strides = array<i32>} : memref<128x128xf32, #tpu.memory_space<vmem>>, vector<1x16xf32>,
        %get3A_1861 = vector.shape_cast %get3A_1860 : vector<1x16xf32> to vector<16xf32>
        %swap3A_1862 = arith.index_cast %add3A_1847 : i32 to index
        %swap3A_1863 = arith.constant 0 : index
        %swap3A_1864 = tpu.vector_load %arg11[%swap3A_1862, %swap3A_1863] {strides = array<i32>} : memref<128x32xf32, #tpu.memory_space<vmem>>, vector<1x16xf32>,
        %swap3A_1865 = vector.shape_cast %swap3A_1864 : vector<1x16xf32> to vector<16xf32>
        %swap3A_1866 = vector.shape_cast %get3A_1855 : vector<16xf32> to vector<1x16xf32>
        tpu.vector_store %arg11[%swap3A_1862, %swap3A_1863], %swap3A_1866 {strides = array<i32>} : memref<128x32xf32, #tpu.memory_space<vmem>>, vector<1x16xf32>,
        %swap3A_1867 = arith.index_cast %add3A_1847 : i32 to index
        %swap3A_1868 = arith.constant 16 : index
        %swap3A_1869 = tpu.vector_load %arg11[%swap3A_1867, %swap3A_1868] {strides = array<i32>} : memref<128x32xf32, #tpu.memory_space<vmem>>, vector<1x16xf32>,
        %swap3A_1870 = vector.shape_cast %swap3A_1869 : vector<1x16xf32> to vector<16xf32>
        %swap3A_1871 = vector.shape_cast %get3A_1861 : vector<16xf32> to vector<1x16xf32>
        tpu.vector_store %arg11[%swap3A_1867, %swap3A_1868], %swap3A_1871 {strides = array<i32>} : memref<128x32xf32, #tpu.memory_space<vmem>>, vector<1x16xf32>,
        %add3A_1872 = arith.addf %add3A_1843, %get3A_1855 : vector<16xf32>
        %add3A_1873 = arith.addf %add3A_1872, %get3A_1861 : vector<16xf32>
        scf.yield %add3A_1873 : vector<16xf32>
      }
      %scan3A_1378 = arith.constant 8 : i32
      %mul3A_1379 = arith.constant 128 : i32
      %mul3A_1380 = arith.muli %scan3A_1361, %mul3A_1379 : i32
      %add3A_1381 = arith.addi %mul3A_2, %mul3A_1380 : i32
      "tpu.region"() ({
        %run_scoped3A = tpu.sem_alloc : memref<!tpu.dma_semaphore, #tpu.memory_space<semaphore_mem>>
        %dma_start3A_1382 = arith.constant 0 : i32
        %dma_start3A_1383 = tpu.memref_slice %arg6[%add3A_1381, %dma_start3A_1382] : memref<32768x32xf32, #tpu.memory_space<hbm>> -> memref<128x32xf32, #tpu.memory_space<hbm>>
        %dma_start3A_1384 = arith.constant 0 : i32
        %dma_start3A_1385 = tpu.memref_slice %arg6[%add3A_1381, %dma_start3A_1384] : memref<32768x32xf32, #tpu.memory_space<hbm>> -> memref<128x32xf32, #tpu.memory_space<hbm>>
        tpu.enqueue_dma source(%arg11 : memref<128x32xf32, #tpu.memory_space<vmem>>) target(%dma_start3A_1385 : memref<128x32xf32, #tpu.memory_space<hbm>>) target_semaphore(%run_scoped3A : memref<!tpu.dma_semaphore, #tpu.memory_space<semaphore_mem>>)
        %dma_wait3A_1386 = arith.constant 0 : i32
        %dma_wait3A_1387 = tpu.memref_slice %arg6[%add3A_1381, %dma_wait3A_1386] : memref<32768x32xf32, #tpu.memory_space<hbm>> -> memref<128x32xf32, #tpu.memory_space<hbm>>
        %dma_wait3A_1388 = arith.constant 0 : i32
        %dma_wait3A_1389 = tpu.memref_slice %arg6[%add3A_1381, %dma_wait3A_1388] : memref<32768x32xf32, #tpu.memory_space<hbm>> -> memref<128x32xf32, #tpu.memory_space<hbm>>
        tpu.wait_dma2 semaphore(%run_scoped3A : memref<!tpu.dma_semaphore, #tpu.memory_space<semaphore_mem>>) src(%arg11 : memref<128x32xf32, #tpu.memory_space<vmem>>) dst(%dma_wait3A_1389 : memref<128x32xf32, #tpu.memory_space<hbm>>)
        tpu.yield
      }) : () -> ()
      scf.yield %scan3A_1377 : vector<16xf32>
    }
    %scan3A_676 = arith.constant 4 : i32
    %add3A_677 = arith.constant 16384 : i32
    %add3A_678 = arith.addi %add3A_677, %mul3A_2 : i32
    "tpu.region"() ({
      %run_scoped3A = tpu.sem_alloc : memref<!tpu.dma_semaphore, #tpu.memory_space<semaphore_mem>>
      %dma_start3A = arith.constant 0 : i32
      %dma_start3A_1361 = tpu.memref_slice %arg5[%mul3A_4, %dma_start3A] : memref<128x128xi32, #tpu.memory_space<hbm>> -> memref<4x128xi32, #tpu.memory_space<hbm>>
      %dma_start3A_1362 = arith.constant 0 : i32
      %dma_start3A_1363 = tpu.memref_slice %arg5[%mul3A_4, %dma_start3A_1362] : memref<128x128xi32, #tpu.memory_space<hbm>> -> memref<4x128xi32, #tpu.memory_space<hbm>>
      tpu.enqueue_dma source(%dma_start3A_1363 : memref<4x128xi32, #tpu.memory_space<hbm>>) target(%arg8 : memref<4x128xi32, #tpu.memory_space<vmem>>) target_semaphore(%run_scoped3A : memref<!tpu.dma_semaphore, #tpu.memory_space<semaphore_mem>>)
      %dma_wait3A = arith.constant 0 : i32
      %dma_wait3A_1364 = tpu.memref_slice %arg5[%mul3A_4, %dma_wait3A] : memref<128x128xi32, #tpu.memory_space<hbm>> -> memref<4x128xi32, #tpu.memory_space<hbm>>
      %dma_wait3A_1365 = arith.constant 0 : i32
      %dma_wait3A_1366 = tpu.memref_slice %arg5[%mul3A_4, %dma_wait3A_1365] : memref<128x128xi32, #tpu.memory_space<hbm>> -> memref<4x128xi32, #tpu.memory_space<hbm>>
      tpu.wait_dma2 semaphore(%run_scoped3A : memref<!tpu.dma_semaphore, #tpu.memory_space<semaphore_mem>>) src(%dma_wait3A_1366 : memref<4x128xi32, #tpu.memory_space<hbm>>) dst(%arg8 : memref<4x128xi32, #tpu.memory_space<vmem>>)
      tpu.yield
    }) : () -> ()
    %get3A_679 = arith.constant 0 : i32
    %get3A_680 = arith.index_cast %get3A_679 : i32 to index
    %get3A_681 = arith.constant 0 : index
    %get3A_682 = tpu.vector_load %arg8[%get3A_680, %get3A_681] {strides = array<i32>} : memref<4x128xi32, #tpu.memory_space<vmem>>, vector<1x16xi32>,
    %get3A_683 = vector.shape_cast %get3A_682 : vector<1x16xi32> to vector<16xi32>
    %shift_right_logical3A_684 = arith.constant 13 : i32
    %shift_right_logical3A_685 = vector.broadcast %shift_right_logical3A_684 : i32 to vector<16xi32>
    %shift_right_logical3A_686 = arith.shrui %get3A_683, %shift_right_logical3A_685 : vector<16xi32>
    %shift_left3A_687 = arith.constant 11 : i32
    %shift_left3A_688 = vector.broadcast %shift_left3A_687 : i32 to vector<16xi32>
    %shift_left3A_689 = arith.shli %shift_right_logical3A_686, %shift_left3A_688 : vector<16xi32>
    %and3A_690 = arith.constant 2047 : i32
    %and3A_691 = vector.broadcast %and3A_690 : i32 to vector<16xi32>
    %and3A_692 = arith.andi %get3A_683, %and3A_691 : vector<16xi32>
    %or3A_693 = arith.ori %shift_left3A_689, %and3A_692 : vector<16xi32>
    %swap3A_694 = arith.constant 0 : i32
    %swap3A_695 = arith.index_cast %swap3A_694 : i32 to index
    %swap3A_696 = arith.constant 0 : index
    %swap3A_697 = tpu.vector_load %arg9[%swap3A_695, %swap3A_696] {strides = array<i32>} : memref<4x128xi32, #tpu.memory_space<vmem>>, vector<1x16xi32>,
    %swap3A_698 = vector.shape_cast %swap3A_697 : vector<1x16xi32> to vector<16xi32>
    %swap3A_699 = vector.shape_cast %or3A_693 : vector<16xi32> to vector<1x16xi32>
    tpu.vector_store %arg9[%swap3A_695, %swap3A_696], %swap3A_699 {strides = array<i32>} : memref<4x128xi32, #tpu.memory_space<vmem>>, vector<1x16xi32>,
    %get3A_700 = arith.constant 0 : i32
    %get3A_701 = arith.index_cast %get3A_700 : i32 to index
    %get3A_702 = arith.constant 16 : index
    %get3A_703 = tpu.vector_load %arg8[%get3A_701, %get3A_702] {strides = array<i32>} : memref<4x128xi32, #tpu.memory_space<vmem>>, vector<1x16xi32>,
    %get3A_704 = vector.shape_cast %get3A_703 : vector<1x16xi32> to vector<16xi32>
    %shift_right_logical3A_705 = arith.constant 13 : i32
    %shift_right_logical3A_706 = vector.broadcast %shift_right_logical3A_705 : i32 to vector<16xi32>
    %shift_right_logical3A_707 = arith.shrui %get3A_704, %shift_right_logical3A_706 : vector<16xi32>
    %shift_left3A_708 = arith.constant 11 : i32
    %shift_left3A_709 = vector.broadcast %shift_left3A_708 : i32 to vector<16xi32>
    %shift_left3A_710 = arith.shli %shift_right_logical3A_707, %shift_left3A_709 : vector<16xi32>
    %and3A_711 = arith.constant 2047 : i32
    %and3A_712 = vector.broadcast %and3A_711 : i32 to vector<16xi32>
    %and3A_713 = arith.andi %get3A_704, %and3A_712 : vector<16xi32>
    %or3A_714 = arith.ori %shift_left3A_710, %and3A_713 : vector<16xi32>
    %swap3A_715 = arith.constant 0 : i32
    %swap3A_716 = arith.index_cast %swap3A_715 : i32 to index
    %swap3A_717 = arith.constant 16 : index
    %swap3A_718 = tpu.vector_load %arg9[%swap3A_716, %swap3A_717] {strides = array<i32>} : memref<4x128xi32, #tpu.memory_space<vmem>>, vector<1x16xi32>,
    %swap3A_719 = vector.shape_cast %swap3A_718 : vector<1x16xi32> to vector<16xi32>
    %swap3A_720 = vector.shape_cast %or3A_714 : vector<16xi32> to vector<1x16xi32>
    tpu.vector_store %arg9[%swap3A_716, %swap3A_717], %swap3A_720 {strides = array<i32>} : memref<4x128xi32, #tpu.memory_space<vmem>>, vector<1x16xi32>,
    %get3A_721 = arith.constant 0 : i32
    %get3A_722 = arith.index_cast %get3A_721 : i32 to index
    %get3A_723 = arith.constant 32 : index
    %get3A_724 = tpu.vector_load %arg8[%get3A_722, %get3A_723] {strides = array<i32>} : memref<4x128xi32, #tpu.memory_space<vmem>>, vector<1x16xi32>,
    %get3A_725 = vector.shape_cast %get3A_724 : vector<1x16xi32> to vector<16xi32>
    %shift_right_logical3A_726 = arith.constant 13 : i32
    %shift_right_logical3A_727 = vector.broadcast %shift_right_logical3A_726 : i32 to vector<16xi32>
    %shift_right_logical3A_728 = arith.shrui %get3A_725, %shift_right_logical3A_727 : vector<16xi32>
    %shift_left3A_729 = arith.constant 11 : i32
    %shift_left3A_730 = vector.broadcast %shift_left3A_729 : i32 to vector<16xi32>
    %shift_left3A_731 = arith.shli %shift_right_logical3A_728, %shift_left3A_730 : vector<16xi32>
    %and3A_732 = arith.constant 2047 : i32
    %and3A_733 = vector.broadcast %and3A_732 : i32 to vector<16xi32>
    %and3A_734 = arith.andi %get3A_725, %and3A_733 : vector<16xi32>
    %or3A_735 = arith.ori %shift_left3A_731, %and3A_734 : vector<16xi32>
    %swap3A_736 = arith.constant 0 : i32
    %swap3A_737 = arith.index_cast %swap3A_736 : i32 to index
    %swap3A_738 = arith.constant 32 : index
    %swap3A_739 = tpu.vector_load %arg9[%swap3A_737, %swap3A_738] {strides = array<i32>} : memref<4x128xi32, #tpu.memory_space<vmem>>, vector<1x16xi32>,
    %swap3A_740 = vector.shape_cast %swap3A_739 : vector<1x16xi32> to vector<16xi32>
    %swap3A_741 = vector.shape_cast %or3A_735 : vector<16xi32> to vector<1x16xi32>
    tpu.vector_store %arg9[%swap3A_737, %swap3A_738], %swap3A_741 {strides = array<i32>} : memref<4x128xi32, #tpu.memory_space<vmem>>, vector<1x16xi32>,
    %get3A_742 = arith.constant 0 : i32
    %get3A_743 = arith.index_cast %get3A_742 : i32 to index
    %get3A_744 = arith.constant 48 : index
    %get3A_745 = tpu.vector_load %arg8[%get3A_743, %get3A_744] {strides = array<i32>} : memref<4x128xi32, #tpu.memory_space<vmem>>, vector<1x16xi32>,
    %get3A_746 = vector.shape_cast %get3A_745 : vector<1x16xi32> to vector<16xi32>
    %shift_right_logical3A_747 = arith.constant 13 : i32
    %shift_right_logical3A_748 = vector.broadcast %shift_right_logical3A_747 : i32 to vector<16xi32>
    %shift_right_logical3A_749 = arith.shrui %get3A_746, %shift_right_logical3A_748 : vector<16xi32>
    %shift_left3A_750 = arith.constant 11 : i32
    %shift_left3A_751 = vector.broadcast %shift_left3A_750 : i32 to vector<16xi32>
    %shift_left3A_752 = arith.shli %shift_right_logical3A_749, %shift_left3A_751 : vector<16xi32>
    %and3A_753 = arith.constant 2047 : i32
    %and3A_754 = vector.broadcast %and3A_753 : i32 to vector<16xi32>
    %and3A_755 = arith.andi %get3A_746, %and3A_754 : vector<16xi32>
    %or3A_756 = arith.ori %shift_left3A_752, %and3A_755 : vector<16xi32>
    %swap3A_757 = arith.constant 0 : i32
    %swap3A_758 = arith.index_cast %swap3A_757 : i32 to index
    %swap3A_759 = arith.constant 48 : index
    %swap3A_760 = tpu.vector_load %arg9[%swap3A_758, %swap3A_759] {strides = array<i32>} : memref<4x128xi32, #tpu.memory_space<vmem>>, vector<1x16xi32>,
    %swap3A_761 = vector.shape_cast %swap3A_760 : vector<1x16xi32> to vector<16xi32>
    %swap3A_762 = vector.shape_cast %or3A_756 : vector<16xi32> to vector<1x16xi32>
    tpu.vector_store %arg9[%swap3A_758, %swap3A_759], %swap3A_762 {strides = array<i32>} : memref<4x128xi32, #tpu.memory_space<vmem>>, vector<1x16xi32>,
    %get3A_763 = arith.constant 0 : i32
    %get3A_764 = arith.index_cast %get3A_763 : i32 to index
    %get3A_765 = arith.constant 64 : index
    %get3A_766 = tpu.vector_load %arg8[%get3A_764, %get3A_765] {strides = array<i32>} : memref<4x128xi32, #tpu.memory_space<vmem>>, vector<1x16xi32>,
    %get3A_767 = vector.shape_cast %get3A_766 : vector<1x16xi32> to vector<16xi32>
    %shift_right_logical3A_768 = arith.constant 13 : i32
    %shift_right_logical3A_769 = vector.broadcast %shift_right_logical3A_768 : i32 to vector<16xi32>
    %shift_right_logical3A_770 = arith.shrui %get3A_767, %shift_right_logical3A_769 : vector<16xi32>
    %shift_left3A_771 = arith.constant 11 : i32
    %shift_left3A_772 = vector.broadcast %shift_left3A_771 : i32 to vector<16xi32>
    %shift_left3A_773 = arith.shli %shift_right_logical3A_770, %shift_left3A_772 : vector<16xi32>
    %and3A_774 = arith.constant 2047 : i32
    %and3A_775 = vector.broadcast %and3A_774 : i32 to vector<16xi32>
    %and3A_776 = arith.andi %get3A_767, %and3A_775 : vector<16xi32>
    %or3A_777 = arith.ori %shift_left3A_773, %and3A_776 : vector<16xi32>
    %swap3A_778 = arith.constant 0 : i32
    %swap3A_779 = arith.index_cast %swap3A_778 : i32 to index
    %swap3A_780 = arith.constant 64 : index
    %swap3A_781 = tpu.vector_load %arg9[%swap3A_779, %swap3A_780] {strides = array<i32>} : memref<4x128xi32, #tpu.memory_space<vmem>>, vector<1x16xi32>,
    %swap3A_782 = vector.shape_cast %swap3A_781 : vector<1x16xi32> to vector<16xi32>
    %swap3A_783 = vector.shape_cast %or3A_777 : vector<16xi32> to vector<1x16xi32>
    tpu.vector_store %arg9[%swap3A_779, %swap3A_780], %swap3A_783 {strides = array<i32>} : memref<4x128xi32, #tpu.memory_space<vmem>>, vector<1x16xi32>,
    %get3A_784 = arith.constant 0 : i32
    %get3A_785 = arith.index_cast %get3A_784 : i32 to index
    %get3A_786 = arith.constant 80 : index
    %get3A_787 = tpu.vector_load %arg8[%get3A_785, %get3A_786] {strides = array<i32>} : memref<4x128xi32, #tpu.memory_space<vmem>>, vector<1x16xi32>,
    %get3A_788 = vector.shape_cast %get3A_787 : vector<1x16xi32> to vector<16xi32>
    %shift_right_logical3A_789 = arith.constant 13 : i32
    %shift_right_logical3A_790 = vector.broadcast %shift_right_logical3A_789 : i32 to vector<16xi32>
    %shift_right_logical3A_791 = arith.shrui %get3A_788, %shift_right_logical3A_790 : vector<16xi32>
    %shift_left3A_792 = arith.constant 11 : i32
    %shift_left3A_793 = vector.broadcast %shift_left3A_792 : i32 to vector<16xi32>
    %shift_left3A_794 = arith.shli %shift_right_logical3A_791, %shift_left3A_793 : vector<16xi32>
    %and3A_795 = arith.constant 2047 : i32
    %and3A_796 = vector.broadcast %and3A_795 : i32 to vector<16xi32>
    %and3A_797 = arith.andi %get3A_788, %and3A_796 : vector<16xi32>
    %or3A_798 = arith.ori %shift_left3A_794, %and3A_797 : vector<16xi32>
    %swap3A_799 = arith.constant 0 : i32
    %swap3A_800 = arith.index_cast %swap3A_799 : i32 to index
    %swap3A_801 = arith.constant 80 : index
    %swap3A_802 = tpu.vector_load %arg9[%swap3A_800, %swap3A_801] {strides = array<i32>} : memref<4x128xi32, #tpu.memory_space<vmem>>, vector<1x16xi32>,
    %swap3A_803 = vector.shape_cast %swap3A_802 : vector<1x16xi32> to vector<16xi32>
    %swap3A_804 = vector.shape_cast %or3A_798 : vector<16xi32> to vector<1x16xi32>
    tpu.vector_store %arg9[%swap3A_800, %swap3A_801], %swap3A_804 {strides = array<i32>} : memref<4x128xi32, #tpu.memory_space<vmem>>, vector<1x16xi32>,
    %get3A_805 = arith.constant 0 : i32
    %get3A_806 = arith.index_cast %get3A_805 : i32 to index
    %get3A_807 = arith.constant 96 : index
    %get3A_808 = tpu.vector_load %arg8[%get3A_806, %get3A_807] {strides = array<i32>} : memref<4x128xi32, #tpu.memory_space<vmem>>, vector<1x16xi32>,
    %get3A_809 = vector.shape_cast %get3A_808 : vector<1x16xi32> to vector<16xi32>
    %shift_right_logical3A_810 = arith.constant 13 : i32
    %shift_right_logical3A_811 = vector.broadcast %shift_right_logical3A_810 : i32 to vector<16xi32>
    %shift_right_logical3A_812 = arith.shrui %get3A_809, %shift_right_logical3A_811 : vector<16xi32>
    %shift_left3A_813 = arith.constant 11 : i32
    %shift_left3A_814 = vector.broadcast %shift_left3A_813 : i32 to vector<16xi32>
    %shift_left3A_815 = arith.shli %shift_right_logical3A_812, %shift_left3A_814 : vector<16xi32>
    %and3A_816 = arith.constant 2047 : i32
    %and3A_817 = vector.broadcast %and3A_816 : i32 to vector<16xi32>
    %and3A_818 = arith.andi %get3A_809, %and3A_817 : vector<16xi32>
    %or3A_819 = arith.ori %shift_left3A_815, %and3A_818 : vector<16xi32>
    %swap3A_820 = arith.constant 0 : i32
    %swap3A_821 = arith.index_cast %swap3A_820 : i32 to index
    %swap3A_822 = arith.constant 96 : index
    %swap3A_823 = tpu.vector_load %arg9[%swap3A_821, %swap3A_822] {strides = array<i32>} : memref<4x128xi32, #tpu.memory_space<vmem>>, vector<1x16xi32>,
    %swap3A_824 = vector.shape_cast %swap3A_823 : vector<1x16xi32> to vector<16xi32>
    %swap3A_825 = vector.shape_cast %or3A_819 : vector<16xi32> to vector<1x16xi32>
    tpu.vector_store %arg9[%swap3A_821, %swap3A_822], %swap3A_825 {strides = array<i32>} : memref<4x128xi32, #tpu.memory_space<vmem>>, vector<1x16xi32>,
    %get3A_826 = arith.constant 0 : i32
    %get3A_827 = arith.index_cast %get3A_826 : i32 to index
    %get3A_828 = arith.constant 112 : index
    %get3A_829 = tpu.vector_load %arg8[%get3A_827, %get3A_828] {strides = array<i32>} : memref<4x128xi32, #tpu.memory_space<vmem>>, vector<1x16xi32>,
    %get3A_830 = vector.shape_cast %get3A_829 : vector<1x16xi32> to vector<16xi32>
    %shift_right_logical3A_831 = arith.constant 13 : i32
    %shift_right_logical3A_832 = vector.broadcast %shift_right_logical3A_831 : i32 to vector<16xi32>
    %shift_right_logical3A_833 = arith.shrui %get3A_830, %shift_right_logical3A_832 : vector<16xi32>
    %shift_left3A_834 = arith.constant 11 : i32
    %shift_left3A_835 = vector.broadcast %shift_left3A_834 : i32 to vector<16xi32>
    %shift_left3A_836 = arith.shli %shift_right_logical3A_833, %shift_left3A_835 : vector<16xi32>
    %and3A_837 = arith.constant 2047 : i32
    %and3A_838 = vector.broadcast %and3A_837 : i32 to vector<16xi32>
    %and3A_839 = arith.andi %get3A_830, %and3A_838 : vector<16xi32>
    %or3A_840 = arith.ori %shift_left3A_836, %and3A_839 : vector<16xi32>
    %swap3A_841 = arith.constant 0 : i32
    %swap3A_842 = arith.index_cast %swap3A_841 : i32 to index
    %swap3A_843 = arith.constant 112 : index
    %swap3A_844 = tpu.vector_load %arg9[%swap3A_842, %swap3A_843] {strides = array<i32>} : memref<4x128xi32, #tpu.memory_space<vmem>>, vector<1x16xi32>,
    %swap3A_845 = vector.shape_cast %swap3A_844 : vector<1x16xi32> to vector<16xi32>
    %swap3A_846 = vector.shape_cast %or3A_840 : vector<16xi32> to vector<1x16xi32>
    tpu.vector_store %arg9[%swap3A_842, %swap3A_843], %swap3A_846 {strides = array<i32>} : memref<4x128xi32, #tpu.memory_space<vmem>>, vector<1x16xi32>,
    %get3A_847 = arith.constant 1 : i32
    %get3A_848 = arith.index_cast %get3A_847 : i32 to index
    %get3A_849 = arith.constant 0 : index
    %get3A_850 = tpu.vector_load %arg8[%get3A_848, %get3A_849] {strides = array<i32>} : memref<4x128xi32, #tpu.memory_space<vmem>>, vector<1x16xi32>,
    %get3A_851 = vector.shape_cast %get3A_850 : vector<1x16xi32> to vector<16xi32>
    %shift_right_logical3A_852 = arith.constant 13 : i32
    %shift_right_logical3A_853 = vector.broadcast %shift_right_logical3A_852 : i32 to vector<16xi32>
    %shift_right_logical3A_854 = arith.shrui %get3A_851, %shift_right_logical3A_853 : vector<16xi32>
    %shift_left3A_855 = arith.constant 11 : i32
    %shift_left3A_856 = vector.broadcast %shift_left3A_855 : i32 to vector<16xi32>
    %shift_left3A_857 = arith.shli %shift_right_logical3A_854, %shift_left3A_856 : vector<16xi32>
    %and3A_858 = arith.constant 2047 : i32
    %and3A_859 = vector.broadcast %and3A_858 : i32 to vector<16xi32>
    %and3A_860 = arith.andi %get3A_851, %and3A_859 : vector<16xi32>
    %or3A_861 = arith.ori %shift_left3A_857, %and3A_860 : vector<16xi32>
    %swap3A_862 = arith.constant 1 : i32
    %swap3A_863 = arith.index_cast %swap3A_862 : i32 to index
    %swap3A_864 = arith.constant 0 : index
    %swap3A_865 = tpu.vector_load %arg9[%swap3A_863, %swap3A_864] {strides = array<i32>} : memref<4x128xi32, #tpu.memory_space<vmem>>, vector<1x16xi32>,
    %swap3A_866 = vector.shape_cast %swap3A_865 : vector<1x16xi32> to vector<16xi32>
    %swap3A_867 = vector.shape_cast %or3A_861 : vector<16xi32> to vector<1x16xi32>
    tpu.vector_store %arg9[%swap3A_863, %swap3A_864], %swap3A_867 {strides = array<i32>} : memref<4x128xi32, #tpu.memory_space<vmem>>, vector<1x16xi32>,
    %get3A_868 = arith.constant 1 : i32
    %get3A_869 = arith.index_cast %get3A_868 : i32 to index
    %get3A_870 = arith.constant 16 : index
    %get3A_871 = tpu.vector_load %arg8[%get3A_869, %get3A_870] {strides = array<i32>} : memref<4x128xi32, #tpu.memory_space<vmem>>, vector<1x16xi32>,
    %get3A_872 = vector.shape_cast %get3A_871 : vector<1x16xi32> to vector<16xi32>
    %shift_right_logical3A_873 = arith.constant 13 : i32
    %shift_right_logical3A_874 = vector.broadcast %shift_right_logical3A_873 : i32 to vector<16xi32>
    %shift_right_logical3A_875 = arith.shrui %get3A_872, %shift_right_logical3A_874 : vector<16xi32>
    %shift_left3A_876 = arith.constant 11 : i32
    %shift_left3A_877 = vector.broadcast %shift_left3A_876 : i32 to vector<16xi32>
    %shift_left3A_878 = arith.shli %shift_right_logical3A_875, %shift_left3A_877 : vector<16xi32>
    %and3A_879 = arith.constant 2047 : i32
    %and3A_880 = vector.broadcast %and3A_879 : i32 to vector<16xi32>
    %and3A_881 = arith.andi %get3A_872, %and3A_880 : vector<16xi32>
    %or3A_882 = arith.ori %shift_left3A_878, %and3A_881 : vector<16xi32>
    %swap3A_883 = arith.constant 1 : i32
    %swap3A_884 = arith.index_cast %swap3A_883 : i32 to index
    %swap3A_885 = arith.constant 16 : index
    %swap3A_886 = tpu.vector_load %arg9[%swap3A_884, %swap3A_885] {strides = array<i32>} : memref<4x128xi32, #tpu.memory_space<vmem>>, vector<1x16xi32>,
    %swap3A_887 = vector.shape_cast %swap3A_886 : vector<1x16xi32> to vector<16xi32>
    %swap3A_888 = vector.shape_cast %or3A_882 : vector<16xi32> to vector<1x16xi32>
    tpu.vector_store %arg9[%swap3A_884, %swap3A_885], %swap3A_888 {strides = array<i32>} : memref<4x128xi32, #tpu.memory_space<vmem>>, vector<1x16xi32>,
    %get3A_889 = arith.constant 1 : i32
    %get3A_890 = arith.index_cast %get3A_889 : i32 to index
    %get3A_891 = arith.constant 32 : index
    %get3A_892 = tpu.vector_load %arg8[%get3A_890, %get3A_891] {strides = array<i32>} : memref<4x128xi32, #tpu.memory_space<vmem>>, vector<1x16xi32>,
    %get3A_893 = vector.shape_cast %get3A_892 : vector<1x16xi32> to vector<16xi32>
    %shift_right_logical3A_894 = arith.constant 13 : i32
    %shift_right_logical3A_895 = vector.broadcast %shift_right_logical3A_894 : i32 to vector<16xi32>
    %shift_right_logical3A_896 = arith.shrui %get3A_893, %shift_right_logical3A_895 : vector<16xi32>
    %shift_left3A_897 = arith.constant 11 : i32
    %shift_left3A_898 = vector.broadcast %shift_left3A_897 : i32 to vector<16xi32>
    %shift_left3A_899 = arith.shli %shift_right_logical3A_896, %shift_left3A_898 : vector<16xi32>
    %and3A_900 = arith.constant 2047 : i32
    %and3A_901 = vector.broadcast %and3A_900 : i32 to vector<16xi32>
    %and3A_902 = arith.andi %get3A_893, %and3A_901 : vector<16xi32>
    %or3A_903 = arith.ori %shift_left3A_899, %and3A_902 : vector<16xi32>
    %swap3A_904 = arith.constant 1 : i32
    %swap3A_905 = arith.index_cast %swap3A_904 : i32 to index
    %swap3A_906 = arith.constant 32 : index
    %swap3A_907 = tpu.vector_load %arg9[%swap3A_905, %swap3A_906] {strides = array<i32>} : memref<4x128xi32, #tpu.memory_space<vmem>>, vector<1x16xi32>,
    %swap3A_908 = vector.shape_cast %swap3A_907 : vector<1x16xi32> to vector<16xi32>
    %swap3A_909 = vector.shape_cast %or3A_903 : vector<16xi32> to vector<1x16xi32>
    tpu.vector_store %arg9[%swap3A_905, %swap3A_906], %swap3A_909 {strides = array<i32>} : memref<4x128xi32, #tpu.memory_space<vmem>>, vector<1x16xi32>,
    %get3A_910 = arith.constant 1 : i32
    %get3A_911 = arith.index_cast %get3A_910 : i32 to index
    %get3A_912 = arith.constant 48 : index
    %get3A_913 = tpu.vector_load %arg8[%get3A_911, %get3A_912] {strides = array<i32>} : memref<4x128xi32, #tpu.memory_space<vmem>>, vector<1x16xi32>,
    %get3A_914 = vector.shape_cast %get3A_913 : vector<1x16xi32> to vector<16xi32>
    %shift_right_logical3A_915 = arith.constant 13 : i32
    %shift_right_logical3A_916 = vector.broadcast %shift_right_logical3A_915 : i32 to vector<16xi32>
    %shift_right_logical3A_917 = arith.shrui %get3A_914, %shift_right_logical3A_916 : vector<16xi32>
    %shift_left3A_918 = arith.constant 11 : i32
    %shift_left3A_919 = vector.broadcast %shift_left3A_918 : i32 to vector<16xi32>
    %shift_left3A_920 = arith.shli %shift_right_logical3A_917, %shift_left3A_919 : vector<16xi32>
    %and3A_921 = arith.constant 2047 : i32
    %and3A_922 = vector.broadcast %and3A_921 : i32 to vector<16xi32>
    %and3A_923 = arith.andi %get3A_914, %and3A_922 : vector<16xi32>
    %or3A_924 = arith.ori %shift_left3A_920, %and3A_923 : vector<16xi32>
    %swap3A_925 = arith.constant 1 : i32
    %swap3A_926 = arith.index_cast %swap3A_925 : i32 to index
    %swap3A_927 = arith.constant 48 : index
    %swap3A_928 = tpu.vector_load %arg9[%swap3A_926, %swap3A_927] {strides = array<i32>} : memref<4x128xi32, #tpu.memory_space<vmem>>, vector<1x16xi32>,
    %swap3A_929 = vector.shape_cast %swap3A_928 : vector<1x16xi32> to vector<16xi32>
    %swap3A_930 = vector.shape_cast %or3A_924 : vector<16xi32> to vector<1x16xi32>
    tpu.vector_store %arg9[%swap3A_926, %swap3A_927], %swap3A_930 {strides = array<i32>} : memref<4x128xi32, #tpu.memory_space<vmem>>, vector<1x16xi32>,
    %get3A_931 = arith.constant 1 : i32
    %get3A_932 = arith.index_cast %get3A_931 : i32 to index
    %get3A_933 = arith.constant 64 : index
    %get3A_934 = tpu.vector_load %arg8[%get3A_932, %get3A_933] {strides = array<i32>} : memref<4x128xi32, #tpu.memory_space<vmem>>, vector<1x16xi32>,
    %get3A_935 = vector.shape_cast %get3A_934 : vector<1x16xi32> to vector<16xi32>
    %shift_right_logical3A_936 = arith.constant 13 : i32
    %shift_right_logical3A_937 = vector.broadcast %shift_right_logical3A_936 : i32 to vector<16xi32>
    %shift_right_logical3A_938 = arith.shrui %get3A_935, %shift_right_logical3A_937 : vector<16xi32>
    %shift_left3A_939 = arith.constant 11 : i32
    %shift_left3A_940 = vector.broadcast %shift_left3A_939 : i32 to vector<16xi32>
    %shift_left3A_941 = arith.shli %shift_right_logical3A_938, %shift_left3A_940 : vector<16xi32>
    %and3A_942 = arith.constant 2047 : i32
    %and3A_943 = vector.broadcast %and3A_942 : i32 to vector<16xi32>
    %and3A_944 = arith.andi %get3A_935, %and3A_943 : vector<16xi32>
    %or3A_945 = arith.ori %shift_left3A_941, %and3A_944 : vector<16xi32>
    %swap3A_946 = arith.constant 1 : i32
    %swap3A_947 = arith.index_cast %swap3A_946 : i32 to index
    %swap3A_948 = arith.constant 64 : index
    %swap3A_949 = tpu.vector_load %arg9[%swap3A_947, %swap3A_948] {strides = array<i32>} : memref<4x128xi32, #tpu.memory_space<vmem>>, vector<1x16xi32>,
    %swap3A_950 = vector.shape_cast %swap3A_949 : vector<1x16xi32> to vector<16xi32>
    %swap3A_951 = vector.shape_cast %or3A_945 : vector<16xi32> to vector<1x16xi32>
    tpu.vector_store %arg9[%swap3A_947, %swap3A_948], %swap3A_951 {strides = array<i32>} : memref<4x128xi32, #tpu.memory_space<vmem>>, vector<1x16xi32>,
    %get3A_952 = arith.constant 1 : i32
    %get3A_953 = arith.index_cast %get3A_952 : i32 to index
    %get3A_954 = arith.constant 80 : index
    %get3A_955 = tpu.vector_load %arg8[%get3A_953, %get3A_954] {strides = array<i32>} : memref<4x128xi32, #tpu.memory_space<vmem>>, vector<1x16xi32>,
    %get3A_956 = vector.shape_cast %get3A_955 : vector<1x16xi32> to vector<16xi32>
    %shift_right_logical3A_957 = arith.constant 13 : i32
    %shift_right_logical3A_958 = vector.broadcast %shift_right_logical3A_957 : i32 to vector<16xi32>
    %shift_right_logical3A_959 = arith.shrui %get3A_956, %shift_right_logical3A_958 : vector<16xi32>
    %shift_left3A_960 = arith.constant 11 : i32
    %shift_left3A_961 = vector.broadcast %shift_left3A_960 : i32 to vector<16xi32>
    %shift_left3A_962 = arith.shli %shift_right_logical3A_959, %shift_left3A_961 : vector<16xi32>
    %and3A_963 = arith.constant 2047 : i32
    %and3A_964 = vector.broadcast %and3A_963 : i32 to vector<16xi32>
    %and3A_965 = arith.andi %get3A_956, %and3A_964 : vector<16xi32>
    %or3A_966 = arith.ori %shift_left3A_962, %and3A_965 : vector<16xi32>
    %swap3A_967 = arith.constant 1 : i32
    %swap3A_968 = arith.index_cast %swap3A_967 : i32 to index
    %swap3A_969 = arith.constant 80 : index
    %swap3A_970 = tpu.vector_load %arg9[%swap3A_968, %swap3A_969] {strides = array<i32>} : memref<4x128xi32, #tpu.memory_space<vmem>>, vector<1x16xi32>,
    %swap3A_971 = vector.shape_cast %swap3A_970 : vector<1x16xi32> to vector<16xi32>
    %swap3A_972 = vector.shape_cast %or3A_966 : vector<16xi32> to vector<1x16xi32>
    tpu.vector_store %arg9[%swap3A_968, %swap3A_969], %swap3A_972 {strides = array<i32>} : memref<4x128xi32, #tpu.memory_space<vmem>>, vector<1x16xi32>,
    %get3A_973 = arith.constant 1 : i32
    %get3A_974 = arith.index_cast %get3A_973 : i32 to index
    %get3A_975 = arith.constant 96 : index
    %get3A_976 = tpu.vector_load %arg8[%get3A_974, %get3A_975] {strides = array<i32>} : memref<4x128xi32, #tpu.memory_space<vmem>>, vector<1x16xi32>,
    %get3A_977 = vector.shape_cast %get3A_976 : vector<1x16xi32> to vector<16xi32>
    %shift_right_logical3A_978 = arith.constant 13 : i32
    %shift_right_logical3A_979 = vector.broadcast %shift_right_logical3A_978 : i32 to vector<16xi32>
    %shift_right_logical3A_980 = arith.shrui %get3A_977, %shift_right_logical3A_979 : vector<16xi32>
    %shift_left3A_981 = arith.constant 11 : i32
    %shift_left3A_982 = vector.broadcast %shift_left3A_981 : i32 to vector<16xi32>
    %shift_left3A_983 = arith.shli %shift_right_logical3A_980, %shift_left3A_982 : vector<16xi32>
    %and3A_984 = arith.constant 2047 : i32
    %and3A_985 = vector.broadcast %and3A_984 : i32 to vector<16xi32>
    %and3A_986 = arith.andi %get3A_977, %and3A_985 : vector<16xi32>
    %or3A_987 = arith.ori %shift_left3A_983, %and3A_986 : vector<16xi32>
    %swap3A_988 = arith.constant 1 : i32
    %swap3A_989 = arith.index_cast %swap3A_988 : i32 to index
    %swap3A_990 = arith.constant 96 : index
    %swap3A_991 = tpu.vector_load %arg9[%swap3A_989, %swap3A_990] {strides = array<i32>} : memref<4x128xi32, #tpu.memory_space<vmem>>, vector<1x16xi32>,
    %swap3A_992 = vector.shape_cast %swap3A_991 : vector<1x16xi32> to vector<16xi32>
    %swap3A_993 = vector.shape_cast %or3A_987 : vector<16xi32> to vector<1x16xi32>
    tpu.vector_store %arg9[%swap3A_989, %swap3A_990], %swap3A_993 {strides = array<i32>} : memref<4x128xi32, #tpu.memory_space<vmem>>, vector<1x16xi32>,
    %get3A_994 = arith.constant 1 : i32
    %get3A_995 = arith.index_cast %get3A_994 : i32 to index
    %get3A_996 = arith.constant 112 : index
    %get3A_997 = tpu.vector_load %arg8[%get3A_995, %get3A_996] {strides = array<i32>} : memref<4x128xi32, #tpu.memory_space<vmem>>, vector<1x16xi32>,
    %get3A_998 = vector.shape_cast %get3A_997 : vector<1x16xi32> to vector<16xi32>
    %shift_right_logical3A_999 = arith.constant 13 : i32
    %shift_right_logical3A_1000 = vector.broadcast %shift_right_logical3A_999 : i32 to vector<16xi32>
    %shift_right_logical3A_1001 = arith.shrui %get3A_998, %shift_right_logical3A_1000 : vector<16xi32>
    %shift_left3A_1002 = arith.constant 11 : i32
    %shift_left3A_1003 = vector.broadcast %shift_left3A_1002 : i32 to vector<16xi32>
    %shift_left3A_1004 = arith.shli %shift_right_logical3A_1001, %shift_left3A_1003 : vector<16xi32>
    %and3A_1005 = arith.constant 2047 : i32
    %and3A_1006 = vector.broadcast %and3A_1005 : i32 to vector<16xi32>
    %and3A_1007 = arith.andi %get3A_998, %and3A_1006 : vector<16xi32>
    %or3A_1008 = arith.ori %shift_left3A_1004, %and3A_1007 : vector<16xi32>
    %swap3A_1009 = arith.constant 1 : i32
    %swap3A_1010 = arith.index_cast %swap3A_1009 : i32 to index
    %swap3A_1011 = arith.constant 112 : index
    %swap3A_1012 = tpu.vector_load %arg9[%swap3A_1010, %swap3A_1011] {strides = array<i32>} : memref<4x128xi32, #tpu.memory_space<vmem>>, vector<1x16xi32>,
    %swap3A_1013 = vector.shape_cast %swap3A_1012 : vector<1x16xi32> to vector<16xi32>
    %swap3A_1014 = vector.shape_cast %or3A_1008 : vector<16xi32> to vector<1x16xi32>
    tpu.vector_store %arg9[%swap3A_1010, %swap3A_1011], %swap3A_1014 {strides = array<i32>} : memref<4x128xi32, #tpu.memory_space<vmem>>, vector<1x16xi32>,
    %get3A_1015 = arith.constant 2 : i32
    %get3A_1016 = arith.index_cast %get3A_1015 : i32 to index
    %get3A_1017 = arith.constant 0 : index
    %get3A_1018 = tpu.vector_load %arg8[%get3A_1016, %get3A_1017] {strides = array<i32>} : memref<4x128xi32, #tpu.memory_space<vmem>>, vector<1x16xi32>,
    %get3A_1019 = vector.shape_cast %get3A_1018 : vector<1x16xi32> to vector<16xi32>
    %shift_right_logical3A_1020 = arith.constant 13 : i32
    %shift_right_logical3A_1021 = vector.broadcast %shift_right_logical3A_1020 : i32 to vector<16xi32>
    %shift_right_logical3A_1022 = arith.shrui %get3A_1019, %shift_right_logical3A_1021 : vector<16xi32>
    %shift_left3A_1023 = arith.constant 11 : i32
    %shift_left3A_1024 = vector.broadcast %shift_left3A_1023 : i32 to vector<16xi32>
    %shift_left3A_1025 = arith.shli %shift_right_logical3A_1022, %shift_left3A_1024 : vector<16xi32>
    %and3A_1026 = arith.constant 2047 : i32
    %and3A_1027 = vector.broadcast %and3A_1026 : i32 to vector<16xi32>
    %and3A_1028 = arith.andi %get3A_1019, %and3A_1027 : vector<16xi32>
    %or3A_1029 = arith.ori %shift_left3A_1025, %and3A_1028 : vector<16xi32>
    %swap3A_1030 = arith.constant 2 : i32
    %swap3A_1031 = arith.index_cast %swap3A_1030 : i32 to index
    %swap3A_1032 = arith.constant 0 : index
    %swap3A_1033 = tpu.vector_load %arg9[%swap3A_1031, %swap3A_1032] {strides = array<i32>} : memref<4x128xi32, #tpu.memory_space<vmem>>, vector<1x16xi32>,
    %swap3A_1034 = vector.shape_cast %swap3A_1033 : vector<1x16xi32> to vector<16xi32>
    %swap3A_1035 = vector.shape_cast %or3A_1029 : vector<16xi32> to vector<1x16xi32>
    tpu.vector_store %arg9[%swap3A_1031, %swap3A_1032], %swap3A_1035 {strides = array<i32>} : memref<4x128xi32, #tpu.memory_space<vmem>>, vector<1x16xi32>,
    %get3A_1036 = arith.constant 2 : i32
    %get3A_1037 = arith.index_cast %get3A_1036 : i32 to index
    %get3A_1038 = arith.constant 16 : index
    %get3A_1039 = tpu.vector_load %arg8[%get3A_1037, %get3A_1038] {strides = array<i32>} : memref<4x128xi32, #tpu.memory_space<vmem>>, vector<1x16xi32>,
    %get3A_1040 = vector.shape_cast %get3A_1039 : vector<1x16xi32> to vector<16xi32>
    %shift_right_logical3A_1041 = arith.constant 13 : i32
    %shift_right_logical3A_1042 = vector.broadcast %shift_right_logical3A_1041 : i32 to vector<16xi32>
    %shift_right_logical3A_1043 = arith.shrui %get3A_1040, %shift_right_logical3A_1042 : vector<16xi32>
    %shift_left3A_1044 = arith.constant 11 : i32
    %shift_left3A_1045 = vector.broadcast %shift_left3A_1044 : i32 to vector<16xi32>
    %shift_left3A_1046 = arith.shli %shift_right_logical3A_1043, %shift_left3A_1045 : vector<16xi32>
    %and3A_1047 = arith.constant 2047 : i32
    %and3A_1048 = vector.broadcast %and3A_1047 : i32 to vector<16xi32>
    %and3A_1049 = arith.andi %get3A_1040, %and3A_1048 : vector<16xi32>
    %or3A_1050 = arith.ori %shift_left3A_1046, %and3A_1049 : vector<16xi32>
    %swap3A_1051 = arith.constant 2 : i32
    %swap3A_1052 = arith.index_cast %swap3A_1051 : i32 to index
    %swap3A_1053 = arith.constant 16 : index
    %swap3A_1054 = tpu.vector_load %arg9[%swap3A_1052, %swap3A_1053] {strides = array<i32>} : memref<4x128xi32, #tpu.memory_space<vmem>>, vector<1x16xi32>,
    %swap3A_1055 = vector.shape_cast %swap3A_1054 : vector<1x16xi32> to vector<16xi32>
    %swap3A_1056 = vector.shape_cast %or3A_1050 : vector<16xi32> to vector<1x16xi32>
    tpu.vector_store %arg9[%swap3A_1052, %swap3A_1053], %swap3A_1056 {strides = array<i32>} : memref<4x128xi32, #tpu.memory_space<vmem>>, vector<1x16xi32>,
    %get3A_1057 = arith.constant 2 : i32
    %get3A_1058 = arith.index_cast %get3A_1057 : i32 to index
    %get3A_1059 = arith.constant 32 : index
    %get3A_1060 = tpu.vector_load %arg8[%get3A_1058, %get3A_1059] {strides = array<i32>} : memref<4x128xi32, #tpu.memory_space<vmem>>, vector<1x16xi32>,
    %get3A_1061 = vector.shape_cast %get3A_1060 : vector<1x16xi32> to vector<16xi32>
    %shift_right_logical3A_1062 = arith.constant 13 : i32
    %shift_right_logical3A_1063 = vector.broadcast %shift_right_logical3A_1062 : i32 to vector<16xi32>
    %shift_right_logical3A_1064 = arith.shrui %get3A_1061, %shift_right_logical3A_1063 : vector<16xi32>
    %shift_left3A_1065 = arith.constant 11 : i32
    %shift_left3A_1066 = vector.broadcast %shift_left3A_1065 : i32 to vector<16xi32>
    %shift_left3A_1067 = arith.shli %shift_right_logical3A_1064, %shift_left3A_1066 : vector<16xi32>
    %and3A_1068 = arith.constant 2047 : i32
    %and3A_1069 = vector.broadcast %and3A_1068 : i32 to vector<16xi32>
    %and3A_1070 = arith.andi %get3A_1061, %and3A_1069 : vector<16xi32>
    %or3A_1071 = arith.ori %shift_left3A_1067, %and3A_1070 : vector<16xi32>
    %swap3A_1072 = arith.constant 2 : i32
    %swap3A_1073 = arith.index_cast %swap3A_1072 : i32 to index
    %swap3A_1074 = arith.constant 32 : index
    %swap3A_1075 = tpu.vector_load %arg9[%swap3A_1073, %swap3A_1074] {strides = array<i32>} : memref<4x128xi32, #tpu.memory_space<vmem>>, vector<1x16xi32>,
    %swap3A_1076 = vector.shape_cast %swap3A_1075 : vector<1x16xi32> to vector<16xi32>
    %swap3A_1077 = vector.shape_cast %or3A_1071 : vector<16xi32> to vector<1x16xi32>
    tpu.vector_store %arg9[%swap3A_1073, %swap3A_1074], %swap3A_1077 {strides = array<i32>} : memref<4x128xi32, #tpu.memory_space<vmem>>, vector<1x16xi32>,
    %get3A_1078 = arith.constant 2 : i32
    %get3A_1079 = arith.index_cast %get3A_1078 : i32 to index
    %get3A_1080 = arith.constant 48 : index
    %get3A_1081 = tpu.vector_load %arg8[%get3A_1079, %get3A_1080] {strides = array<i32>} : memref<4x128xi32, #tpu.memory_space<vmem>>, vector<1x16xi32>,
    %get3A_1082 = vector.shape_cast %get3A_1081 : vector<1x16xi32> to vector<16xi32>
    %shift_right_logical3A_1083 = arith.constant 13 : i32
    %shift_right_logical3A_1084 = vector.broadcast %shift_right_logical3A_1083 : i32 to vector<16xi32>
    %shift_right_logical3A_1085 = arith.shrui %get3A_1082, %shift_right_logical3A_1084 : vector<16xi32>
    %shift_left3A_1086 = arith.constant 11 : i32
    %shift_left3A_1087 = vector.broadcast %shift_left3A_1086 : i32 to vector<16xi32>
    %shift_left3A_1088 = arith.shli %shift_right_logical3A_1085, %shift_left3A_1087 : vector<16xi32>
    %and3A_1089 = arith.constant 2047 : i32
    %and3A_1090 = vector.broadcast %and3A_1089 : i32 to vector<16xi32>
    %and3A_1091 = arith.andi %get3A_1082, %and3A_1090 : vector<16xi32>
    %or3A_1092 = arith.ori %shift_left3A_1088, %and3A_1091 : vector<16xi32>
    %swap3A_1093 = arith.constant 2 : i32
    %swap3A_1094 = arith.index_cast %swap3A_1093 : i32 to index
    %swap3A_1095 = arith.constant 48 : index
    %swap3A_1096 = tpu.vector_load %arg9[%swap3A_1094, %swap3A_1095] {strides = array<i32>} : memref<4x128xi32, #tpu.memory_space<vmem>>, vector<1x16xi32>,
    %swap3A_1097 = vector.shape_cast %swap3A_1096 : vector<1x16xi32> to vector<16xi32>
    %swap3A_1098 = vector.shape_cast %or3A_1092 : vector<16xi32> to vector<1x16xi32>
    tpu.vector_store %arg9[%swap3A_1094, %swap3A_1095], %swap3A_1098 {strides = array<i32>} : memref<4x128xi32, #tpu.memory_space<vmem>>, vector<1x16xi32>,
    %get3A_1099 = arith.constant 2 : i32
    %get3A_1100 = arith.index_cast %get3A_1099 : i32 to index
    %get3A_1101 = arith.constant 64 : index
    %get3A_1102 = tpu.vector_load %arg8[%get3A_1100, %get3A_1101] {strides = array<i32>} : memref<4x128xi32, #tpu.memory_space<vmem>>, vector<1x16xi32>,
    %get3A_1103 = vector.shape_cast %get3A_1102 : vector<1x16xi32> to vector<16xi32>
    %shift_right_logical3A_1104 = arith.constant 13 : i32
    %shift_right_logical3A_1105 = vector.broadcast %shift_right_logical3A_1104 : i32 to vector<16xi32>
    %shift_right_logical3A_1106 = arith.shrui %get3A_1103, %shift_right_logical3A_1105 : vector<16xi32>
    %shift_left3A_1107 = arith.constant 11 : i32
    %shift_left3A_1108 = vector.broadcast %shift_left3A_1107 : i32 to vector<16xi32>
    %shift_left3A_1109 = arith.shli %shift_right_logical3A_1106, %shift_left3A_1108 : vector<16xi32>
    %and3A_1110 = arith.constant 2047 : i32
    %and3A_1111 = vector.broadcast %and3A_1110 : i32 to vector<16xi32>
    %and3A_1112 = arith.andi %get3A_1103, %and3A_1111 : vector<16xi32>
    %or3A_1113 = arith.ori %shift_left3A_1109, %and3A_1112 : vector<16xi32>
    %swap3A_1114 = arith.constant 2 : i32
    %swap3A_1115 = arith.index_cast %swap3A_1114 : i32 to index
    %swap3A_1116 = arith.constant 64 : index
    %swap3A_1117 = tpu.vector_load %arg9[%swap3A_1115, %swap3A_1116] {strides = array<i32>} : memref<4x128xi32, #tpu.memory_space<vmem>>, vector<1x16xi32>,
    %swap3A_1118 = vector.shape_cast %swap3A_1117 : vector<1x16xi32> to vector<16xi32>
    %swap3A_1119 = vector.shape_cast %or3A_1113 : vector<16xi32> to vector<1x16xi32>
    tpu.vector_store %arg9[%swap3A_1115, %swap3A_1116], %swap3A_1119 {strides = array<i32>} : memref<4x128xi32, #tpu.memory_space<vmem>>, vector<1x16xi32>,
    %get3A_1120 = arith.constant 2 : i32
    %get3A_1121 = arith.index_cast %get3A_1120 : i32 to index
    %get3A_1122 = arith.constant 80 : index
    %get3A_1123 = tpu.vector_load %arg8[%get3A_1121, %get3A_1122] {strides = array<i32>} : memref<4x128xi32, #tpu.memory_space<vmem>>, vector<1x16xi32>,
    %get3A_1124 = vector.shape_cast %get3A_1123 : vector<1x16xi32> to vector<16xi32>
    %shift_right_logical3A_1125 = arith.constant 13 : i32
    %shift_right_logical3A_1126 = vector.broadcast %shift_right_logical3A_1125 : i32 to vector<16xi32>
    %shift_right_logical3A_1127 = arith.shrui %get3A_1124, %shift_right_logical3A_1126 : vector<16xi32>
    %shift_left3A_1128 = arith.constant 11 : i32
    %shift_left3A_1129 = vector.broadcast %shift_left3A_1128 : i32 to vector<16xi32>
    %shift_left3A_1130 = arith.shli %shift_right_logical3A_1127, %shift_left3A_1129 : vector<16xi32>
    %and3A_1131 = arith.constant 2047 : i32
    %and3A_1132 = vector.broadcast %and3A_1131 : i32 to vector<16xi32>
    %and3A_1133 = arith.andi %get3A_1124, %and3A_1132 : vector<16xi32>
    %or3A_1134 = arith.ori %shift_left3A_1130, %and3A_1133 : vector<16xi32>
    %swap3A_1135 = arith.constant 2 : i32
    %swap3A_1136 = arith.index_cast %swap3A_1135 : i32 to index
    %swap3A_1137 = arith.constant 80 : index
    %swap3A_1138 = tpu.vector_load %arg9[%swap3A_1136, %swap3A_1137] {strides = array<i32>} : memref<4x128xi32, #tpu.memory_space<vmem>>, vector<1x16xi32>,
    %swap3A_1139 = vector.shape_cast %swap3A_1138 : vector<1x16xi32> to vector<16xi32>
    %swap3A_1140 = vector.shape_cast %or3A_1134 : vector<16xi32> to vector<1x16xi32>
    tpu.vector_store %arg9[%swap3A_1136, %swap3A_1137], %swap3A_1140 {strides = array<i32>} : memref<4x128xi32, #tpu.memory_space<vmem>>, vector<1x16xi32>,
    %get3A_1141 = arith.constant 2 : i32
    %get3A_1142 = arith.index_cast %get3A_1141 : i32 to index
    %get3A_1143 = arith.constant 96 : index
    %get3A_1144 = tpu.vector_load %arg8[%get3A_1142, %get3A_1143] {strides = array<i32>} : memref<4x128xi32, #tpu.memory_space<vmem>>, vector<1x16xi32>,
    %get3A_1145 = vector.shape_cast %get3A_1144 : vector<1x16xi32> to vector<16xi32>
    %shift_right_logical3A_1146 = arith.constant 13 : i32
    %shift_right_logical3A_1147 = vector.broadcast %shift_right_logical3A_1146 : i32 to vector<16xi32>
    %shift_right_logical3A_1148 = arith.shrui %get3A_1145, %shift_right_logical3A_1147 : vector<16xi32>
    %shift_left3A_1149 = arith.constant 11 : i32
    %shift_left3A_1150 = vector.broadcast %shift_left3A_1149 : i32 to vector<16xi32>
    %shift_left3A_1151 = arith.shli %shift_right_logical3A_1148, %shift_left3A_1150 : vector<16xi32>
    %and3A_1152 = arith.constant 2047 : i32
    %and3A_1153 = vector.broadcast %and3A_1152 : i32 to vector<16xi32>
    %and3A_1154 = arith.andi %get3A_1145, %and3A_1153 : vector<16xi32>
    %or3A_1155 = arith.ori %shift_left3A_1151, %and3A_1154 : vector<16xi32>
    %swap3A_1156 = arith.constant 2 : i32
    %swap3A_1157 = arith.index_cast %swap3A_1156 : i32 to index
    %swap3A_1158 = arith.constant 96 : index
    %swap3A_1159 = tpu.vector_load %arg9[%swap3A_1157, %swap3A_1158] {strides = array<i32>} : memref<4x128xi32, #tpu.memory_space<vmem>>, vector<1x16xi32>,
    %swap3A_1160 = vector.shape_cast %swap3A_1159 : vector<1x16xi32> to vector<16xi32>
    %swap3A_1161 = vector.shape_cast %or3A_1155 : vector<16xi32> to vector<1x16xi32>
    tpu.vector_store %arg9[%swap3A_1157, %swap3A_1158], %swap3A_1161 {strides = array<i32>} : memref<4x128xi32, #tpu.memory_space<vmem>>, vector<1x16xi32>,
    %get3A_1162 = arith.constant 2 : i32
    %get3A_1163 = arith.index_cast %get3A_1162 : i32 to index
    %get3A_1164 = arith.constant 112 : index
    %get3A_1165 = tpu.vector_load %arg8[%get3A_1163, %get3A_1164] {strides = array<i32>} : memref<4x128xi32, #tpu.memory_space<vmem>>, vector<1x16xi32>,
    %get3A_1166 = vector.shape_cast %get3A_1165 : vector<1x16xi32> to vector<16xi32>
    %shift_right_logical3A_1167 = arith.constant 13 : i32
    %shift_right_logical3A_1168 = vector.broadcast %shift_right_logical3A_1167 : i32 to vector<16xi32>
    %shift_right_logical3A_1169 = arith.shrui %get3A_1166, %shift_right_logical3A_1168 : vector<16xi32>
    %shift_left3A_1170 = arith.constant 11 : i32
    %shift_left3A_1171 = vector.broadcast %shift_left3A_1170 : i32 to vector<16xi32>
    %shift_left3A_1172 = arith.shli %shift_right_logical3A_1169, %shift_left3A_1171 : vector<16xi32>
    %and3A_1173 = arith.constant 2047 : i32
    %and3A_1174 = vector.broadcast %and3A_1173 : i32 to vector<16xi32>
    %and3A_1175 = arith.andi %get3A_1166, %and3A_1174 : vector<16xi32>
    %or3A_1176 = arith.ori %shift_left3A_1172, %and3A_1175 : vector<16xi32>
    %swap3A_1177 = arith.constant 2 : i32
    %swap3A_1178 = arith.index_cast %swap3A_1177 : i32 to index
    %swap3A_1179 = arith.constant 112 : index
    %swap3A_1180 = tpu.vector_load %arg9[%swap3A_1178, %swap3A_1179] {strides = array<i32>} : memref<4x128xi32, #tpu.memory_space<vmem>>, vector<1x16xi32>,
    %swap3A_1181 = vector.shape_cast %swap3A_1180 : vector<1x16xi32> to vector<16xi32>
    %swap3A_1182 = vector.shape_cast %or3A_1176 : vector<16xi32> to vector<1x16xi32>
    tpu.vector_store %arg9[%swap3A_1178, %swap3A_1179], %swap3A_1182 {strides = array<i32>} : memref<4x128xi32, #tpu.memory_space<vmem>>, vector<1x16xi32>,
    %get3A_1183 = arith.constant 3 : i32
    %get3A_1184 = arith.index_cast %get3A_1183 : i32 to index
    %get3A_1185 = arith.constant 0 : index
    %get3A_1186 = tpu.vector_load %arg8[%get3A_1184, %get3A_1185] {strides = array<i32>} : memref<4x128xi32, #tpu.memory_space<vmem>>, vector<1x16xi32>,
    %get3A_1187 = vector.shape_cast %get3A_1186 : vector<1x16xi32> to vector<16xi32>
    %shift_right_logical3A_1188 = arith.constant 13 : i32
    %shift_right_logical3A_1189 = vector.broadcast %shift_right_logical3A_1188 : i32 to vector<16xi32>
    %shift_right_logical3A_1190 = arith.shrui %get3A_1187, %shift_right_logical3A_1189 : vector<16xi32>
    %shift_left3A_1191 = arith.constant 11 : i32
    %shift_left3A_1192 = vector.broadcast %shift_left3A_1191 : i32 to vector<16xi32>
    %shift_left3A_1193 = arith.shli %shift_right_logical3A_1190, %shift_left3A_1192 : vector<16xi32>
    %and3A_1194 = arith.constant 2047 : i32
    %and3A_1195 = vector.broadcast %and3A_1194 : i32 to vector<16xi32>
    %and3A_1196 = arith.andi %get3A_1187, %and3A_1195 : vector<16xi32>
    %or3A_1197 = arith.ori %shift_left3A_1193, %and3A_1196 : vector<16xi32>
    %swap3A_1198 = arith.constant 3 : i32
    %swap3A_1199 = arith.index_cast %swap3A_1198 : i32 to index
    %swap3A_1200 = arith.constant 0 : index
    %swap3A_1201 = tpu.vector_load %arg9[%swap3A_1199, %swap3A_1200] {strides = array<i32>} : memref<4x128xi32, #tpu.memory_space<vmem>>, vector<1x16xi32>,
    %swap3A_1202 = vector.shape_cast %swap3A_1201 : vector<1x16xi32> to vector<16xi32>
    %swap3A_1203 = vector.shape_cast %or3A_1197 : vector<16xi32> to vector<1x16xi32>
    tpu.vector_store %arg9[%swap3A_1199, %swap3A_1200], %swap3A_1203 {strides = array<i32>} : memref<4x128xi32, #tpu.memory_space<vmem>>, vector<1x16xi32>,
    %get3A_1204 = arith.constant 3 : i32
    %get3A_1205 = arith.index_cast %get3A_1204 : i32 to index
    %get3A_1206 = arith.constant 16 : index
    %get3A_1207 = tpu.vector_load %arg8[%get3A_1205, %get3A_1206] {strides = array<i32>} : memref<4x128xi32, #tpu.memory_space<vmem>>, vector<1x16xi32>,
    %get3A_1208 = vector.shape_cast %get3A_1207 : vector<1x16xi32> to vector<16xi32>
    %shift_right_logical3A_1209 = arith.constant 13 : i32
    %shift_right_logical3A_1210 = vector.broadcast %shift_right_logical3A_1209 : i32 to vector<16xi32>
    %shift_right_logical3A_1211 = arith.shrui %get3A_1208, %shift_right_logical3A_1210 : vector<16xi32>
    %shift_left3A_1212 = arith.constant 11 : i32
    %shift_left3A_1213 = vector.broadcast %shift_left3A_1212 : i32 to vector<16xi32>
    %shift_left3A_1214 = arith.shli %shift_right_logical3A_1211, %shift_left3A_1213 : vector<16xi32>
    %and3A_1215 = arith.constant 2047 : i32
    %and3A_1216 = vector.broadcast %and3A_1215 : i32 to vector<16xi32>
    %and3A_1217 = arith.andi %get3A_1208, %and3A_1216 : vector<16xi32>
    %or3A_1218 = arith.ori %shift_left3A_1214, %and3A_1217 : vector<16xi32>
    %swap3A_1219 = arith.constant 3 : i32
    %swap3A_1220 = arith.index_cast %swap3A_1219 : i32 to index
    %swap3A_1221 = arith.constant 16 : index
    %swap3A_1222 = tpu.vector_load %arg9[%swap3A_1220, %swap3A_1221] {strides = array<i32>} : memref<4x128xi32, #tpu.memory_space<vmem>>, vector<1x16xi32>,
    %swap3A_1223 = vector.shape_cast %swap3A_1222 : vector<1x16xi32> to vector<16xi32>
    %swap3A_1224 = vector.shape_cast %or3A_1218 : vector<16xi32> to vector<1x16xi32>
    tpu.vector_store %arg9[%swap3A_1220, %swap3A_1221], %swap3A_1224 {strides = array<i32>} : memref<4x128xi32, #tpu.memory_space<vmem>>, vector<1x16xi32>,
    %get3A_1225 = arith.constant 3 : i32
    %get3A_1226 = arith.index_cast %get3A_1225 : i32 to index
    %get3A_1227 = arith.constant 32 : index
    %get3A_1228 = tpu.vector_load %arg8[%get3A_1226, %get3A_1227] {strides = array<i32>} : memref<4x128xi32, #tpu.memory_space<vmem>>, vector<1x16xi32>,
    %get3A_1229 = vector.shape_cast %get3A_1228 : vector<1x16xi32> to vector<16xi32>
    %shift_right_logical3A_1230 = arith.constant 13 : i32
    %shift_right_logical3A_1231 = vector.broadcast %shift_right_logical3A_1230 : i32 to vector<16xi32>
    %shift_right_logical3A_1232 = arith.shrui %get3A_1229, %shift_right_logical3A_1231 : vector<16xi32>
    %shift_left3A_1233 = arith.constant 11 : i32
    %shift_left3A_1234 = vector.broadcast %shift_left3A_1233 : i32 to vector<16xi32>
    %shift_left3A_1235 = arith.shli %shift_right_logical3A_1232, %shift_left3A_1234 : vector<16xi32>
    %and3A_1236 = arith.constant 2047 : i32
    %and3A_1237 = vector.broadcast %and3A_1236 : i32 to vector<16xi32>
    %and3A_1238 = arith.andi %get3A_1229, %and3A_1237 : vector<16xi32>
    %or3A_1239 = arith.ori %shift_left3A_1235, %and3A_1238 : vector<16xi32>
    %swap3A_1240 = arith.constant 3 : i32
    %swap3A_1241 = arith.index_cast %swap3A_1240 : i32 to index
    %swap3A_1242 = arith.constant 32 : index
    %swap3A_1243 = tpu.vector_load %arg9[%swap3A_1241, %swap3A_1242] {strides = array<i32>} : memref<4x128xi32, #tpu.memory_space<vmem>>, vector<1x16xi32>,
    %swap3A_1244 = vector.shape_cast %swap3A_1243 : vector<1x16xi32> to vector<16xi32>
    %swap3A_1245 = vector.shape_cast %or3A_1239 : vector<16xi32> to vector<1x16xi32>
    tpu.vector_store %arg9[%swap3A_1241, %swap3A_1242], %swap3A_1245 {strides = array<i32>} : memref<4x128xi32, #tpu.memory_space<vmem>>, vector<1x16xi32>,
    %get3A_1246 = arith.constant 3 : i32
    %get3A_1247 = arith.index_cast %get3A_1246 : i32 to index
    %get3A_1248 = arith.constant 48 : index
    %get3A_1249 = tpu.vector_load %arg8[%get3A_1247, %get3A_1248] {strides = array<i32>} : memref<4x128xi32, #tpu.memory_space<vmem>>, vector<1x16xi32>,
    %get3A_1250 = vector.shape_cast %get3A_1249 : vector<1x16xi32> to vector<16xi32>
    %shift_right_logical3A_1251 = arith.constant 13 : i32
    %shift_right_logical3A_1252 = vector.broadcast %shift_right_logical3A_1251 : i32 to vector<16xi32>
    %shift_right_logical3A_1253 = arith.shrui %get3A_1250, %shift_right_logical3A_1252 : vector<16xi32>
    %shift_left3A_1254 = arith.constant 11 : i32
    %shift_left3A_1255 = vector.broadcast %shift_left3A_1254 : i32 to vector<16xi32>
    %shift_left3A_1256 = arith.shli %shift_right_logical3A_1253, %shift_left3A_1255 : vector<16xi32>
    %and3A_1257 = arith.constant 2047 : i32
    %and3A_1258 = vector.broadcast %and3A_1257 : i32 to vector<16xi32>
    %and3A_1259 = arith.andi %get3A_1250, %and3A_1258 : vector<16xi32>
    %or3A_1260 = arith.ori %shift_left3A_1256, %and3A_1259 : vector<16xi32>
    %swap3A_1261 = arith.constant 3 : i32
    %swap3A_1262 = arith.index_cast %swap3A_1261 : i32 to index
    %swap3A_1263 = arith.constant 48 : index
    %swap3A_1264 = tpu.vector_load %arg9[%swap3A_1262, %swap3A_1263] {strides = array<i32>} : memref<4x128xi32, #tpu.memory_space<vmem>>, vector<1x16xi32>,
    %swap3A_1265 = vector.shape_cast %swap3A_1264 : vector<1x16xi32> to vector<16xi32>
    %swap3A_1266 = vector.shape_cast %or3A_1260 : vector<16xi32> to vector<1x16xi32>
    tpu.vector_store %arg9[%swap3A_1262, %swap3A_1263], %swap3A_1266 {strides = array<i32>} : memref<4x128xi32, #tpu.memory_space<vmem>>, vector<1x16xi32>,
    %get3A_1267 = arith.constant 3 : i32
    %get3A_1268 = arith.index_cast %get3A_1267 : i32 to index
    %get3A_1269 = arith.constant 64 : index
    %get3A_1270 = tpu.vector_load %arg8[%get3A_1268, %get3A_1269] {strides = array<i32>} : memref<4x128xi32, #tpu.memory_space<vmem>>, vector<1x16xi32>,
    %get3A_1271 = vector.shape_cast %get3A_1270 : vector<1x16xi32> to vector<16xi32>
    %shift_right_logical3A_1272 = arith.constant 13 : i32
    %shift_right_logical3A_1273 = vector.broadcast %shift_right_logical3A_1272 : i32 to vector<16xi32>
    %shift_right_logical3A_1274 = arith.shrui %get3A_1271, %shift_right_logical3A_1273 : vector<16xi32>
    %shift_left3A_1275 = arith.constant 11 : i32
    %shift_left3A_1276 = vector.broadcast %shift_left3A_1275 : i32 to vector<16xi32>
    %shift_left3A_1277 = arith.shli %shift_right_logical3A_1274, %shift_left3A_1276 : vector<16xi32>
    %and3A_1278 = arith.constant 2047 : i32
    %and3A_1279 = vector.broadcast %and3A_1278 : i32 to vector<16xi32>
    %and3A_1280 = arith.andi %get3A_1271, %and3A_1279 : vector<16xi32>
    %or3A_1281 = arith.ori %shift_left3A_1277, %and3A_1280 : vector<16xi32>
    %swap3A_1282 = arith.constant 3 : i32
    %swap3A_1283 = arith.index_cast %swap3A_1282 : i32 to index
    %swap3A_1284 = arith.constant 64 : index
    %swap3A_1285 = tpu.vector_load %arg9[%swap3A_1283, %swap3A_1284] {strides = array<i32>} : memref<4x128xi32, #tpu.memory_space<vmem>>, vector<1x16xi32>,
    %swap3A_1286 = vector.shape_cast %swap3A_1285 : vector<1x16xi32> to vector<16xi32>
    %swap3A_1287 = vector.shape_cast %or3A_1281 : vector<16xi32> to vector<1x16xi32>
    tpu.vector_store %arg9[%swap3A_1283, %swap3A_1284], %swap3A_1287 {strides = array<i32>} : memref<4x128xi32, #tpu.memory_space<vmem>>, vector<1x16xi32>,
    %get3A_1288 = arith.constant 3 : i32
    %get3A_1289 = arith.index_cast %get3A_1288 : i32 to index
    %get3A_1290 = arith.constant 80 : index
    %get3A_1291 = tpu.vector_load %arg8[%get3A_1289, %get3A_1290] {strides = array<i32>} : memref<4x128xi32, #tpu.memory_space<vmem>>, vector<1x16xi32>,
    %get3A_1292 = vector.shape_cast %get3A_1291 : vector<1x16xi32> to vector<16xi32>
    %shift_right_logical3A_1293 = arith.constant 13 : i32
    %shift_right_logical3A_1294 = vector.broadcast %shift_right_logical3A_1293 : i32 to vector<16xi32>
    %shift_right_logical3A_1295 = arith.shrui %get3A_1292, %shift_right_logical3A_1294 : vector<16xi32>
    %shift_left3A_1296 = arith.constant 11 : i32
    %shift_left3A_1297 = vector.broadcast %shift_left3A_1296 : i32 to vector<16xi32>
    %shift_left3A_1298 = arith.shli %shift_right_logical3A_1295, %shift_left3A_1297 : vector<16xi32>
    %and3A_1299 = arith.constant 2047 : i32
    %and3A_1300 = vector.broadcast %and3A_1299 : i32 to vector<16xi32>
    %and3A_1301 = arith.andi %get3A_1292, %and3A_1300 : vector<16xi32>
    %or3A_1302 = arith.ori %shift_left3A_1298, %and3A_1301 : vector<16xi32>
    %swap3A_1303 = arith.constant 3 : i32
    %swap3A_1304 = arith.index_cast %swap3A_1303 : i32 to index
    %swap3A_1305 = arith.constant 80 : index
    %swap3A_1306 = tpu.vector_load %arg9[%swap3A_1304, %swap3A_1305] {strides = array<i32>} : memref<4x128xi32, #tpu.memory_space<vmem>>, vector<1x16xi32>,
    %swap3A_1307 = vector.shape_cast %swap3A_1306 : vector<1x16xi32> to vector<16xi32>
    %swap3A_1308 = vector.shape_cast %or3A_1302 : vector<16xi32> to vector<1x16xi32>
    tpu.vector_store %arg9[%swap3A_1304, %swap3A_1305], %swap3A_1308 {strides = array<i32>} : memref<4x128xi32, #tpu.memory_space<vmem>>, vector<1x16xi32>,
    %get3A_1309 = arith.constant 3 : i32
    %get3A_1310 = arith.index_cast %get3A_1309 : i32 to index
    %get3A_1311 = arith.constant 96 : index
    %get3A_1312 = tpu.vector_load %arg8[%get3A_1310, %get3A_1311] {strides = array<i32>} : memref<4x128xi32, #tpu.memory_space<vmem>>, vector<1x16xi32>,
    %get3A_1313 = vector.shape_cast %get3A_1312 : vector<1x16xi32> to vector<16xi32>
    %shift_right_logical3A_1314 = arith.constant 13 : i32
    %shift_right_logical3A_1315 = vector.broadcast %shift_right_logical3A_1314 : i32 to vector<16xi32>
    %shift_right_logical3A_1316 = arith.shrui %get3A_1313, %shift_right_logical3A_1315 : vector<16xi32>
    %shift_left3A_1317 = arith.constant 11 : i32
    %shift_left3A_1318 = vector.broadcast %shift_left3A_1317 : i32 to vector<16xi32>
    %shift_left3A_1319 = arith.shli %shift_right_logical3A_1316, %shift_left3A_1318 : vector<16xi32>
    %and3A_1320 = arith.constant 2047 : i32
    %and3A_1321 = vector.broadcast %and3A_1320 : i32 to vector<16xi32>
    %and3A_1322 = arith.andi %get3A_1313, %and3A_1321 : vector<16xi32>
    %or3A_1323 = arith.ori %shift_left3A_1319, %and3A_1322 : vector<16xi32>
    %swap3A_1324 = arith.constant 3 : i32
    %swap3A_1325 = arith.index_cast %swap3A_1324 : i32 to index
    %swap3A_1326 = arith.constant 96 : index
    %swap3A_1327 = tpu.vector_load %arg9[%swap3A_1325, %swap3A_1326] {strides = array<i32>} : memref<4x128xi32, #tpu.memory_space<vmem>>, vector<1x16xi32>,
    %swap3A_1328 = vector.shape_cast %swap3A_1327 : vector<1x16xi32> to vector<16xi32>
    %swap3A_1329 = vector.shape_cast %or3A_1323 : vector<16xi32> to vector<1x16xi32>
    tpu.vector_store %arg9[%swap3A_1325, %swap3A_1326], %swap3A_1329 {strides = array<i32>} : memref<4x128xi32, #tpu.memory_space<vmem>>, vector<1x16xi32>,
    %get3A_1330 = arith.constant 3 : i32
    %get3A_1331 = arith.index_cast %get3A_1330 : i32 to index
    %get3A_1332 = arith.constant 112 : index
    %get3A_1333 = tpu.vector_load %arg8[%get3A_1331, %get3A_1332] {strides = array<i32>} : memref<4x128xi32, #tpu.memory_space<vmem>>, vector<1x16xi32>,
    %get3A_1334 = vector.shape_cast %get3A_1333 : vector<1x16xi32> to vector<16xi32>
    %shift_right_logical3A_1335 = arith.constant 13 : i32
    %shift_right_logical3A_1336 = vector.broadcast %shift_right_logical3A_1335 : i32 to vector<16xi32>
    %shift_right_logical3A_1337 = arith.shrui %get3A_1334, %shift_right_logical3A_1336 : vector<16xi32>
    %shift_left3A_1338 = arith.constant 11 : i32
    %shift_left3A_1339 = vector.broadcast %shift_left3A_1338 : i32 to vector<16xi32>
    %shift_left3A_1340 = arith.shli %shift_right_logical3A_1337, %shift_left3A_1339 : vector<16xi32>
    %and3A_1341 = arith.constant 2047 : i32
    %and3A_1342 = vector.broadcast %and3A_1341 : i32 to vector<16xi32>
    %and3A_1343 = arith.andi %get3A_1334, %and3A_1342 : vector<16xi32>
    %or3A_1344 = arith.ori %shift_left3A_1340, %and3A_1343 : vector<16xi32>
    %swap3A_1345 = arith.constant 3 : i32
    %swap3A_1346 = arith.index_cast %swap3A_1345 : i32 to index
    %swap3A_1347 = arith.constant 112 : index
    %swap3A_1348 = tpu.vector_load %arg9[%swap3A_1346, %swap3A_1347] {strides = array<i32>} : memref<4x128xi32, #tpu.memory_space<vmem>>, vector<1x16xi32>,
    %swap3A_1349 = vector.shape_cast %swap3A_1348 : vector<1x16xi32> to vector<16xi32>
    %swap3A_1350 = vector.shape_cast %or3A_1344 : vector<16xi32> to vector<1x16xi32>
    tpu.vector_store %arg9[%swap3A_1346, %swap3A_1347], %swap3A_1350 {strides = array<i32>} : memref<4x128xi32, #tpu.memory_space<vmem>>, vector<1x16xi32>,
    %scan3A_1351 = arith.constant 0 : i32
    %scan3A_1352 = arith.constant 4 : i32
    %scan3A_1353 = arith.addi %scan3A_1351, %scan3A_1352 : i32
    %scan3A_1354 = arith.constant 1 : i32
    %scan3A_1355 = scf.for %scan3A_1361 = %scan3A_1351 to %scan3A_1353 step %scan3A_1354 iter_args(%scan3A_1362 = %scan3A_675) -> (vector<16xf32>)  : i32 {
      %dma_start3A = arith.constant 0 : i32
      %dma_start3A_1363 = tpu.memref_slice %arg9[%scan3A_1361, %dma_start3A] : memref<4x128xi32, #tpu.memory_space<vmem>> -> memref<1x128xi32, #tpu.memory_space<vmem>>
      %dma_start3A_1364 = tpu.memref_squeeze %dma_start3A_1363 : memref<1x128xi32, #tpu.memory_space<vmem>> -> memref<128xi32, #tpu.memory_space<vmem>>
      %dma_start3A_1365 = arith.constant 0 : i32
      %dma_start3A_1366 = arith.constant 0 : i32
      %dma_start3A_1367 = tpu.memref_slice %arg3[%dma_start3A_1365, %dma_start3A_1366] : memref<253952x128xf32, #tpu.memory_space<hbm>> -> memref<253952x128xf32, #tpu.memory_space<hbm>>
      tpu.enqueue_indirect_dma source(%dma_start3A_1367 : memref<253952x128xf32, #tpu.memory_space<hbm>>) target(%arg10 : memref<128x128xf32, #tpu.memory_space<vmem>>) offsets(%dma_start3A_1364 : memref<128xi32, #tpu.memory_space<vmem>>) semaphore(%arg13 : memref<!tpu.dma_semaphore, #tpu.memory_space<semaphore_mem>>)
      %dma_wait3A = arith.constant 0 : i32
      %dma_wait3A_1368 = tpu.memref_slice %arg9[%scan3A_1361, %dma_wait3A] : memref<4x128xi32, #tpu.memory_space<vmem>> -> memref<1x128xi32, #tpu.memory_space<vmem>>
      %dma_wait3A_1369 = tpu.memref_squeeze %dma_wait3A_1368 : memref<1x128xi32, #tpu.memory_space<vmem>> -> memref<128xi32, #tpu.memory_space<vmem>>
      %dma_wait3A_1370 = arith.constant 0 : i32
      %dma_wait3A_1371 = arith.constant 0 : i32
      %dma_wait3A_1372 = tpu.memref_slice %arg3[%dma_wait3A_1370, %dma_wait3A_1371] : memref<253952x128xf32, #tpu.memory_space<hbm>> -> memref<253952x128xf32, #tpu.memory_space<hbm>>
      tpu.wait_indirect_dma semaphore(%arg13 : memref<!tpu.dma_semaphore, #tpu.memory_space<semaphore_mem>>) src(%dma_wait3A_1372 : memref<253952x128xf32, #tpu.memory_space<hbm>>) dst(%arg10 : memref<128x128xf32, #tpu.memory_space<vmem>>)
      %scan3A_1373 = arith.constant 0 : i32
      %scan3A_1374 = arith.constant 8 : i32
      %scan3A_1375 = arith.addi %scan3A_1373, %scan3A_1374 : i32
      %scan3A_1376 = arith.constant 1 : i32
      %scan3A_1377 = scf.for %scan3A_1382 = %scan3A_1373 to %scan3A_1375 step %scan3A_1376 iter_args(%scan3A_1383 = %scan3A_1362) -> (vector<16xf32>)  : i32 {
        %mul3A_1384 = arith.constant 16 : i32
        %mul3A_1385 = arith.muli %scan3A_1382, %mul3A_1384 : i32
        %get3A_1386 = arith.index_cast %scan3A_1361 : i32 to index
        %get3A_1387 = arith.index_cast %mul3A_1385 : i32 to index
        %get3A_1388 = tpu.vector_load %arg8[%get3A_1386, %get3A_1387] {strides = array<i32>} : memref<4x128xi32, #tpu.memory_space<vmem>>, vector<1x16xi32>,
        %get3A_1389 = vector.shape_cast %get3A_1388 : vector<1x16xi32> to vector<16xi32>
        %shift_right_logical3A_1390 = arith.constant 11 : i32
        %shift_right_logical3A_1391 = vector.broadcast %shift_right_logical3A_1390 : i32 to vector<16xi32>
        %shift_right_logical3A_1392 = arith.shrui %get3A_1389, %shift_right_logical3A_1391 : vector<16xi32>
        %and3A_1393 = arith.constant 3 : i32
        %and3A_1394 = vector.broadcast %and3A_1393 : i32 to vector<16xi32>
        %and3A_1395 = arith.andi %shift_right_logical3A_1392, %and3A_1394 : vector<16xi32>
        %mul3A_1396 = arith.constant 16 : i32
        %mul3A_1397 = arith.muli %scan3A_1382, %mul3A_1396 : i32
        %add3A_1398 = arith.constant 0 : i32
        %add3A_1399 = arith.addi %mul3A_1397, %add3A_1398 : i32
        %slice3A = vector.extract_strided_slice %and3A_1395 {offsets = [0], sizes = [1], strides = [1]} : vector<16xi32> to vector<1xi32>
        %squeeze3A = vector.extract %slice3A[0] : i32 from vector<1xi32>
        %mul3A_1400 = arith.constant 32 : i32
        %mul3A_1401 = arith.muli %squeeze3A, %mul3A_1400 : i32
        %get3A_1402 = arith.index_cast %add3A_1399 : i32 to index
        %get3A_1403 = arith.index_cast %mul3A_1401 : i32 to index
        %get3A_1404 = tpu.vector_load %arg10[%get3A_1402, %get3A_1403] {strides = array<i32>} : memref<128x128xf32, #tpu.memory_space<vmem>>, vector<1x16xf32>,
        %get3A_1405 = vector.shape_cast %get3A_1404 : vector<1x16xf32> to vector<16xf32>
        %add3A_1406 = arith.constant 16 : i32
        %add3A_1407 = arith.addi %mul3A_1401, %add3A_1406 : i32
        %get3A_1408 = arith.index_cast %add3A_1399 : i32 to index
        %get3A_1409 = arith.index_cast %add3A_1407 : i32 to index
        %get3A_1410 = tpu.vector_load %arg10[%get3A_1408, %get3A_1409] {strides = array<i32>} : memref<128x128xf32, #tpu.memory_space<vmem>>, vector<1x16xf32>,
        %get3A_1411 = vector.shape_cast %get3A_1410 : vector<1x16xf32> to vector<16xf32>
        %swap3A_1412 = arith.index_cast %add3A_1399 : i32 to index
        %swap3A_1413 = arith.constant 0 : index
        %swap3A_1414 = tpu.vector_load %arg11[%swap3A_1412, %swap3A_1413] {strides = array<i32>} : memref<128x32xf32, #tpu.memory_space<vmem>>, vector<1x16xf32>,
        %swap3A_1415 = vector.shape_cast %swap3A_1414 : vector<1x16xf32> to vector<16xf32>
        %swap3A_1416 = vector.shape_cast %get3A_1405 : vector<16xf32> to vector<1x16xf32>
        tpu.vector_store %arg11[%swap3A_1412, %swap3A_1413], %swap3A_1416 {strides = array<i32>} : memref<128x32xf32, #tpu.memory_space<vmem>>, vector<1x16xf32>,
        %swap3A_1417 = arith.index_cast %add3A_1399 : i32 to index
        %swap3A_1418 = arith.constant 16 : index
        %swap3A_1419 = tpu.vector_load %arg11[%swap3A_1417, %swap3A_1418] {strides = array<i32>} : memref<128x32xf32, #tpu.memory_space<vmem>>, vector<1x16xf32>,
        %swap3A_1420 = vector.shape_cast %swap3A_1419 : vector<1x16xf32> to vector<16xf32>
        %swap3A_1421 = vector.shape_cast %get3A_1411 : vector<16xf32> to vector<1x16xf32>
        tpu.vector_store %arg11[%swap3A_1417, %swap3A_1418], %swap3A_1421 {strides = array<i32>} : memref<128x32xf32, #tpu.memory_space<vmem>>, vector<1x16xf32>,
        %add3A_1422 = arith.addf %scan3A_1383, %get3A_1405 : vector<16xf32>
        %add3A_1423 = arith.addf %add3A_1422, %get3A_1411 : vector<16xf32>
        %mul3A_1424 = arith.constant 16 : i32
        %mul3A_1425 = arith.muli %scan3A_1382, %mul3A_1424 : i32
        %add3A_1426 = arith.constant 1 : i32
        %add3A_1427 = arith.addi %mul3A_1425, %add3A_1426 : i32
        %slice3A_1428 = vector.extract_strided_slice %and3A_1395 {offsets = [1], sizes = [1], strides = [1]} : vector<16xi32> to vector<1xi32>
        %squeeze3A_1429 = vector.extract %slice3A_1428[0] : i32 from vector<1xi32>
        %mul3A_1430 = arith.constant 32 : i32
        %mul3A_1431 = arith.muli %squeeze3A_1429, %mul3A_1430 : i32
        %get3A_1432 = arith.index_cast %add3A_1427 : i32 to index
        %get3A_1433 = arith.index_cast %mul3A_1431 : i32 to index
        %get3A_1434 = tpu.vector_load %arg10[%get3A_1432, %get3A_1433] {strides = array<i32>} : memref<128x128xf32, #tpu.memory_space<vmem>>, vector<1x16xf32>,
        %get3A_1435 = vector.shape_cast %get3A_1434 : vector<1x16xf32> to vector<16xf32>
        %add3A_1436 = arith.constant 16 : i32
        %add3A_1437 = arith.addi %mul3A_1431, %add3A_1436 : i32
        %get3A_1438 = arith.index_cast %add3A_1427 : i32 to index
        %get3A_1439 = arith.index_cast %add3A_1437 : i32 to index
        %get3A_1440 = tpu.vector_load %arg10[%get3A_1438, %get3A_1439] {strides = array<i32>} : memref<128x128xf32, #tpu.memory_space<vmem>>, vector<1x16xf32>,
        %get3A_1441 = vector.shape_cast %get3A_1440 : vector<1x16xf32> to vector<16xf32>
        %swap3A_1442 = arith.index_cast %add3A_1427 : i32 to index
        %swap3A_1443 = arith.constant 0 : index
        %swap3A_1444 = tpu.vector_load %arg11[%swap3A_1442, %swap3A_1443] {strides = array<i32>} : memref<128x32xf32, #tpu.memory_space<vmem>>, vector<1x16xf32>,
        %swap3A_1445 = vector.shape_cast %swap3A_1444 : vector<1x16xf32> to vector<16xf32>
        %swap3A_1446 = vector.shape_cast %get3A_1435 : vector<16xf32> to vector<1x16xf32>
        tpu.vector_store %arg11[%swap3A_1442, %swap3A_1443], %swap3A_1446 {strides = array<i32>} : memref<128x32xf32, #tpu.memory_space<vmem>>, vector<1x16xf32>,
        %swap3A_1447 = arith.index_cast %add3A_1427 : i32 to index
        %swap3A_1448 = arith.constant 16 : index
        %swap3A_1449 = tpu.vector_load %arg11[%swap3A_1447, %swap3A_1448] {strides = array<i32>} : memref<128x32xf32, #tpu.memory_space<vmem>>, vector<1x16xf32>,
        %swap3A_1450 = vector.shape_cast %swap3A_1449 : vector<1x16xf32> to vector<16xf32>
        %swap3A_1451 = vector.shape_cast %get3A_1441 : vector<16xf32> to vector<1x16xf32>
        tpu.vector_store %arg11[%swap3A_1447, %swap3A_1448], %swap3A_1451 {strides = array<i32>} : memref<128x32xf32, #tpu.memory_space<vmem>>, vector<1x16xf32>,
        %add3A_1452 = arith.addf %add3A_1423, %get3A_1435 : vector<16xf32>
        %add3A_1453 = arith.addf %add3A_1452, %get3A_1441 : vector<16xf32>
        %mul3A_1454 = arith.constant 16 : i32
        %mul3A_1455 = arith.muli %scan3A_1382, %mul3A_1454 : i32
        %add3A_1456 = arith.constant 2 : i32
        %add3A_1457 = arith.addi %mul3A_1455, %add3A_1456 : i32
        %slice3A_1458 = vector.extract_strided_slice %and3A_1395 {offsets = [2], sizes = [1], strides = [1]} : vector<16xi32> to vector<1xi32>
        %squeeze3A_1459 = vector.extract %slice3A_1458[0] : i32 from vector<1xi32>
        %mul3A_1460 = arith.constant 32 : i32
        %mul3A_1461 = arith.muli %squeeze3A_1459, %mul3A_1460 : i32
        %get3A_1462 = arith.index_cast %add3A_1457 : i32 to index
        %get3A_1463 = arith.index_cast %mul3A_1461 : i32 to index
        %get3A_1464 = tpu.vector_load %arg10[%get3A_1462, %get3A_1463] {strides = array<i32>} : memref<128x128xf32, #tpu.memory_space<vmem>>, vector<1x16xf32>,
        %get3A_1465 = vector.shape_cast %get3A_1464 : vector<1x16xf32> to vector<16xf32>
        %add3A_1466 = arith.constant 16 : i32
        %add3A_1467 = arith.addi %mul3A_1461, %add3A_1466 : i32
        %get3A_1468 = arith.index_cast %add3A_1457 : i32 to index
        %get3A_1469 = arith.index_cast %add3A_1467 : i32 to index
        %get3A_1470 = tpu.vector_load %arg10[%get3A_1468, %get3A_1469] {strides = array<i32>} : memref<128x128xf32, #tpu.memory_space<vmem>>, vector<1x16xf32>,
        %get3A_1471 = vector.shape_cast %get3A_1470 : vector<1x16xf32> to vector<16xf32>
        %swap3A_1472 = arith.index_cast %add3A_1457 : i32 to index
        %swap3A_1473 = arith.constant 0 : index
        %swap3A_1474 = tpu.vector_load %arg11[%swap3A_1472, %swap3A_1473] {strides = array<i32>} : memref<128x32xf32, #tpu.memory_space<vmem>>, vector<1x16xf32>,
        %swap3A_1475 = vector.shape_cast %swap3A_1474 : vector<1x16xf32> to vector<16xf32>
        %swap3A_1476 = vector.shape_cast %get3A_1465 : vector<16xf32> to vector<1x16xf32>
        tpu.vector_store %arg11[%swap3A_1472, %swap3A_1473], %swap3A_1476 {strides = array<i32>} : memref<128x32xf32, #tpu.memory_space<vmem>>, vector<1x16xf32>,
        %swap3A_1477 = arith.index_cast %add3A_1457 : i32 to index
        %swap3A_1478 = arith.constant 16 : index
        %swap3A_1479 = tpu.vector_load %arg11[%swap3A_1477, %swap3A_1478] {strides = array<i32>} : memref<128x32xf32, #tpu.memory_space<vmem>>, vector<1x16xf32>,
        %swap3A_1480 = vector.shape_cast %swap3A_1479 : vector<1x16xf32> to vector<16xf32>
        %swap3A_1481 = vector.shape_cast %get3A_1471 : vector<16xf32> to vector<1x16xf32>
        tpu.vector_store %arg11[%swap3A_1477, %swap3A_1478], %swap3A_1481 {strides = array<i32>} : memref<128x32xf32, #tpu.memory_space<vmem>>, vector<1x16xf32>,
        %add3A_1482 = arith.addf %add3A_1453, %get3A_1465 : vector<16xf32>
        %add3A_1483 = arith.addf %add3A_1482, %get3A_1471 : vector<16xf32>
        %mul3A_1484 = arith.constant 16 : i32
        %mul3A_1485 = arith.muli %scan3A_1382, %mul3A_1484 : i32
        %add3A_1486 = arith.constant 3 : i32
        %add3A_1487 = arith.addi %mul3A_1485, %add3A_1486 : i32
        %slice3A_1488 = vector.extract_strided_slice %and3A_1395 {offsets = [3], sizes = [1], strides = [1]} : vector<16xi32> to vector<1xi32>
        %squeeze3A_1489 = vector.extract %slice3A_1488[0] : i32 from vector<1xi32>
        %mul3A_1490 = arith.constant 32 : i32
        %mul3A_1491 = arith.muli %squeeze3A_1489, %mul3A_1490 : i32
        %get3A_1492 = arith.index_cast %add3A_1487 : i32 to index
        %get3A_1493 = arith.index_cast %mul3A_1491 : i32 to index
        %get3A_1494 = tpu.vector_load %arg10[%get3A_1492, %get3A_1493] {strides = array<i32>} : memref<128x128xf32, #tpu.memory_space<vmem>>, vector<1x16xf32>,
        %get3A_1495 = vector.shape_cast %get3A_1494 : vector<1x16xf32> to vector<16xf32>
        %add3A_1496 = arith.constant 16 : i32
        %add3A_1497 = arith.addi %mul3A_1491, %add3A_1496 : i32
        %get3A_1498 = arith.index_cast %add3A_1487 : i32 to index
        %get3A_1499 = arith.index_cast %add3A_1497 : i32 to index
        %get3A_1500 = tpu.vector_load %arg10[%get3A_1498, %get3A_1499] {strides = array<i32>} : memref<128x128xf32, #tpu.memory_space<vmem>>, vector<1x16xf32>,
        %get3A_1501 = vector.shape_cast %get3A_1500 : vector<1x16xf32> to vector<16xf32>
        %swap3A_1502 = arith.index_cast %add3A_1487 : i32 to index
        %swap3A_1503 = arith.constant 0 : index
        %swap3A_1504 = tpu.vector_load %arg11[%swap3A_1502, %swap3A_1503] {strides = array<i32>} : memref<128x32xf32, #tpu.memory_space<vmem>>, vector<1x16xf32>,
        %swap3A_1505 = vector.shape_cast %swap3A_1504 : vector<1x16xf32> to vector<16xf32>
        %swap3A_1506 = vector.shape_cast %get3A_1495 : vector<16xf32> to vector<1x16xf32>
        tpu.vector_store %arg11[%swap3A_1502, %swap3A_1503], %swap3A_1506 {strides = array<i32>} : memref<128x32xf32, #tpu.memory_space<vmem>>, vector<1x16xf32>,
        %swap3A_1507 = arith.index_cast %add3A_1487 : i32 to index
        %swap3A_1508 = arith.constant 16 : index
        %swap3A_1509 = tpu.vector_load %arg11[%swap3A_1507, %swap3A_1508] {strides = array<i32>} : memref<128x32xf32, #tpu.memory_space<vmem>>, vector<1x16xf32>,
        %swap3A_1510 = vector.shape_cast %swap3A_1509 : vector<1x16xf32> to vector<16xf32>
        %swap3A_1511 = vector.shape_cast %get3A_1501 : vector<16xf32> to vector<1x16xf32>
        tpu.vector_store %arg11[%swap3A_1507, %swap3A_1508], %swap3A_1511 {strides = array<i32>} : memref<128x32xf32, #tpu.memory_space<vmem>>, vector<1x16xf32>,
        %add3A_1512 = arith.addf %add3A_1483, %get3A_1495 : vector<16xf32>
        %add3A_1513 = arith.addf %add3A_1512, %get3A_1501 : vector<16xf32>
        %mul3A_1514 = arith.constant 16 : i32
        %mul3A_1515 = arith.muli %scan3A_1382, %mul3A_1514 : i32
        %add3A_1516 = arith.constant 4 : i32
        %add3A_1517 = arith.addi %mul3A_1515, %add3A_1516 : i32
        %slice3A_1518 = vector.extract_strided_slice %and3A_1395 {offsets = [4], sizes = [1], strides = [1]} : vector<16xi32> to vector<1xi32>
        %squeeze3A_1519 = vector.extract %slice3A_1518[0] : i32 from vector<1xi32>
        %mul3A_1520 = arith.constant 32 : i32
        %mul3A_1521 = arith.muli %squeeze3A_1519, %mul3A_1520 : i32
        %get3A_1522 = arith.index_cast %add3A_1517 : i32 to index
        %get3A_1523 = arith.index_cast %mul3A_1521 : i32 to index
        %get3A_1524 = tpu.vector_load %arg10[%get3A_1522, %get3A_1523] {strides = array<i32>} : memref<128x128xf32, #tpu.memory_space<vmem>>, vector<1x16xf32>,
        %get3A_1525 = vector.shape_cast %get3A_1524 : vector<1x16xf32> to vector<16xf32>
        %add3A_1526 = arith.constant 16 : i32
        %add3A_1527 = arith.addi %mul3A_1521, %add3A_1526 : i32
        %get3A_1528 = arith.index_cast %add3A_1517 : i32 to index
        %get3A_1529 = arith.index_cast %add3A_1527 : i32 to index
        %get3A_1530 = tpu.vector_load %arg10[%get3A_1528, %get3A_1529] {strides = array<i32>} : memref<128x128xf32, #tpu.memory_space<vmem>>, vector<1x16xf32>,
        %get3A_1531 = vector.shape_cast %get3A_1530 : vector<1x16xf32> to vector<16xf32>
        %swap3A_1532 = arith.index_cast %add3A_1517 : i32 to index
        %swap3A_1533 = arith.constant 0 : index
        %swap3A_1534 = tpu.vector_load %arg11[%swap3A_1532, %swap3A_1533] {strides = array<i32>} : memref<128x32xf32, #tpu.memory_space<vmem>>, vector<1x16xf32>,
        %swap3A_1535 = vector.shape_cast %swap3A_1534 : vector<1x16xf32> to vector<16xf32>
        %swap3A_1536 = vector.shape_cast %get3A_1525 : vector<16xf32> to vector<1x16xf32>
        tpu.vector_store %arg11[%swap3A_1532, %swap3A_1533], %swap3A_1536 {strides = array<i32>} : memref<128x32xf32, #tpu.memory_space<vmem>>, vector<1x16xf32>,
        %swap3A_1537 = arith.index_cast %add3A_1517 : i32 to index
        %swap3A_1538 = arith.constant 16 : index
        %swap3A_1539 = tpu.vector_load %arg11[%swap3A_1537, %swap3A_1538] {strides = array<i32>} : memref<128x32xf32, #tpu.memory_space<vmem>>, vector<1x16xf32>,
        %swap3A_1540 = vector.shape_cast %swap3A_1539 : vector<1x16xf32> to vector<16xf32>
        %swap3A_1541 = vector.shape_cast %get3A_1531 : vector<16xf32> to vector<1x16xf32>
        tpu.vector_store %arg11[%swap3A_1537, %swap3A_1538], %swap3A_1541 {strides = array<i32>} : memref<128x32xf32, #tpu.memory_space<vmem>>, vector<1x16xf32>,
        %add3A_1542 = arith.addf %add3A_1513, %get3A_1525 : vector<16xf32>
        %add3A_1543 = arith.addf %add3A_1542, %get3A_1531 : vector<16xf32>
        %mul3A_1544 = arith.constant 16 : i32
        %mul3A_1545 = arith.muli %scan3A_1382, %mul3A_1544 : i32
        %add3A_1546 = arith.constant 5 : i32
        %add3A_1547 = arith.addi %mul3A_1545, %add3A_1546 : i32
        %slice3A_1548 = vector.extract_strided_slice %and3A_1395 {offsets = [5], sizes = [1], strides = [1]} : vector<16xi32> to vector<1xi32>
        %squeeze3A_1549 = vector.extract %slice3A_1548[0] : i32 from vector<1xi32>
        %mul3A_1550 = arith.constant 32 : i32
        %mul3A_1551 = arith.muli %squeeze3A_1549, %mul3A_1550 : i32
        %get3A_1552 = arith.index_cast %add3A_1547 : i32 to index
        %get3A_1553 = arith.index_cast %mul3A_1551 : i32 to index
        %get3A_1554 = tpu.vector_load %arg10[%get3A_1552, %get3A_1553] {strides = array<i32>} : memref<128x128xf32, #tpu.memory_space<vmem>>, vector<1x16xf32>,
        %get3A_1555 = vector.shape_cast %get3A_1554 : vector<1x16xf32> to vector<16xf32>
        %add3A_1556 = arith.constant 16 : i32
        %add3A_1557 = arith.addi %mul3A_1551, %add3A_1556 : i32
        %get3A_1558 = arith.index_cast %add3A_1547 : i32 to index
        %get3A_1559 = arith.index_cast %add3A_1557 : i32 to index
        %get3A_1560 = tpu.vector_load %arg10[%get3A_1558, %get3A_1559] {strides = array<i32>} : memref<128x128xf32, #tpu.memory_space<vmem>>, vector<1x16xf32>,
        %get3A_1561 = vector.shape_cast %get3A_1560 : vector<1x16xf32> to vector<16xf32>
        %swap3A_1562 = arith.index_cast %add3A_1547 : i32 to index
        %swap3A_1563 = arith.constant 0 : index
        %swap3A_1564 = tpu.vector_load %arg11[%swap3A_1562, %swap3A_1563] {strides = array<i32>} : memref<128x32xf32, #tpu.memory_space<vmem>>, vector<1x16xf32>,
        %swap3A_1565 = vector.shape_cast %swap3A_1564 : vector<1x16xf32> to vector<16xf32>
        %swap3A_1566 = vector.shape_cast %get3A_1555 : vector<16xf32> to vector<1x16xf32>
        tpu.vector_store %arg11[%swap3A_1562, %swap3A_1563], %swap3A_1566 {strides = array<i32>} : memref<128x32xf32, #tpu.memory_space<vmem>>, vector<1x16xf32>,
        %swap3A_1567 = arith.index_cast %add3A_1547 : i32 to index
        %swap3A_1568 = arith.constant 16 : index
        %swap3A_1569 = tpu.vector_load %arg11[%swap3A_1567, %swap3A_1568] {strides = array<i32>} : memref<128x32xf32, #tpu.memory_space<vmem>>, vector<1x16xf32>,
        %swap3A_1570 = vector.shape_cast %swap3A_1569 : vector<1x16xf32> to vector<16xf32>
        %swap3A_1571 = vector.shape_cast %get3A_1561 : vector<16xf32> to vector<1x16xf32>
        tpu.vector_store %arg11[%swap3A_1567, %swap3A_1568], %swap3A_1571 {strides = array<i32>} : memref<128x32xf32, #tpu.memory_space<vmem>>, vector<1x16xf32>,
        %add3A_1572 = arith.addf %add3A_1543, %get3A_1555 : vector<16xf32>
        %add3A_1573 = arith.addf %add3A_1572, %get3A_1561 : vector<16xf32>
        %mul3A_1574 = arith.constant 16 : i32
        %mul3A_1575 = arith.muli %scan3A_1382, %mul3A_1574 : i32
        %add3A_1576 = arith.constant 6 : i32
        %add3A_1577 = arith.addi %mul3A_1575, %add3A_1576 : i32
        %slice3A_1578 = vector.extract_strided_slice %and3A_1395 {offsets = [6], sizes = [1], strides = [1]} : vector<16xi32> to vector<1xi32>
        %squeeze3A_1579 = vector.extract %slice3A_1578[0] : i32 from vector<1xi32>
        %mul3A_1580 = arith.constant 32 : i32
        %mul3A_1581 = arith.muli %squeeze3A_1579, %mul3A_1580 : i32
        %get3A_1582 = arith.index_cast %add3A_1577 : i32 to index
        %get3A_1583 = arith.index_cast %mul3A_1581 : i32 to index
        %get3A_1584 = tpu.vector_load %arg10[%get3A_1582, %get3A_1583] {strides = array<i32>} : memref<128x128xf32, #tpu.memory_space<vmem>>, vector<1x16xf32>,
        %get3A_1585 = vector.shape_cast %get3A_1584 : vector<1x16xf32> to vector<16xf32>
        %add3A_1586 = arith.constant 16 : i32
        %add3A_1587 = arith.addi %mul3A_1581, %add3A_1586 : i32
        %get3A_1588 = arith.index_cast %add3A_1577 : i32 to index
        %get3A_1589 = arith.index_cast %add3A_1587 : i32 to index
        %get3A_1590 = tpu.vector_load %arg10[%get3A_1588, %get3A_1589] {strides = array<i32>} : memref<128x128xf32, #tpu.memory_space<vmem>>, vector<1x16xf32>,
        %get3A_1591 = vector.shape_cast %get3A_1590 : vector<1x16xf32> to vector<16xf32>
        %swap3A_1592 = arith.index_cast %add3A_1577 : i32 to index
        %swap3A_1593 = arith.constant 0 : index
        %swap3A_1594 = tpu.vector_load %arg11[%swap3A_1592, %swap3A_1593] {strides = array<i32>} : memref<128x32xf32, #tpu.memory_space<vmem>>, vector<1x16xf32>,
        %swap3A_1595 = vector.shape_cast %swap3A_1594 : vector<1x16xf32> to vector<16xf32>
        %swap3A_1596 = vector.shape_cast %get3A_1585 : vector<16xf32> to vector<1x16xf32>
        tpu.vector_store %arg11[%swap3A_1592, %swap3A_1593], %swap3A_1596 {strides = array<i32>} : memref<128x32xf32, #tpu.memory_space<vmem>>, vector<1x16xf32>,
        %swap3A_1597 = arith.index_cast %add3A_1577 : i32 to index
        %swap3A_1598 = arith.constant 16 : index
        %swap3A_1599 = tpu.vector_load %arg11[%swap3A_1597, %swap3A_1598] {strides = array<i32>} : memref<128x32xf32, #tpu.memory_space<vmem>>, vector<1x16xf32>,
        %swap3A_1600 = vector.shape_cast %swap3A_1599 : vector<1x16xf32> to vector<16xf32>
        %swap3A_1601 = vector.shape_cast %get3A_1591 : vector<16xf32> to vector<1x16xf32>
        tpu.vector_store %arg11[%swap3A_1597, %swap3A_1598], %swap3A_1601 {strides = array<i32>} : memref<128x32xf32, #tpu.memory_space<vmem>>, vector<1x16xf32>,
        %add3A_1602 = arith.addf %add3A_1573, %get3A_1585 : vector<16xf32>
        %add3A_1603 = arith.addf %add3A_1602, %get3A_1591 : vector<16xf32>
        %mul3A_1604 = arith.constant 16 : i32
        %mul3A_1605 = arith.muli %scan3A_1382, %mul3A_1604 : i32
        %add3A_1606 = arith.constant 7 : i32
        %add3A_1607 = arith.addi %mul3A_1605, %add3A_1606 : i32
        %slice3A_1608 = vector.extract_strided_slice %and3A_1395 {offsets = [7], sizes = [1], strides = [1]} : vector<16xi32> to vector<1xi32>
        %squeeze3A_1609 = vector.extract %slice3A_1608[0] : i32 from vector<1xi32>
        %mul3A_1610 = arith.constant 32 : i32
        %mul3A_1611 = arith.muli %squeeze3A_1609, %mul3A_1610 : i32
        %get3A_1612 = arith.index_cast %add3A_1607 : i32 to index
        %get3A_1613 = arith.index_cast %mul3A_1611 : i32 to index
        %get3A_1614 = tpu.vector_load %arg10[%get3A_1612, %get3A_1613] {strides = array<i32>} : memref<128x128xf32, #tpu.memory_space<vmem>>, vector<1x16xf32>,
        %get3A_1615 = vector.shape_cast %get3A_1614 : vector<1x16xf32> to vector<16xf32>
        %add3A_1616 = arith.constant 16 : i32
        %add3A_1617 = arith.addi %mul3A_1611, %add3A_1616 : i32
        %get3A_1618 = arith.index_cast %add3A_1607 : i32 to index
        %get3A_1619 = arith.index_cast %add3A_1617 : i32 to index
        %get3A_1620 = tpu.vector_load %arg10[%get3A_1618, %get3A_1619] {strides = array<i32>} : memref<128x128xf32, #tpu.memory_space<vmem>>, vector<1x16xf32>,
        %get3A_1621 = vector.shape_cast %get3A_1620 : vector<1x16xf32> to vector<16xf32>
        %swap3A_1622 = arith.index_cast %add3A_1607 : i32 to index
        %swap3A_1623 = arith.constant 0 : index
        %swap3A_1624 = tpu.vector_load %arg11[%swap3A_1622, %swap3A_1623] {strides = array<i32>} : memref<128x32xf32, #tpu.memory_space<vmem>>, vector<1x16xf32>,
        %swap3A_1625 = vector.shape_cast %swap3A_1624 : vector<1x16xf32> to vector<16xf32>
        %swap3A_1626 = vector.shape_cast %get3A_1615 : vector<16xf32> to vector<1x16xf32>
        tpu.vector_store %arg11[%swap3A_1622, %swap3A_1623], %swap3A_1626 {strides = array<i32>} : memref<128x32xf32, #tpu.memory_space<vmem>>, vector<1x16xf32>,
        %swap3A_1627 = arith.index_cast %add3A_1607 : i32 to index
        %swap3A_1628 = arith.constant 16 : index
        %swap3A_1629 = tpu.vector_load %arg11[%swap3A_1627, %swap3A_1628] {strides = array<i32>} : memref<128x32xf32, #tpu.memory_space<vmem>>, vector<1x16xf32>,
        %swap3A_1630 = vector.shape_cast %swap3A_1629 : vector<1x16xf32> to vector<16xf32>
        %swap3A_1631 = vector.shape_cast %get3A_1621 : vector<16xf32> to vector<1x16xf32>
        tpu.vector_store %arg11[%swap3A_1627, %swap3A_1628], %swap3A_1631 {strides = array<i32>} : memref<128x32xf32, #tpu.memory_space<vmem>>, vector<1x16xf32>,
        %add3A_1632 = arith.addf %add3A_1603, %get3A_1615 : vector<16xf32>
        %add3A_1633 = arith.addf %add3A_1632, %get3A_1621 : vector<16xf32>
        %mul3A_1634 = arith.constant 16 : i32
        %mul3A_1635 = arith.muli %scan3A_1382, %mul3A_1634 : i32
        %add3A_1636 = arith.constant 8 : i32
        %add3A_1637 = arith.addi %mul3A_1635, %add3A_1636 : i32
        %slice3A_1638 = vector.extract_strided_slice %and3A_1395 {offsets = [8], sizes = [1], strides = [1]} : vector<16xi32> to vector<1xi32>
        %squeeze3A_1639 = vector.extract %slice3A_1638[0] : i32 from vector<1xi32>
        %mul3A_1640 = arith.constant 32 : i32
        %mul3A_1641 = arith.muli %squeeze3A_1639, %mul3A_1640 : i32
        %get3A_1642 = arith.index_cast %add3A_1637 : i32 to index
        %get3A_1643 = arith.index_cast %mul3A_1641 : i32 to index
        %get3A_1644 = tpu.vector_load %arg10[%get3A_1642, %get3A_1643] {strides = array<i32>} : memref<128x128xf32, #tpu.memory_space<vmem>>, vector<1x16xf32>,
        %get3A_1645 = vector.shape_cast %get3A_1644 : vector<1x16xf32> to vector<16xf32>
        %add3A_1646 = arith.constant 16 : i32
        %add3A_1647 = arith.addi %mul3A_1641, %add3A_1646 : i32
        %get3A_1648 = arith.index_cast %add3A_1637 : i32 to index
        %get3A_1649 = arith.index_cast %add3A_1647 : i32 to index
        %get3A_1650 = tpu.vector_load %arg10[%get3A_1648, %get3A_1649] {strides = array<i32>} : memref<128x128xf32, #tpu.memory_space<vmem>>, vector<1x16xf32>,
        %get3A_1651 = vector.shape_cast %get3A_1650 : vector<1x16xf32> to vector<16xf32>
        %swap3A_1652 = arith.index_cast %add3A_1637 : i32 to index
        %swap3A_1653 = arith.constant 0 : index
        %swap3A_1654 = tpu.vector_load %arg11[%swap3A_1652, %swap3A_1653] {strides = array<i32>} : memref<128x32xf32, #tpu.memory_space<vmem>>, vector<1x16xf32>,
        %swap3A_1655 = vector.shape_cast %swap3A_1654 : vector<1x16xf32> to vector<16xf32>
        %swap3A_1656 = vector.shape_cast %get3A_1645 : vector<16xf32> to vector<1x16xf32>
        tpu.vector_store %arg11[%swap3A_1652, %swap3A_1653], %swap3A_1656 {strides = array<i32>} : memref<128x32xf32, #tpu.memory_space<vmem>>, vector<1x16xf32>,
        %swap3A_1657 = arith.index_cast %add3A_1637 : i32 to index
        %swap3A_1658 = arith.constant 16 : index
        %swap3A_1659 = tpu.vector_load %arg11[%swap3A_1657, %swap3A_1658] {strides = array<i32>} : memref<128x32xf32, #tpu.memory_space<vmem>>, vector<1x16xf32>,
        %swap3A_1660 = vector.shape_cast %swap3A_1659 : vector<1x16xf32> to vector<16xf32>
        %swap3A_1661 = vector.shape_cast %get3A_1651 : vector<16xf32> to vector<1x16xf32>
        tpu.vector_store %arg11[%swap3A_1657, %swap3A_1658], %swap3A_1661 {strides = array<i32>} : memref<128x32xf32, #tpu.memory_space<vmem>>, vector<1x16xf32>,
        %add3A_1662 = arith.addf %add3A_1633, %get3A_1645 : vector<16xf32>
        %add3A_1663 = arith.addf %add3A_1662, %get3A_1651 : vector<16xf32>
        %mul3A_1664 = arith.constant 16 : i32
        %mul3A_1665 = arith.muli %scan3A_1382, %mul3A_1664 : i32
        %add3A_1666 = arith.constant 9 : i32
        %add3A_1667 = arith.addi %mul3A_1665, %add3A_1666 : i32
        %slice3A_1668 = vector.extract_strided_slice %and3A_1395 {offsets = [9], sizes = [1], strides = [1]} : vector<16xi32> to vector<1xi32>
        %squeeze3A_1669 = vector.extract %slice3A_1668[0] : i32 from vector<1xi32>
        %mul3A_1670 = arith.constant 32 : i32
        %mul3A_1671 = arith.muli %squeeze3A_1669, %mul3A_1670 : i32
        %get3A_1672 = arith.index_cast %add3A_1667 : i32 to index
        %get3A_1673 = arith.index_cast %mul3A_1671 : i32 to index
        %get3A_1674 = tpu.vector_load %arg10[%get3A_1672, %get3A_1673] {strides = array<i32>} : memref<128x128xf32, #tpu.memory_space<vmem>>, vector<1x16xf32>,
        %get3A_1675 = vector.shape_cast %get3A_1674 : vector<1x16xf32> to vector<16xf32>
        %add3A_1676 = arith.constant 16 : i32
        %add3A_1677 = arith.addi %mul3A_1671, %add3A_1676 : i32
        %get3A_1678 = arith.index_cast %add3A_1667 : i32 to index
        %get3A_1679 = arith.index_cast %add3A_1677 : i32 to index
        %get3A_1680 = tpu.vector_load %arg10[%get3A_1678, %get3A_1679] {strides = array<i32>} : memref<128x128xf32, #tpu.memory_space<vmem>>, vector<1x16xf32>,
        %get3A_1681 = vector.shape_cast %get3A_1680 : vector<1x16xf32> to vector<16xf32>
        %swap3A_1682 = arith.index_cast %add3A_1667 : i32 to index
        %swap3A_1683 = arith.constant 0 : index
        %swap3A_1684 = tpu.vector_load %arg11[%swap3A_1682, %swap3A_1683] {strides = array<i32>} : memref<128x32xf32, #tpu.memory_space<vmem>>, vector<1x16xf32>,
        %swap3A_1685 = vector.shape_cast %swap3A_1684 : vector<1x16xf32> to vector<16xf32>
        %swap3A_1686 = vector.shape_cast %get3A_1675 : vector<16xf32> to vector<1x16xf32>
        tpu.vector_store %arg11[%swap3A_1682, %swap3A_1683], %swap3A_1686 {strides = array<i32>} : memref<128x32xf32, #tpu.memory_space<vmem>>, vector<1x16xf32>,
        %swap3A_1687 = arith.index_cast %add3A_1667 : i32 to index
        %swap3A_1688 = arith.constant 16 : index
        %swap3A_1689 = tpu.vector_load %arg11[%swap3A_1687, %swap3A_1688] {strides = array<i32>} : memref<128x32xf32, #tpu.memory_space<vmem>>, vector<1x16xf32>,
        %swap3A_1690 = vector.shape_cast %swap3A_1689 : vector<1x16xf32> to vector<16xf32>
        %swap3A_1691 = vector.shape_cast %get3A_1681 : vector<16xf32> to vector<1x16xf32>
        tpu.vector_store %arg11[%swap3A_1687, %swap3A_1688], %swap3A_1691 {strides = array<i32>} : memref<128x32xf32, #tpu.memory_space<vmem>>, vector<1x16xf32>,
        %add3A_1692 = arith.addf %add3A_1663, %get3A_1675 : vector<16xf32>
        %add3A_1693 = arith.addf %add3A_1692, %get3A_1681 : vector<16xf32>
        %mul3A_1694 = arith.constant 16 : i32
        %mul3A_1695 = arith.muli %scan3A_1382, %mul3A_1694 : i32
        %add3A_1696 = arith.constant 10 : i32
        %add3A_1697 = arith.addi %mul3A_1695, %add3A_1696 : i32
        %slice3A_1698 = vector.extract_strided_slice %and3A_1395 {offsets = [10], sizes = [1], strides = [1]} : vector<16xi32> to vector<1xi32>
        %squeeze3A_1699 = vector.extract %slice3A_1698[0] : i32 from vector<1xi32>
        %mul3A_1700 = arith.constant 32 : i32
        %mul3A_1701 = arith.muli %squeeze3A_1699, %mul3A_1700 : i32
        %get3A_1702 = arith.index_cast %add3A_1697 : i32 to index
        %get3A_1703 = arith.index_cast %mul3A_1701 : i32 to index
        %get3A_1704 = tpu.vector_load %arg10[%get3A_1702, %get3A_1703] {strides = array<i32>} : memref<128x128xf32, #tpu.memory_space<vmem>>, vector<1x16xf32>,
        %get3A_1705 = vector.shape_cast %get3A_1704 : vector<1x16xf32> to vector<16xf32>
        %add3A_1706 = arith.constant 16 : i32
        %add3A_1707 = arith.addi %mul3A_1701, %add3A_1706 : i32
        %get3A_1708 = arith.index_cast %add3A_1697 : i32 to index
        %get3A_1709 = arith.index_cast %add3A_1707 : i32 to index
        %get3A_1710 = tpu.vector_load %arg10[%get3A_1708, %get3A_1709] {strides = array<i32>} : memref<128x128xf32, #tpu.memory_space<vmem>>, vector<1x16xf32>,
        %get3A_1711 = vector.shape_cast %get3A_1710 : vector<1x16xf32> to vector<16xf32>
        %swap3A_1712 = arith.index_cast %add3A_1697 : i32 to index
        %swap3A_1713 = arith.constant 0 : index
        %swap3A_1714 = tpu.vector_load %arg11[%swap3A_1712, %swap3A_1713] {strides = array<i32>} : memref<128x32xf32, #tpu.memory_space<vmem>>, vector<1x16xf32>,
        %swap3A_1715 = vector.shape_cast %swap3A_1714 : vector<1x16xf32> to vector<16xf32>
        %swap3A_1716 = vector.shape_cast %get3A_1705 : vector<16xf32> to vector<1x16xf32>
        tpu.vector_store %arg11[%swap3A_1712, %swap3A_1713], %swap3A_1716 {strides = array<i32>} : memref<128x32xf32, #tpu.memory_space<vmem>>, vector<1x16xf32>,
        %swap3A_1717 = arith.index_cast %add3A_1697 : i32 to index
        %swap3A_1718 = arith.constant 16 : index
        %swap3A_1719 = tpu.vector_load %arg11[%swap3A_1717, %swap3A_1718] {strides = array<i32>} : memref<128x32xf32, #tpu.memory_space<vmem>>, vector<1x16xf32>,
        %swap3A_1720 = vector.shape_cast %swap3A_1719 : vector<1x16xf32> to vector<16xf32>
        %swap3A_1721 = vector.shape_cast %get3A_1711 : vector<16xf32> to vector<1x16xf32>
        tpu.vector_store %arg11[%swap3A_1717, %swap3A_1718], %swap3A_1721 {strides = array<i32>} : memref<128x32xf32, #tpu.memory_space<vmem>>, vector<1x16xf32>,
        %add3A_1722 = arith.addf %add3A_1693, %get3A_1705 : vector<16xf32>
        %add3A_1723 = arith.addf %add3A_1722, %get3A_1711 : vector<16xf32>
        %mul3A_1724 = arith.constant 16 : i32
        %mul3A_1725 = arith.muli %scan3A_1382, %mul3A_1724 : i32
        %add3A_1726 = arith.constant 11 : i32
        %add3A_1727 = arith.addi %mul3A_1725, %add3A_1726 : i32
        %slice3A_1728 = vector.extract_strided_slice %and3A_1395 {offsets = [11], sizes = [1], strides = [1]} : vector<16xi32> to vector<1xi32>
        %squeeze3A_1729 = vector.extract %slice3A_1728[0] : i32 from vector<1xi32>
        %mul3A_1730 = arith.constant 32 : i32
        %mul3A_1731 = arith.muli %squeeze3A_1729, %mul3A_1730 : i32
        %get3A_1732 = arith.index_cast %add3A_1727 : i32 to index
        %get3A_1733 = arith.index_cast %mul3A_1731 : i32 to index
        %get3A_1734 = tpu.vector_load %arg10[%get3A_1732, %get3A_1733] {strides = array<i32>} : memref<128x128xf32, #tpu.memory_space<vmem>>, vector<1x16xf32>,
        %get3A_1735 = vector.shape_cast %get3A_1734 : vector<1x16xf32> to vector<16xf32>
        %add3A_1736 = arith.constant 16 : i32
        %add3A_1737 = arith.addi %mul3A_1731, %add3A_1736 : i32
        %get3A_1738 = arith.index_cast %add3A_1727 : i32 to index
        %get3A_1739 = arith.index_cast %add3A_1737 : i32 to index
        %get3A_1740 = tpu.vector_load %arg10[%get3A_1738, %get3A_1739] {strides = array<i32>} : memref<128x128xf32, #tpu.memory_space<vmem>>, vector<1x16xf32>,
        %get3A_1741 = vector.shape_cast %get3A_1740 : vector<1x16xf32> to vector<16xf32>
        %swap3A_1742 = arith.index_cast %add3A_1727 : i32 to index
        %swap3A_1743 = arith.constant 0 : index
        %swap3A_1744 = tpu.vector_load %arg11[%swap3A_1742, %swap3A_1743] {strides = array<i32>} : memref<128x32xf32, #tpu.memory_space<vmem>>, vector<1x16xf32>,
        %swap3A_1745 = vector.shape_cast %swap3A_1744 : vector<1x16xf32> to vector<16xf32>
        %swap3A_1746 = vector.shape_cast %get3A_1735 : vector<16xf32> to vector<1x16xf32>
        tpu.vector_store %arg11[%swap3A_1742, %swap3A_1743], %swap3A_1746 {strides = array<i32>} : memref<128x32xf32, #tpu.memory_space<vmem>>, vector<1x16xf32>,
        %swap3A_1747 = arith.index_cast %add3A_1727 : i32 to index
        %swap3A_1748 = arith.constant 16 : index
        %swap3A_1749 = tpu.vector_load %arg11[%swap3A_1747, %swap3A_1748] {strides = array<i32>} : memref<128x32xf32, #tpu.memory_space<vmem>>, vector<1x16xf32>,
        %swap3A_1750 = vector.shape_cast %swap3A_1749 : vector<1x16xf32> to vector<16xf32>
        %swap3A_1751 = vector.shape_cast %get3A_1741 : vector<16xf32> to vector<1x16xf32>
        tpu.vector_store %arg11[%swap3A_1747, %swap3A_1748], %swap3A_1751 {strides = array<i32>} : memref<128x32xf32, #tpu.memory_space<vmem>>, vector<1x16xf32>,
        %add3A_1752 = arith.addf %add3A_1723, %get3A_1735 : vector<16xf32>
        %add3A_1753 = arith.addf %add3A_1752, %get3A_1741 : vector<16xf32>
        %mul3A_1754 = arith.constant 16 : i32
        %mul3A_1755 = arith.muli %scan3A_1382, %mul3A_1754 : i32
        %add3A_1756 = arith.constant 12 : i32
        %add3A_1757 = arith.addi %mul3A_1755, %add3A_1756 : i32
        %slice3A_1758 = vector.extract_strided_slice %and3A_1395 {offsets = [12], sizes = [1], strides = [1]} : vector<16xi32> to vector<1xi32>
        %squeeze3A_1759 = vector.extract %slice3A_1758[0] : i32 from vector<1xi32>
        %mul3A_1760 = arith.constant 32 : i32
        %mul3A_1761 = arith.muli %squeeze3A_1759, %mul3A_1760 : i32
        %get3A_1762 = arith.index_cast %add3A_1757 : i32 to index
        %get3A_1763 = arith.index_cast %mul3A_1761 : i32 to index
        %get3A_1764 = tpu.vector_load %arg10[%get3A_1762, %get3A_1763] {strides = array<i32>} : memref<128x128xf32, #tpu.memory_space<vmem>>, vector<1x16xf32>,
        %get3A_1765 = vector.shape_cast %get3A_1764 : vector<1x16xf32> to vector<16xf32>
        %add3A_1766 = arith.constant 16 : i32
        %add3A_1767 = arith.addi %mul3A_1761, %add3A_1766 : i32
        %get3A_1768 = arith.index_cast %add3A_1757 : i32 to index
        %get3A_1769 = arith.index_cast %add3A_1767 : i32 to index
        %get3A_1770 = tpu.vector_load %arg10[%get3A_1768, %get3A_1769] {strides = array<i32>} : memref<128x128xf32, #tpu.memory_space<vmem>>, vector<1x16xf32>,
        %get3A_1771 = vector.shape_cast %get3A_1770 : vector<1x16xf32> to vector<16xf32>
        %swap3A_1772 = arith.index_cast %add3A_1757 : i32 to index
        %swap3A_1773 = arith.constant 0 : index
        %swap3A_1774 = tpu.vector_load %arg11[%swap3A_1772, %swap3A_1773] {strides = array<i32>} : memref<128x32xf32, #tpu.memory_space<vmem>>, vector<1x16xf32>,
        %swap3A_1775 = vector.shape_cast %swap3A_1774 : vector<1x16xf32> to vector<16xf32>
        %swap3A_1776 = vector.shape_cast %get3A_1765 : vector<16xf32> to vector<1x16xf32>
        tpu.vector_store %arg11[%swap3A_1772, %swap3A_1773], %swap3A_1776 {strides = array<i32>} : memref<128x32xf32, #tpu.memory_space<vmem>>, vector<1x16xf32>,
        %swap3A_1777 = arith.index_cast %add3A_1757 : i32 to index
        %swap3A_1778 = arith.constant 16 : index
        %swap3A_1779 = tpu.vector_load %arg11[%swap3A_1777, %swap3A_1778] {strides = array<i32>} : memref<128x32xf32, #tpu.memory_space<vmem>>, vector<1x16xf32>,
        %swap3A_1780 = vector.shape_cast %swap3A_1779 : vector<1x16xf32> to vector<16xf32>
        %swap3A_1781 = vector.shape_cast %get3A_1771 : vector<16xf32> to vector<1x16xf32>
        tpu.vector_store %arg11[%swap3A_1777, %swap3A_1778], %swap3A_1781 {strides = array<i32>} : memref<128x32xf32, #tpu.memory_space<vmem>>, vector<1x16xf32>,
        %add3A_1782 = arith.addf %add3A_1753, %get3A_1765 : vector<16xf32>
        %add3A_1783 = arith.addf %add3A_1782, %get3A_1771 : vector<16xf32>
        %mul3A_1784 = arith.constant 16 : i32
        %mul3A_1785 = arith.muli %scan3A_1382, %mul3A_1784 : i32
        %add3A_1786 = arith.constant 13 : i32
        %add3A_1787 = arith.addi %mul3A_1785, %add3A_1786 : i32
        %slice3A_1788 = vector.extract_strided_slice %and3A_1395 {offsets = [13], sizes = [1], strides = [1]} : vector<16xi32> to vector<1xi32>
        %squeeze3A_1789 = vector.extract %slice3A_1788[0] : i32 from vector<1xi32>
        %mul3A_1790 = arith.constant 32 : i32
        %mul3A_1791 = arith.muli %squeeze3A_1789, %mul3A_1790 : i32
        %get3A_1792 = arith.index_cast %add3A_1787 : i32 to index
        %get3A_1793 = arith.index_cast %mul3A_1791 : i32 to index
        %get3A_1794 = tpu.vector_load %arg10[%get3A_1792, %get3A_1793] {strides = array<i32>} : memref<128x128xf32, #tpu.memory_space<vmem>>, vector<1x16xf32>,
        %get3A_1795 = vector.shape_cast %get3A_1794 : vector<1x16xf32> to vector<16xf32>
        %add3A_1796 = arith.constant 16 : i32
        %add3A_1797 = arith.addi %mul3A_1791, %add3A_1796 : i32
        %get3A_1798 = arith.index_cast %add3A_1787 : i32 to index
        %get3A_1799 = arith.index_cast %add3A_1797 : i32 to index
        %get3A_1800 = tpu.vector_load %arg10[%get3A_1798, %get3A_1799] {strides = array<i32>} : memref<128x128xf32, #tpu.memory_space<vmem>>, vector<1x16xf32>,
        %get3A_1801 = vector.shape_cast %get3A_1800 : vector<1x16xf32> to vector<16xf32>
        %swap3A_1802 = arith.index_cast %add3A_1787 : i32 to index
        %swap3A_1803 = arith.constant 0 : index
        %swap3A_1804 = tpu.vector_load %arg11[%swap3A_1802, %swap3A_1803] {strides = array<i32>} : memref<128x32xf32, #tpu.memory_space<vmem>>, vector<1x16xf32>,
        %swap3A_1805 = vector.shape_cast %swap3A_1804 : vector<1x16xf32> to vector<16xf32>
        %swap3A_1806 = vector.shape_cast %get3A_1795 : vector<16xf32> to vector<1x16xf32>
        tpu.vector_store %arg11[%swap3A_1802, %swap3A_1803], %swap3A_1806 {strides = array<i32>} : memref<128x32xf32, #tpu.memory_space<vmem>>, vector<1x16xf32>,
        %swap3A_1807 = arith.index_cast %add3A_1787 : i32 to index
        %swap3A_1808 = arith.constant 16 : index
        %swap3A_1809 = tpu.vector_load %arg11[%swap3A_1807, %swap3A_1808] {strides = array<i32>} : memref<128x32xf32, #tpu.memory_space<vmem>>, vector<1x16xf32>,
        %swap3A_1810 = vector.shape_cast %swap3A_1809 : vector<1x16xf32> to vector<16xf32>
        %swap3A_1811 = vector.shape_cast %get3A_1801 : vector<16xf32> to vector<1x16xf32>
        tpu.vector_store %arg11[%swap3A_1807, %swap3A_1808], %swap3A_1811 {strides = array<i32>} : memref<128x32xf32, #tpu.memory_space<vmem>>, vector<1x16xf32>,
        %add3A_1812 = arith.addf %add3A_1783, %get3A_1795 : vector<16xf32>
        %add3A_1813 = arith.addf %add3A_1812, %get3A_1801 : vector<16xf32>
        %mul3A_1814 = arith.constant 16 : i32
        %mul3A_1815 = arith.muli %scan3A_1382, %mul3A_1814 : i32
        %add3A_1816 = arith.constant 14 : i32
        %add3A_1817 = arith.addi %mul3A_1815, %add3A_1816 : i32
        %slice3A_1818 = vector.extract_strided_slice %and3A_1395 {offsets = [14], sizes = [1], strides = [1]} : vector<16xi32> to vector<1xi32>
        %squeeze3A_1819 = vector.extract %slice3A_1818[0] : i32 from vector<1xi32>
        %mul3A_1820 = arith.constant 32 : i32
        %mul3A_1821 = arith.muli %squeeze3A_1819, %mul3A_1820 : i32
        %get3A_1822 = arith.index_cast %add3A_1817 : i32 to index
        %get3A_1823 = arith.index_cast %mul3A_1821 : i32 to index
        %get3A_1824 = tpu.vector_load %arg10[%get3A_1822, %get3A_1823] {strides = array<i32>} : memref<128x128xf32, #tpu.memory_space<vmem>>, vector<1x16xf32>,
        %get3A_1825 = vector.shape_cast %get3A_1824 : vector<1x16xf32> to vector<16xf32>
        %add3A_1826 = arith.constant 16 : i32
        %add3A_1827 = arith.addi %mul3A_1821, %add3A_1826 : i32
        %get3A_1828 = arith.index_cast %add3A_1817 : i32 to index
        %get3A_1829 = arith.index_cast %add3A_1827 : i32 to index
        %get3A_1830 = tpu.vector_load %arg10[%get3A_1828, %get3A_1829] {strides = array<i32>} : memref<128x128xf32, #tpu.memory_space<vmem>>, vector<1x16xf32>,
        %get3A_1831 = vector.shape_cast %get3A_1830 : vector<1x16xf32> to vector<16xf32>
        %swap3A_1832 = arith.index_cast %add3A_1817 : i32 to index
        %swap3A_1833 = arith.constant 0 : index
        %swap3A_1834 = tpu.vector_load %arg11[%swap3A_1832, %swap3A_1833] {strides = array<i32>} : memref<128x32xf32, #tpu.memory_space<vmem>>, vector<1x16xf32>,
        %swap3A_1835 = vector.shape_cast %swap3A_1834 : vector<1x16xf32> to vector<16xf32>
        %swap3A_1836 = vector.shape_cast %get3A_1825 : vector<16xf32> to vector<1x16xf32>
        tpu.vector_store %arg11[%swap3A_1832, %swap3A_1833], %swap3A_1836 {strides = array<i32>} : memref<128x32xf32, #tpu.memory_space<vmem>>, vector<1x16xf32>,
        %swap3A_1837 = arith.index_cast %add3A_1817 : i32 to index
        %swap3A_1838 = arith.constant 16 : index
        %swap3A_1839 = tpu.vector_load %arg11[%swap3A_1837, %swap3A_1838] {strides = array<i32>} : memref<128x32xf32, #tpu.memory_space<vmem>>, vector<1x16xf32>,
        %swap3A_1840 = vector.shape_cast %swap3A_1839 : vector<1x16xf32> to vector<16xf32>
        %swap3A_1841 = vector.shape_cast %get3A_1831 : vector<16xf32> to vector<1x16xf32>
        tpu.vector_store %arg11[%swap3A_1837, %swap3A_1838], %swap3A_1841 {strides = array<i32>} : memref<128x32xf32, #tpu.memory_space<vmem>>, vector<1x16xf32>,
        %add3A_1842 = arith.addf %add3A_1813, %get3A_1825 : vector<16xf32>
        %add3A_1843 = arith.addf %add3A_1842, %get3A_1831 : vector<16xf32>
        %mul3A_1844 = arith.constant 16 : i32
        %mul3A_1845 = arith.muli %scan3A_1382, %mul3A_1844 : i32
        %add3A_1846 = arith.constant 15 : i32
        %add3A_1847 = arith.addi %mul3A_1845, %add3A_1846 : i32
        %slice3A_1848 = vector.extract_strided_slice %and3A_1395 {offsets = [15], sizes = [1], strides = [1]} : vector<16xi32> to vector<1xi32>
        %squeeze3A_1849 = vector.extract %slice3A_1848[0] : i32 from vector<1xi32>
        %mul3A_1850 = arith.constant 32 : i32
        %mul3A_1851 = arith.muli %squeeze3A_1849, %mul3A_1850 : i32
        %get3A_1852 = arith.index_cast %add3A_1847 : i32 to index
        %get3A_1853 = arith.index_cast %mul3A_1851 : i32 to index
        %get3A_1854 = tpu.vector_load %arg10[%get3A_1852, %get3A_1853] {strides = array<i32>} : memref<128x128xf32, #tpu.memory_space<vmem>>, vector<1x16xf32>,
        %get3A_1855 = vector.shape_cast %get3A_1854 : vector<1x16xf32> to vector<16xf32>
        %add3A_1856 = arith.constant 16 : i32
        %add3A_1857 = arith.addi %mul3A_1851, %add3A_1856 : i32
        %get3A_1858 = arith.index_cast %add3A_1847 : i32 to index
        %get3A_1859 = arith.index_cast %add3A_1857 : i32 to index
        %get3A_1860 = tpu.vector_load %arg10[%get3A_1858, %get3A_1859] {strides = array<i32>} : memref<128x128xf32, #tpu.memory_space<vmem>>, vector<1x16xf32>,
        %get3A_1861 = vector.shape_cast %get3A_1860 : vector<1x16xf32> to vector<16xf32>
        %swap3A_1862 = arith.index_cast %add3A_1847 : i32 to index
        %swap3A_1863 = arith.constant 0 : index
        %swap3A_1864 = tpu.vector_load %arg11[%swap3A_1862, %swap3A_1863] {strides = array<i32>} : memref<128x32xf32, #tpu.memory_space<vmem>>, vector<1x16xf32>,
        %swap3A_1865 = vector.shape_cast %swap3A_1864 : vector<1x16xf32> to vector<16xf32>
        %swap3A_1866 = vector.shape_cast %get3A_1855 : vector<16xf32> to vector<1x16xf32>
        tpu.vector_store %arg11[%swap3A_1862, %swap3A_1863], %swap3A_1866 {strides = array<i32>} : memref<128x32xf32, #tpu.memory_space<vmem>>, vector<1x16xf32>,
        %swap3A_1867 = arith.index_cast %add3A_1847 : i32 to index
        %swap3A_1868 = arith.constant 16 : index
        %swap3A_1869 = tpu.vector_load %arg11[%swap3A_1867, %swap3A_1868] {strides = array<i32>} : memref<128x32xf32, #tpu.memory_space<vmem>>, vector<1x16xf32>,
        %swap3A_1870 = vector.shape_cast %swap3A_1869 : vector<1x16xf32> to vector<16xf32>
        %swap3A_1871 = vector.shape_cast %get3A_1861 : vector<16xf32> to vector<1x16xf32>
        tpu.vector_store %arg11[%swap3A_1867, %swap3A_1868], %swap3A_1871 {strides = array<i32>} : memref<128x32xf32, #tpu.memory_space<vmem>>, vector<1x16xf32>,
        %add3A_1872 = arith.addf %add3A_1843, %get3A_1855 : vector<16xf32>
        %add3A_1873 = arith.addf %add3A_1872, %get3A_1861 : vector<16xf32>
        scf.yield %add3A_1873 : vector<16xf32>
      }
      %scan3A_1378 = arith.constant 8 : i32
      %mul3A_1379 = arith.constant 128 : i32
      %mul3A_1380 = arith.muli %scan3A_1361, %mul3A_1379 : i32
      %add3A_1381 = arith.addi %add3A_678, %mul3A_1380 : i32
      "tpu.region"() ({
        %run_scoped3A = tpu.sem_alloc : memref<!tpu.dma_semaphore, #tpu.memory_space<semaphore_mem>>
        %dma_start3A_1382 = arith.constant 0 : i32
        %dma_start3A_1383 = tpu.memref_slice %arg6[%add3A_1381, %dma_start3A_1382] : memref<32768x32xf32, #tpu.memory_space<hbm>> -> memref<128x32xf32, #tpu.memory_space<hbm>>
        %dma_start3A_1384 = arith.constant 0 : i32
        %dma_start3A_1385 = tpu.memref_slice %arg6[%add3A_1381, %dma_start3A_1384] : memref<32768x32xf32, #tpu.memory_space<hbm>> -> memref<128x32xf32, #tpu.memory_space<hbm>>
        tpu.enqueue_dma source(%arg11 : memref<128x32xf32, #tpu.memory_space<vmem>>) target(%dma_start3A_1385 : memref<128x32xf32, #tpu.memory_space<hbm>>) target_semaphore(%run_scoped3A : memref<!tpu.dma_semaphore, #tpu.memory_space<semaphore_mem>>)
        %dma_wait3A_1386 = arith.constant 0 : i32
        %dma_wait3A_1387 = tpu.memref_slice %arg6[%add3A_1381, %dma_wait3A_1386] : memref<32768x32xf32, #tpu.memory_space<hbm>> -> memref<128x32xf32, #tpu.memory_space<hbm>>
        %dma_wait3A_1388 = arith.constant 0 : i32
        %dma_wait3A_1389 = tpu.memref_slice %arg6[%add3A_1381, %dma_wait3A_1388] : memref<32768x32xf32, #tpu.memory_space<hbm>> -> memref<128x32xf32, #tpu.memory_space<hbm>>
        tpu.wait_dma2 semaphore(%run_scoped3A : memref<!tpu.dma_semaphore, #tpu.memory_space<semaphore_mem>>) src(%arg11 : memref<128x32xf32, #tpu.memory_space<vmem>>) dst(%dma_wait3A_1389 : memref<128x32xf32, #tpu.memory_space<hbm>>)
        tpu.yield
      }) : () -> ()
      scf.yield %scan3A_1377 : vector<16xf32>
    }
    %scan3A_1356 = arith.constant 4 : i32
    %swap3A_1357 = arith.constant 0 : index
    %swap3A_1358 = tpu.vector_load %arg12[%swap3A_1357] {strides = array<i32>} : memref<16xf32, #tpu.memory_space<vmem>>, vector<16xf32>,
    %swap3A_1359 = vector.shape_cast %swap3A_1358 : vector<16xf32> to vector<16xf32>
    %swap3A_1360 = vector.shape_cast %scan3A_1355 : vector<16xf32> to vector<16xf32>
    tpu.vector_store %arg12[%swap3A_1357], %swap3A_1360 {strides = array<i32>} : memref<16xf32, #tpu.memory_space<vmem>>, vector<16xf32>,
    "tpu.region"() ({
      %run_scoped3A = tpu.sem_alloc : memref<!tpu.dma_semaphore, #tpu.memory_space<semaphore_mem>>
      %dma_start3A = arith.constant 0 : i32
      %dma_start3A_1361 = tpu.memref_slice %arg7[%add3A, %dma_start3A] : memref<32x16xf32, #tpu.memory_space<hbm>> -> memref<1x16xf32, #tpu.memory_space<hbm>>
      %dma_start3A_1362 = tpu.memref_squeeze %dma_start3A_1361 : memref<1x16xf32, #tpu.memory_space<hbm>> -> memref<16xf32, #tpu.memory_space<hbm>>
      %dma_start3A_1363 = arith.constant 0 : i32
      %dma_start3A_1364 = tpu.memref_slice %arg7[%add3A, %dma_start3A_1363] : memref<32x16xf32, #tpu.memory_space<hbm>> -> memref<1x16xf32, #tpu.memory_space<hbm>>
      %dma_start3A_1365 = tpu.memref_squeeze %dma_start3A_1364 : memref<1x16xf32, #tpu.memory_space<hbm>> -> memref<16xf32, #tpu.memory_space<hbm>>
      tpu.enqueue_dma source(%arg12 : memref<16xf32, #tpu.memory_space<vmem>>) target(%dma_start3A_1365 : memref<16xf32, #tpu.memory_space<hbm>>) target_semaphore(%run_scoped3A : memref<!tpu.dma_semaphore, #tpu.memory_space<semaphore_mem>>)
      %dma_wait3A = arith.constant 0 : i32
      %dma_wait3A_1366 = tpu.memref_slice %arg7[%add3A, %dma_wait3A] : memref<32x16xf32, #tpu.memory_space<hbm>> -> memref<1x16xf32, #tpu.memory_space<hbm>>
      %dma_wait3A_1367 = tpu.memref_squeeze %dma_wait3A_1366 : memref<1x16xf32, #tpu.memory_space<hbm>> -> memref<16xf32, #tpu.memory_space<hbm>>
      %dma_wait3A_1368 = arith.constant 0 : i32
      %dma_wait3A_1369 = tpu.memref_slice %arg7[%add3A, %dma_wait3A_1368] : memref<32x16xf32, #tpu.memory_space<hbm>> -> memref<1x16xf32, #tpu.memory_space<hbm>>
      %dma_wait3A_1370 = tpu.memref_squeeze %dma_wait3A_1369 : memref<1x16xf32, #tpu.memory_space<hbm>> -> memref<16xf32, #tpu.memory_space<hbm>>
      tpu.wait_dma2 semaphore(%run_scoped3A : memref<!tpu.dma_semaphore, #tpu.memory_space<semaphore_mem>>) src(%arg12 : memref<16xf32, #tpu.memory_space<vmem>>) dst(%dma_wait3A_1370 : memref<16xf32, #tpu.memory_space<hbm>>)
      tpu.yield
    }) : () -> ()
    return
  }
}

module attributes {stable_mosaic.version = 14 : i64} {
  func.func @_repack_body(%arg0: i32, %arg1: memref<32x32768xf32, #tpu.memory_space<vmem>>, %arg2: memref<8192x128xf32, #tpu.memory_space<vmem>>) attributes {dimension_semantics = [#tpu.dimension_semantics<arbitrary>], iteration_bounds = array<i64: 31>, scalar_prefetch = 0 : i64, scratch_operands = 0 : i64, tpu.core_type = #tpu.core_type<tc>, window_params = [{transform_indices = @transform_0, window_bounds = array<i64: 32, 32768>}, {transform_indices = @transform_1, window_bounds = array<i64: 8192, 128>}]} {
    %get3A = arith.constant 0 : index
    %get3A_0 = arith.constant 0 : index
    %get3A_1 = vector.load %arg1[%get3A, %get3A_0] : memref<32x32768xf32, #tpu.memory_space<vmem>>, vector<32x32768xf32>
    %transpose3A = tpu.transpose %get3A_1, [1, 0] : vector<32x32768xf32> -> vector<32768x32xf32>
    %slice3A = vector.extract_strided_slice %transpose3A {offsets = [0, 0], sizes = [2048, 32], strides = [1, 1]} : vector<32768x32xf32> to vector<2048x32xf32>
    %slice3A_2 = vector.extract_strided_slice %transpose3A {offsets = [2048, 0], sizes = [2048, 32], strides = [1, 1]} : vector<32768x32xf32> to vector<2048x32xf32>
    %slice3A_3 = vector.extract_strided_slice %transpose3A {offsets = [4096, 0], sizes = [2048, 32], strides = [1, 1]} : vector<32768x32xf32> to vector<2048x32xf32>
    %slice3A_4 = vector.extract_strided_slice %transpose3A {offsets = [6144, 0], sizes = [2048, 32], strides = [1, 1]} : vector<32768x32xf32> to vector<2048x32xf32>
    %concatenate3A = tpu.concatenate %slice3A, %slice3A_2, %slice3A_3, %slice3A_4 in 1 : vector<2048x32xf32>, vector<2048x32xf32>, vector<2048x32xf32>, vector<2048x32xf32> -> vector<2048x128xf32>
    %slice3A_5 = vector.extract_strided_slice %transpose3A {offsets = [8192, 0], sizes = [2048, 32], strides = [1, 1]} : vector<32768x32xf32> to vector<2048x32xf32>
    %slice3A_6 = vector.extract_strided_slice %transpose3A {offsets = [10240, 0], sizes = [2048, 32], strides = [1, 1]} : vector<32768x32xf32> to vector<2048x32xf32>
    %slice3A_7 = vector.extract_strided_slice %transpose3A {offsets = [12288, 0], sizes = [2048, 32], strides = [1, 1]} : vector<32768x32xf32> to vector<2048x32xf32>
    %slice3A_8 = vector.extract_strided_slice %transpose3A {offsets = [14336, 0], sizes = [2048, 32], strides = [1, 1]} : vector<32768x32xf32> to vector<2048x32xf32>
    %concatenate3A_9 = tpu.concatenate %slice3A_5, %slice3A_6, %slice3A_7, %slice3A_8 in 1 : vector<2048x32xf32>, vector<2048x32xf32>, vector<2048x32xf32>, vector<2048x32xf32> -> vector<2048x128xf32>
    %slice3A_10 = vector.extract_strided_slice %transpose3A {offsets = [16384, 0], sizes = [2048, 32], strides = [1, 1]} : vector<32768x32xf32> to vector<2048x32xf32>
    %slice3A_11 = vector.extract_strided_slice %transpose3A {offsets = [18432, 0], sizes = [2048, 32], strides = [1, 1]} : vector<32768x32xf32> to vector<2048x32xf32>
    %slice3A_12 = vector.extract_strided_slice %transpose3A {offsets = [20480, 0], sizes = [2048, 32], strides = [1, 1]} : vector<32768x32xf32> to vector<2048x32xf32>
    %slice3A_13 = vector.extract_strided_slice %transpose3A {offsets = [22528, 0], sizes = [2048, 32], strides = [1, 1]} : vector<32768x32xf32> to vector<2048x32xf32>
    %concatenate3A_14 = tpu.concatenate %slice3A_10, %slice3A_11, %slice3A_12, %slice3A_13 in 1 : vector<2048x32xf32>, vector<2048x32xf32>, vector<2048x32xf32>, vector<2048x32xf32> -> vector<2048x128xf32>
    %slice3A_15 = vector.extract_strided_slice %transpose3A {offsets = [24576, 0], sizes = [2048, 32], strides = [1, 1]} : vector<32768x32xf32> to vector<2048x32xf32>
    %slice3A_16 = vector.extract_strided_slice %transpose3A {offsets = [26624, 0], sizes = [2048, 32], strides = [1, 1]} : vector<32768x32xf32> to vector<2048x32xf32>
    %slice3A_17 = vector.extract_strided_slice %transpose3A {offsets = [28672, 0], sizes = [2048, 32], strides = [1, 1]} : vector<32768x32xf32> to vector<2048x32xf32>
    %slice3A_18 = vector.extract_strided_slice %transpose3A {offsets = [30720, 0], sizes = [2048, 32], strides = [1, 1]} : vector<32768x32xf32> to vector<2048x32xf32>
    %concatenate3A_19 = tpu.concatenate %slice3A_15, %slice3A_16, %slice3A_17, %slice3A_18 in 1 : vector<2048x32xf32>, vector<2048x32xf32>, vector<2048x32xf32>, vector<2048x32xf32> -> vector<2048x128xf32>
    %concatenate3A_20 = tpu.concatenate %concatenate3A, %concatenate3A_9, %concatenate3A_14, %concatenate3A_19 in 0 : vector<2048x128xf32>, vector<2048x128xf32>, vector<2048x128xf32>, vector<2048x128xf32> -> vector<8192x128xf32>
    %swap3A = arith.constant 0 : index
    %swap3A_21 = arith.constant 0 : index
    %swap3A_22 = vector.load %arg2[%swap3A, %swap3A_21] : memref<8192x128xf32, #tpu.memory_space<vmem>>, vector<8192x128xf32>
    tpu.vector_store %arg2[%swap3A, %swap3A_21], %concatenate3A_20 {strides = array<i32>} : memref<8192x128xf32, #tpu.memory_space<vmem>>, vector<8192x128xf32>,
    return
  }
  func.func @transform_0(%arg0: i32) -> (i32, i32) {
    %c0_i32 = arith.constant 0 : i32
    %c0_i32_0 = arith.constant 0 : i32
    return %c0_i32, %arg0 : i32, i32
  }
  func.func @transform_1(%arg0: i32) -> (i32, i32) {
    %c0_i32 = arith.constant 0 : i32
    %c0_i32_0 = arith.constant 0 : i32
    return %arg0, %c0_i32 : i32, i32
  }
}

</mosaic_0001>

<sc_bundles>
// kernel: _sc_lookup.5.cloned.1.call-start
scs
__scs_entry_jumppad:
0x0: {  	(pc) =	sbr.rel $0x88, $3  }
0x1: {  	(tag) =	ssettag $0x0;
	lr =	simm.s32 $0x1  }
0x2: {  	[smem:$0x3F9D] =	sst lr;
	_ =	strace $0xD0000000  }
0x3: {  	_ = 	snop  }
0x4: {  	_ = 	snop  }
0x5: {  	_ = 	snop  }
0x6: {  	_ = 	snop  }
0x7: {  	_ = 	snop  }
__scs_overlays_trampoline_lowered:
0x8: {  	[smem:$0x3FAC] =	sst s0  }
0x9: {  	[smem:$0x3FAD] =	sst s1  }
0xa: {  	[smem:$0x3FAE] =	sst s2  }
0xb: {  	[smem:$0x3FAF] =	sst s3  }
0xc: {  	[smem:$0x3FB0] =	sst s4  }
0xd: {  	[smem:$0x3FB1] =	sst s5  }
0xe: {  	[smem:$0x3FB2] =	sst s6  }
0xf: {  	[smem:$0x3FB3] =	sst s7  }
0x10: {  	[smem:$0x3FB4] =	sst s8  }
0x11: {  	[smem:$0x3FB5] =	sst s9;
	s0 =	simm.s32 @!p0 $0x0  }
0x12: {  	s1 =	sld [smem:$0x3F9B];
	s0 =	simm.s32 @p0 $0x1  }
0x13: {  	[smem:$0x3FB6] =	sst s0;
	s0 =	simm.s32 @!p1 $0x0  }
0x14: {  	s2 =	sld [smem:$0x3F9A];
	s0 =	simm.s32 @p1 $0x1  }
0x15: {  	[smem:$0x3FB7] =	sst s0;
	s0 =	simm.s32 @!p2 $0x0  }
0x16: {  	s3 =	sld [smem:$0x3FDB];
	s0 =	simm.s32 @p2 $0x1  }
0x17: {  	s4 =	simm.s32 $0x1BF5;
	[smem:$0x3FB9] =	sst s0  }
0x18: {  	s0 =	sld [smem:$0x3F9C];
	_ =	swait.ge [sflag:s4], $0x0  }
0x19: {  	s7 =	sld [smem:$0x3F9D]  }
0x1a: {  	s8 =	sadd.s32 $0xFFFFE003, lr  }
0x1b: {  	s9 =	sadd.s32 $0xFFFFFEF7, lr;
	s5 =	simm.s32 $0xFFFFFFFF;
	p2 =	slt.u32 s8, $0xFFFFF086  }
0x1c: {  	p1 =	slt.u32 s9, $0xF7A;
	s5 =	simm.s32 @!p2 $0x0  }
0x1d: {  	s5 =	simm.s32 @p1 $0x1;
	p0 =	seq.s32 s7, s2  }
0x1e: {  	s7 =	smul.u32 @!p0 $0xF7A, s2;
	p2 =	seq.s32 @!p0 s5, $0x0  }
0x1f: {  	s9 =	smul.u32 $0xF7A, s1;
	s8 =	simm.s32 @!p0 $0x1BF5;
	p2 =	por !p2, p0  }
0x20: {  	[sflag:s8] =	ssyncset.s32 @!p0 $0xFFFFF086;
	s6 =	sadd.s32 @!p0 s3, s7;
	s7 =	simm.s32 @!p0 $0x108  }
0x21: {  	s3 =	sadd.s32 s3, s9;
	s6 =	sadd.s32 @!p0 $0x88, s6;
	s7 =	simm.s32 @p2 $0x1082  }
0x22: {  	[simem:s7], [sflag:s8] =	dma.local @!p0 [hbm:s6], $0xF7A  }
0x23: {  	s9 =	sor.u32 $0xD0000000, s2;
	s6 =	simm.s32 $0x108;
	_ =	swait.ge @!p0 [sflag:s8], $0x0  }
0x24: {  	s3 =	sadd.s32 $0x88, s3;
	s6 =	simm.s32 @!p1 $0x1082;
	[sflag:s4] =	ssyncset.s32 $0xFFFFF086  }
0x25: {  	[simem:s6], [sflag:s4] =	dma.local [hbm:s3], $0xF7A  }
0x26: {  	[smem:$0x3F9D] =	sst s1;
	(tag) =	ssettag s2;
	_ =	strace s9  }
0x27: {  	s1 =	sld [smem:$0x3FAD]  }
0x28: {  	s2 =	sld [smem:$0x3FAE]  }
0x29: {  	s4 =	sld [smem:$0x3FB0]  }
0x2a: {  	p0 =	seq.s32 s5, $0x0;
	s5 =	sld [smem:$0x3FB1]  }
0x2b: {  	s6 =	sld [smem:$0x3FB2]  }
0x2c: {  	s7 =	sld [smem:$0x3FB3]  }
0x2d: {  	s3 =	simm.s32 $0x108;
	s8 =	sld [smem:$0x3FB4]  }
0x2e: {  	s3 =	simm.s32 @!p0 $0x1082;
	s9 =	sld [smem:$0x3FB5]  }
0x2f: {  	lr =	sadd.s32 s0, s3;
	s0 =	sld [smem:$0x3FAC]  }
0x30: {  	s3 =	sld [smem:$0x3FAF]  }
0x31: {  	[smem:$0x3FB8] =	sst s10  }
0x32: {  	s10 =	sld [smem:$0x3FB6];
	_ =	sdelay $0x3  }
0x33: {  	p0 =	seq.s32 s10, $0x1;
	s10 =	sld [smem:$0x3FB8];
	_ =	sdelay $0x3  }
0x34: {  	[smem:$0x3FB8] =	sst s10  }
0x35: {  	s10 =	sld [smem:$0x3FB7];
	_ =	sdelay $0x3  }
0x36: {  	p1 =	seq.s32 s10, $0x1;
	s10 =	sld [smem:$0x3FB8];
	_ =	sdelay $0x3  }
0x37: {  	[smem:$0x3FB8] =	sst s10  }
0x38: {  	s10 =	sld [smem:$0x3FB9]  }
0x39: {  	_ = 	snop;
	(pc) =	sbr.ind lr, $3  }
0x3a: {  	_ = 	snop  }
0x3b: {  	_ = 	snop  }
0x3c: {  	p2 =	seq.s32 s10, $0x1;
	s10 =	sld [smem:$0x3FB8]  }
0x3d: {  	_ =	shalt  }
0x3e: {  	_ =	shalt  }
0x3f: {  	_ =	shalt  }
0x40: {  	_ =	shalt  }
0x41: {  	_ =	shalt  }
0x42: {  	_ =	shalt  }
0x43: {  	_ =	shalt  }
0x44: {  	_ =	shalt  }
0x45: {  	_ =	shalt  }
0x46: {  	_ =	shalt  }
0x47: {  	_ =	shalt  }
0x48: {  	_ =	shalt  }
0x49: {  	_ =	shalt  }
0x4a: {  	_ =	shalt  }
0x4b: {  	_ =	shalt  }
0x4c: {  	_ =	shalt  }
0x4d: {  	_ =	shalt  }
0x4e: {  	_ =	shalt  }
0x4f: {  	_ =	shalt  }
0x50: {  	_ =	shalt  }
0x51: {  	_ =	shalt  }
0x52: {  	_ =	shalt  }
0x53: {  	_ =	shalt  }
0x54: {  	_ =	shalt  }
0x55: {  	_ =	shalt  }
0x56: {  	_ =	shalt  }
0x57: {  	_ =	shalt  }
0x58: {  	_ =	shalt  }
0x59: {  	_ =	shalt  }
0x5a: {  	_ =	shalt  }
0x5b: {  	_ =	shalt  }
0x5c: {  	_ =	shalt  }
0x5d: {  	_ =	shalt  }
0x5e: {  	_ =	shalt  }
0x5f: {  	_ =	shalt  }
0x60: {  	_ =	shalt  }
0x61: {  	_ =	shalt  }
0x62: {  	_ =	shalt  }
0x63: {  	_ =	shalt  }
0x64: {  	_ =	shalt  }
0x65: {  	_ =	shalt  }
0x66: {  	_ =	shalt  }
0x67: {  	_ =	shalt  }
0x68: {  	_ =	shalt  }
0x69: {  	_ =	shalt  }
0x6a: {  	_ =	shalt  }
0x6b: {  	_ =	shalt  }
0x6c: {  	_ =	shalt  }
0x6d: {  	_ =	shalt  }
0x6e: {  	_ =	shalt  }
0x6f: {  	_ =	shalt  }
0x70: {  	_ =	shalt  }
0x71: {  	_ =	shalt  }
0x72: {  	_ =	shalt  }
0x73: {  	_ =	shalt  }
0x74: {  	_ =	shalt  }
0x75: {  	_ =	shalt  }
0x76: {  	_ =	shalt  }
0x77: {  	_ =	shalt  }
0x78: {  	_ =	shalt  }
0x79: {  	_ =	shalt  }
0x7a: {  	_ =	shalt  }
0x7b: {  	_ =	shalt  }
0x7c: {  	_ =	shalt  }
0x7d: {  	_ =	shalt  }
0x7e: {  	_ =	shalt  }
0x7f: {  	_ =	shalt  }
0x80: {  	_ =	shalt  }
0x81: {  	_ =	shalt  }
0x82: {  	_ =	shalt  }
0x83: {  	_ =	shalt  }
0x84: {  	_ =	shalt  }
0x85: {  	_ =	shalt  }
0x86: {  	_ =	shalt  }
0x87: {  	_ =	shalt  }
.Lfunc_end0:
.L_simem_size_0:
called_computation_lowered:
.L_overlay_start_0:
0x88: {  	s2 =	sld [smem:$0x3FD9]  }
0x89: {  	s3 =	sld [smem:$0x3FFE];
	_ =	sdelay $0x1  }
0x8a: {  	s1 =	srdreg.scid  }
0x8b: {  	s0 =	sand.u32 $0x1, s1  }
0x8c: {  	s17 =	sshll.u32 s0, $0xA;
	s2 =	sadd.s32 s3, s2  }
0x8d: {  	s2 =	sadd.s32 s2, s17  }
0x8e: {  	[smem:$0x3FC4] =	sst s2  }
0x8f: {  	_ = 	snop  }
0x90: {  	s2 =	sld [smem:$0x3FC7]  }
0x91: {  	s18 =	sld [smem:$0x3FC6];
	(tm) =	ssettm $0x1  }
0x92: {  	s4 =	sld [smem:$0x3FFB];
	_ =	sdelay $0x3  }
0x93: {  	_ =	strace s4  }
0x94: {  	s4 =	sld [smem:$0x3FFC];
	_ =	sdelay $0x3  }
0x95: {  	_ =	strace s4  }
0x96: {  	s4 =	sld [smem:$0x3FFD];
	_ =	sdelay $0x3  }
0x97: {  	_ =	strace s4  }
0x98: {  	_ =	strace $0x8FFFFFFF  }
0x99: {  	s19 =	sld [smem:$0x3FDB];
	_ =	sdelay $0x1  }
0x9a: {  	s5 =	simm.s32 $_scs_section_size  }
0x9b: {  	s6 =	simm.s32 $_size__tile_overlayer_lowered;
	s7 =	simm.s32 $_tile_overlayer_lowered  }
0x9c: {  	s22 =	simm.s32 $0x1BFF;
	s21 =	sshll.u32 s7, $0x1;
	s4 =	sadd.s32 s5, s19  }
0x9d: {  	s8 =	simm.s32 $0x0;
	s20 =	sshll.u32 s6, $0x1;
	s6 =	sadd.s32 s21, s4  }
0x9e: {  	[timem:s8], [sflag:s22] =	dma.local [hbm:s6], s20  }
0x9f: {  	_ =	swait.ge [sflag:s22], s20  }
0xa0: {  	s5 =	ssub.s32 $0x0, s20;
	[sflag:s22] =	ssyncset.done $0x0  }
0xa1: {  	[sflag:s22] =	ssyncadd.s32 s5;
	_ =	sdelay $0x1  }
0xa2: {  	s23 =	simm.s32 $0x1B8B  }
0xa3: {  	_ =	swait.ge [sflag:s23], $0x1  }
0xa4: {  	[sflag:s23] =	ssyncset.done $0x0  }
0xa5: {  	s25 =	simm.s32 $0x1B8E;
	s24 =	sld [smem:$0x3FFE];
	[sflag:s23] =	ssyncadd.s32 $0xFFFFFFFF  }
0xa6: {  	s26 =	simm.s32 $execute0_lowered;
	[smem:$0x3FD2] =	sst s25  }
0xa7: {  	s6 =	sshll.u32 s26, $0x1;
	_ =	strace $0x80000046;
	[dreg:$0x1] =	wrdreg $0xFFFFFFFF  }
0xa8: {  	s28 =	simm.s32 $_size_execute0_lowered;
	s4 =	sadd.s32 s4, s6;
	[dreg:$0x0] =	wrdreg $0x0  }
0xa9: {  	s6 =	sshll.u32 s28, $0x1;
	[dreg:$0x2] =	wrdreg s4  }
0xaa: {  	[dreg:$0x3] =	wrdreg s6  }
0xab: {  	[dreg:$0x4] =	wrdreg $0xC0  }
0xac: {  	_ =	task [dreg:s8], $0x5FFFF  }
0xad: {  	[dreg:$0x1] =	wrdreg $0xFFFFFFFF  }
0xae: {  	[dreg:$0x0] =	wrdreg $0x60  }
0xaf: {  	[dreg:$0x2] =	wrdreg s24  }
0xb0: {  	[dreg:$0x3] =	wrdreg s2  }
0xb1: {  	[dreg:$0x4] =	wrdreg s18  }
0xb2: {  	[dreg:$0x5] =	wrdreg $0x9  }
0xb3: {  	_ =	task.clear_ibuf [dreg:s8], $0x6FFFF;
	_ =	strace $0x90000046  }
0xb4: {  	s29 =	simm.s32 $0x9;
	_ =	strace $0x80000048  }
0xb5: {  	_ =	swait.ge [sflag:s29], $0x1  }
0xb6: {  	[sflag:s29] =	ssyncadd.s32 $0xFFFFFFFF  }
0xb7: {  	_ =	strace $0x90000048  }
0xb8: {  	_ =	sfence  }
0xb9: {  	s30 =	sld [smem:$0x0];
	_ =	sdelay $0x2  }
0xba: {  	s31 =	sshll.u32 s1, $0xD;
	s1 =	sshrl.u32 s1, $0x2  }
0xbb: {  	s3 =	sand.u32 $0x4000, s31;
	s1 =	sadd.s32 s1, s30  }
0xbc: {  	s0 =	sor.u32 s3, s0;
	s1 =	sshll.u32 s1, $0x11  }
0xbd: {  	s0 =	sor.u32 s1, s0  }
0xbe: {  	s0 =	sadd.s32 $0x8F2B, s0  }
0xbf: {  	[sflag:s0] =	ssyncadd.remote.s32 $0x1  }
0xc0: {  	_ =	sfence.sel $0xFFFF  }
0xc1: {  	[dreg:$0x0] =	wrdreg $0xFFFFFFFF;
	(pc) =	sbr.abs _section_cstart, $3  }
0xc2: {  	[dreg:$0x1] =	wrdreg $0xFFFFFFFF  }
0xc3: {  	_ =	task.clear_ibuf [dreg:s8], $0x2FFFF;
	_ =	strace $0x9FFFFFFF  }
0xc4: {  	(tm) =	ssettm $0x7FFFFFFF  }
0xc5: {  	_ =	shalt  }
tec
execute0_lowered:
.L_overlay_start_1:
0x0: {  	(tag) =	ssettag $0x1  }
0x1: {  	s7 =	rddreg [dreg:$0x0]  }
0x2: {  	s8 =	rddreg [dreg:$0x1]  }
0x3: {  	s9 =	rddreg [dreg:$0x2]  }
0x4: {  	s0 =	rddreg [dreg:$0x3];
	s2 =	simm.s32 $0x0;
	s3 =	srdreg.scid  }
0x5: {  	s1 =	stileid.u32;
	s14 =	simm.s32 $0x1;
	s15 =	simm.s32 $0x4400  }
0x6: {  	s16 =	simm.s32 $0x8400;
	s17 =	simm.s32 $0x0;
	[smem:$0x7FF] =	sst s2  }
0x7: {  	s10 =	sand.u32 $0x1, s3;
	s30 =	sshll.u32 s1, $0x1;
	s3 =	sadd.s32 $0x800, s7  }
0x8: {  	s4 =	sadd.s32 $0x3E0800, s7;
	s6 =	sadd.s32 $0x7C0800, s7;
	s11 =	sor.u32 s10, s30  }
0x9: {  	s13 =	sshll.u32 s10, $0x9;
	s10 =	ssub.s32 $0x2, s10;
	s5 =	sshll.u32 s11, $0x9  }
0xa: {  	_ =	strace $0x80000047;
	s31 =	sshrl.u32 s10, $0x1;
	s12 =	sand.u32 $0x3C00, s5  }
0xb: {  	s11 =	sshll.u32 s11, $0x4;
	s10 =	ssub.s32 s10, s31;
	s12 =	sor.u32 s13, s12  }
0xc: {  	s11 =	sadd.s32 s11, s7;
	s10 =	smax.u32 s10, $0x1;
	s12 =	sshrl.u32 s12, $0x3  }
0xd: {  	s13 =	simm.s32 $0x400;
	s7 =	sadd.s32 s8, s12;
	s8 =	sadd.s32 s9, s12  }
0xe: {  	s9 =	sadd.s32 $0x840800, s11;
	s11 =	simm.s32 $0x2;
	s12 =	simm.s32 $0x80  }
.LBB2_1:
0xf: {  	[tilespmem:s2], [sflag:$0x2] =	stream.linear.gather [hbm4b:s7+s2], $0x200, $0x38;
	[tilespmem:$0x8480] =	vst v63  }
0x10: {  	_ =	swait.ge [sflag:s11], $0x200  }
0x11: {  	[sflag:s11] =	ssyncset.done $0x0  }
0x12: {  	[sflag:s11] =	ssyncadd.s32 $0xFFFFFE00  }
0x13: {  	v0 =	vld [tilespmem:$0x0]  }
0x14: {  	v1 =	vld [tilespmem:$0x10]  }
0x15: {  	v2 =	vld [tilespmem:$0x20]  }
0x16: {  	v3 =	vld [tilespmem:$0x30]  }
0x17: {  	v5 =	vld [tilespmem:$0x40]  }
0x18: {  	v7 =	vld [tilespmem:$0x50]  }
0x19: {  	v8 =	vld [tilespmem:$0x60]  }
0x1a: {  	v49 =	vld [tilespmem:$0x70]  }
0x1b: {  	v10 =	vld [tilespmem:$0x80]  }
0x1c: {  	v11 =	vld [tilespmem:$0x90]  }
0x1d: {  	v54 =	vld [tilespmem:$0xA0]  }
0x1e: {  	v13 =	vld [tilespmem:$0xB0]  }
0x1f: {  	v14 =	vld [tilespmem:$0xC0];
	v4 =	vshrl.u32 v0, $0x2  }
0x20: {  	v59 =	vld [tilespmem:$0xD0];
	v0 =	vand.u32 $0x7FF, v0;
	v6 =	vshrl.u32 v1, $0x2;
	v47 =	vshrl.u32 v2, $0x2  }
0x21: {  	v15 =	vld [tilespmem:$0xE0];
	v1 =	vand.u32 $0x7FF, v1;
	v2 =	vand.u32 $0x7FF, v2;
	v48 =	vshrl.u32 v3, $0x2  }
0x22: {  	v16 =	vld [tilespmem:$0xF0];
	v3 =	vand.u32 $0x7FF, v3;
	v9 =	vshrl.u32 v5, $0x2;
	v51 =	vshrl.u32 v7, $0x2  }
0x23: {  	v17 =	vld [tilespmem:$0x100];
	v5 =	vand.u32 $0x7FF, v5;
	v7 =	vand.u32 $0x7FF, v7;
	v53 =	vshrl.u32 v8, $0x2  }
0x24: {  	v20 =	vld [tilespmem:$0x110];
	v8 =	vand.u32 $0x7FF, v8;
	v12 =	vshrl.u32 v49, $0x2;
	v56 =	vshrl.u32 v10, $0x2  }
0x25: {  	v25 =	vld [tilespmem:$0x120];
	v10 =	vand.u32 $0x7FF, v10;
	v58 =	vshrl.u32 v11, $0x2;
	v60 =	vand.u32 $0x7FF, v11  }
0x26: {  	v61 =	vshrl.u32 v54, $0x2;
	v62 =	vshrl.u32 v13, $0x2;
	v13 =	vand.u32 $0x7FF, v13  }
0x27: {  	v27 =	vld [tilespmem:$0x130];
	v18 =	vand.u32 $0x7FF, v14;
	v19 =	vshrl.u32 v59, $0x2;
	v22 =	vshrl.u32 v15, $0x2  }
0x28: {  	v23 =	vand.u32 $0x7FF, v59;
	v24 =	vand.u32 $0x7FF, v15;
	v26 =	vshrl.u32 v16, $0x2  }
0x29: {  	v28 =	vand.u32 $0x7FF, v16;
	v29 =	vshrl.u32 v17, $0x2;
	v32 =	vshrl.u32 v20, $0x2  }
0x2a: {  	v30 =	vld [tilespmem:$0x140];
	v33 =	vand.u32 $0x7FF, v20;
	v35 =	vshrl.u32 v25, $0x2;
	v4 =	vand.u32 $0x3FFFF800, v4  }
0x2b: {  	v37 =	vand.u32 $0x7FF, v25;
	v46 =	vand.u32 $0x3FFFF800, v6;
	v0 =	vor.u32 v0, v4  }
0x2c: {  	v38 =	vshrl.u32 v27, $0x2;
	v6 =	vand.u32 $0x3FFFF800, v47;
	v1 =	vor.u32 v1, v46;
	[tilespmem:$0x200] =	vst v0  }
0x2d: {  	v50 =	vand.u32 $0x3FFFF800, v9;
	v9 =	vand.u32 $0x3FFFF800, v51;
	v2 =	vor.u32 v2, v6;
	[tilespmem:$0x210] =	vst v1  }
0x2e: {  	v55 =	vand.u32 $0x3FFFF800, v12;
	v12 =	vand.u32 $0x3FFFF800, v56;
	v52 =	vor.u32 v7, v9;
	[tilespmem:$0x220] =	vst v2  }
0x2f: {  	v41 =	vshrl.u32 v30, $0x2;
	v4 =	vand.u32 $0x3FFFF800, v48;
	v57 =	vor.u32 v10, v12;
	[tilespmem:$0x250] =	vst v52  }
0x30: {  	v39 =	vld [tilespmem:$0x170];
	v42 =	vand.u32 $0x7FF, v27;
	v43 =	vand.u32 $0x7FF, v30;
	v3 =	vor.u32 v3, v4;
	[tilespmem:$0x280] =	vst v57  }
0x31: {  	v34 =	vld [tilespmem:$0x150];
	v63 =	vand.u32 $0x3FFFF800, v62;
	v7 =	vand.u32 $0x3FFFF800, v53;
	v4 =	vor.u32 v5, v50;
	[tilespmem:$0x230] =	vst v3  }
0x32: {  	v36 =	vld [tilespmem:$0x160];
	v21 =	vand.u32 $0x3FFFF800, v19;
	v6 =	vand.u32 $0x7FF, v49;
	v7 =	vor.u32 v8, v7;
	[tilespmem:$0x240] =	vst v4  }
0x33: {  	v31 =	vand.u32 $0x3FFFF800, v29;
	v6 =	vor.u32 v6, v55;
	v0 =	vand.u32 $0x3FFFF800, v58;
	[tilespmem:$0x260] =	vst v7  }
0x34: {  	v1 =	vand.u32 $0x3FFFF800, v61;
	v2 =	vand.u32 $0x7FF, v54;
	v0 =	vor.u32 v60, v0;
	[tilespmem:$0x270] =	vst v6  }
0x35: {  	v44 =	vld [tilespmem:$0x180];
	v40 =	vand.u32 $0x3FFFF800, v38;
	v51 =	vshrl.u32 v39, $0x2;
	v1 =	vor.u32 v2, v1;
	[tilespmem:$0x290] =	vst v0  }
0x36: {  	v46 =	vshrl.u32 v34, $0x2;
	v48 =	vand.u32 $0x7FF, v34;
	v2 =	vor.u32 v13, v63;
	[tilespmem:$0x2A0] =	vst v1  }
0x37: {  	v49 =	vshrl.u32 v36, $0x2;
	v5 =	vand.u32 $0x3FFFF800, v22;
	v4 =	vor.u32 v23, v21;
	[tilespmem:$0x2B0] =	vst v2  }
0x38: {  	v8 =	vand.u32 $0x3FFFF800, v32;
	v5 =	vor.u32 v24, v5;
	v6 =	vand.u32 $0x3FFFF800, v26;
	[tilespmem:$0x2D0] =	vst v4  }
0x39: {  	v47 =	vld [tilespmem:$0x190];
	v52 =	vand.u32 $0x7FF, v39;
	v3 =	vshrl.u32 v14, $0x2;
	v0 =	vor.u32 v28, v6;
	[tilespmem:$0x2E0] =	vst v5  }
0x3a: {  	v50 =	vld [tilespmem:$0x1A0];
	v55 =	vand.u32 $0x7FF, v44;
	v3 =	vand.u32 $0x3FFFF800, v3;
	v2 =	vor.u32 v33, v8;
	[tilespmem:$0x2F0] =	vst v0  }
0x3b: {  	v1 =	vand.u32 $0x7FF, v17;
	v6 =	vand.u32 $0x3FFFF800, v41;
	v3 =	vor.u32 v18, v3;
	[tilespmem:$0x310] =	vst v2  }
0x3c: {  	v54 =	vld [tilespmem:$0x1C0];
	v5 =	vand.u32 $0x3FFFF800, v51;
	v1 =	vor.u32 v1, v31;
	v0 =	vor.u32 v42, v40;
	[tilespmem:$0x2C0] =	vst v3  }
0x3d: {  	v53 =	vld [tilespmem:$0x1B0];
	v45 =	vor.u32 v43, v6;
	v2 =	vand.u32 $0x3FFFF800, v49;
	v3 =	vand.u32 $0x3FFFF800, v35;
	[tilespmem:$0x300] =	vst v1  }
0x3e: {  	v57 =	vld [tilespmem:$0x1D0];
	v56 =	vshrl.u32 v47, $0x2;
	v1 =	vand.u32 $0x3FFFF800, v46;
	[tilespmem:$0x330] =	vst v0;
	v3 =	vor.u32 v37, v3  }
0x3f: {  	v1 =	vor.u32 v48, v1;
	v58 =	vshrl.u32 v50, $0x2;
	[tilespmem:$0x320] =	vst v3;
	v3 =	vand.u32 $0x7FF, v36  }
0x40: {  	[tilespmem:$0x340] =	vst v45;
	v59 =	vand.u32 $0x7FF, v50;
	v0 =	vor.u32 v3, v2;
	v3 =	vshrl.u32 v44, $0x2  }
0x41: {  	v62 =	vshrl.u32 v54, $0x2;
	[tilespmem:$0x350] =	vst v1;
	v2 =	vor.u32 v52, v5;
	v3 =	vand.u32 $0x3FFFF800, v3  }
0x42: {  	v60 =	vld [tilespmem:$0x1E0];
	[tilespmem:$0x360] =	vst v0;
	v0 =	vand.u32 $0x7FF, v47;
	v1 =	vor.u32 v55, v3;
	v3 =	vand.u32 $0x3FFFF800, v56  }
0x43: {  	v61 =	vld [tilespmem:$0x1F0];
	v63 =	vand.u32 $0x7FF, v57;
	[tilespmem:$0x370] =	vst v2;
	v0 =	vor.u32 v0, v3;
	v3 =	vshrl.u32 v53, $0x2  }
0x44: {  	v4 =	vand.u32 $0x3FFFF800, v58;
	[tilespmem:$0x380] =	vst v1;
	v1 =	vand.u32 $0x3FFFF800, v3;
	v3 =	vand.u32 $0x7FF, v53  }
0x45: {  	v2 =	vor.u32 v59, v4;
	[tilespmem:$0x390] =	vst v0;
	v0 =	vor.u32 v3, v1;
	v3 =	vshrl.u32 v57, $0x2  }
0x46: {  	[tilespmem:$0x3A0] =	vst v2;
	v2 =	vand.u32 $0x7FF, v54;
	v1 =	vand.u32 $0x3FFFF800, v62;
	v3 =	vand.u32 $0x3FFFF800, v3  }
0x47: {  	[tilespmem:$0x3B0] =	vst v0;
	v0 =	vor.u32 v2, v1;
	v2 =	vshrl.u32 v60, $0x2;
	v1 =	vor.u32 v63, v3  }
0x48: {  	[tilespmem:$0x3C0] =	vst v0;
	v0 =	vand.u32 $0x3FFFF800, v2;
	v2 =	vand.u32 $0x7FF, v60;
	v3 =	vshrl.u32 v61, $0x2  }
0x49: {  	[tilespmem:$0x3D0] =	vst v1;
	v0 =	vor.u32 v2, v0;
	v1 =	vand.u32 $0x3FFFF800, v3;
	v2 =	vand.u32 $0x7FF, v61  }
0x4a: {  	[tilespmem:$0x3E0] =	vst v0;
	v0 =	vor.u32 v2, v1  }
0x4b: {  	s18 =	simm.s32 $0x0;
	s19 =	simm.s32 $0x0;
	[tilespmem:$0x3F0] =	vst v0;
	v0 =	vimm.f32 $0.0e+00  }
.LBB2_2:
0x4c: {  	s20 =	sshll.u32 s19, $0x7  }
0x4d: {  	s21 =	sadd.s32 $0x200, s20  }
0x4e: {  	[tilespmem:s13], [sflag:$0x1] =	stream.indirect.gather [hbm4b:s3+s12], $0x80, s21, s12, $0xb8;
	[tilespmem:$0x8480] =	vst v63  }
0x4f: {  	_ =	swait.ge [sflag:s14], $0x4000  }
0x50: {  	[sflag:s14] =	ssyncset.done $0x0  }
0x51: {  	[sflag:s14] =	ssyncadd.s32 $0xFFFFC000  }
0x52: {  	v1 =	vld [tilespmem:s18+$0x0];
	_ =	sdelay $0x4  }
0x53: {  	v1 =	vshrl.u32 v1, $0xB  }
0x54: {  	v1 =	vand.u32 $0x3, v1  }
0x55: {  	s21 =	simm.s32 $0x0;
	v1 =	vshll.u32 v1, $0x5  }
0x56: {  	v1 =	vadd.s32 s21, v1  }
0x57: {  	(v2sf) =	vpush v1, $0x0;
	_ =	sdelay $0x6  }
0x58: {  	(v2sf) =	vpush v1, $0x1;
	_ =	sdelay $0x6  }
0x59: {  	(v2sf) =	vpush v1, $0x2  }
0x5a: {  	s22 =	spop (v2sf)  }
0x5b: {  	v2 =	vld [tilespmem:s22+$0x400]  }
0x5c: {  	v3 =	vld [tilespmem:s22+$0x410];
	_ =	sdelay $0x3  }
0x5d: {  	(v2sf) =	vpush v1, $0x3;
	[tilespmem:s21+$0x4400] =	vst v2  }
0x5e: {  	s26 =	spop (v2sf);
	[tilespmem:s21+$0x4410] =	vst v3  }
0x5f: {  	v4 =	vld [tilespmem:s26+$0x480]  }
0x60: {  	v5 =	vld [tilespmem:s26+$0x490];
	_ =	sdelay $0x3  }
0x61: {  	(v2sf) =	vpush v1, $0x4;
	[tilespmem:s21+$0x4480] =	vst v4  }
0x62: {  	s28 =	spop (v2sf);
	[tilespmem:s21+$0x4490] =	vst v5  }
0x63: {  	v6 =	vld [tilespmem:s28+$0x500]  }
0x64: {  	v7 =	vld [tilespmem:s28+$0x510];
	_ =	sdelay $0x3  }
0x65: {  	(v2sf) =	vpush v1, $0x5;
	[tilespmem:s21+$0x4500] =	vst v6  }
0x66: {  	s29 =	spop (v2sf);
	[tilespmem:s21+$0x4510] =	vst v7  }
0x67: {  	v8 =	vld [tilespmem:s29+$0x580]  }
0x68: {  	v9 =	vld [tilespmem:s29+$0x590];
	_ =	sdelay $0x3  }
0x69: {  	(v2sf) =	vpush v1, $0x6;
	[tilespmem:s21+$0x4580] =	vst v8  }
0x6a: {  	s30 =	spop (v2sf);
	[tilespmem:s21+$0x4590] =	vst v9  }
0x6b: {  	v10 =	vld [tilespmem:s30+$0x600]  }
0x6c: {  	v11 =	vld [tilespmem:s30+$0x610];
	_ =	sdelay $0x3  }
0x6d: {  	(v2sf) =	vpush v1, $0x7;
	[tilespmem:s21+$0x4600] =	vst v10  }
0x6e: {  	s31 =	spop (v2sf);
	[tilespmem:s21+$0x4610] =	vst v11  }
0x6f: {  	v12 =	vld [tilespmem:s31+$0x680]  }
0x70: {  	v13 =	vld [tilespmem:s31+$0x690];
	_ =	sdelay $0x3  }
0x71: {  	(v2sf) =	vpush v1, $0x8;
	[tilespmem:s21+$0x4680] =	vst v12  }
0x72: {  	s23 =	spop (v2sf);
	[tilespmem:s21+$0x4690] =	vst v13  }
0x73: {  	v0 =	vadd.f32 v2, v0;
	v14 =	vld [tilespmem:s23+$0x700]  }
0x74: {  	v15 =	vld [tilespmem:s23+$0x710]  }
0x75: {  	v0 =	vadd.f32 v3, v0;
	_ =	sdelay $0x1  }
0x76: {  	v0 =	vadd.f32 v4, v0  }
0x77: {  	(v2sf) =	vpush v1, $0x9;
	[tilespmem:s21+$0x4700] =	vst v14  }
0x78: {  	v0 =	vadd.f32 v5, v0;
	s24 =	spop (v2sf);
	[tilespmem:s21+$0x4710] =	vst v15  }
0x79: {  	v2 =	vld [tilespmem:s24+$0x780]  }
0x7a: {  	v0 =	vadd.f32 v6, v0;
	v3 =	vld [tilespmem:s24+$0x790];
	_ =	sdelay $0x1  }
0x7b: {  	v0 =	vadd.f32 v7, v0;
	(v2sf) =	vpush v1, $0xA;
	_ =	sdelay $0x1  }
0x7c: {  	v0 =	vadd.f32 v8, v0;
	[tilespmem:s21+$0x4780] =	vst v2  }
0x7d: {  	s25 =	spop (v2sf);
	[tilespmem:s21+$0x4790] =	vst v3  }
0x7e: {  	v0 =	vadd.f32 v9, v0;
	v56 =	vld [tilespmem:s25+$0x800]  }
0x7f: {  	v57 =	vld [tilespmem:s25+$0x810]  }
0x80: {  	v0 =	vadd.f32 v10, v0;
	_ =	sdelay $0x1  }
0x81: {  	v0 =	vadd.f32 v11, v0  }
0x82: {  	(v2sf) =	vpush v1, $0xB;
	[tilespmem:s21+$0x4800] =	vst v56  }
0x83: {  	v0 =	vadd.f32 v12, v0;
	s26 =	spop (v2sf);
	[tilespmem:s21+$0x4810] =	vst v57  }
0x84: {  	v58 =	vld [tilespmem:s26+$0x880]  }
0x85: {  	v0 =	vadd.f32 v13, v0;
	v59 =	vld [tilespmem:s26+$0x890];
	_ =	sdelay $0x1  }
0x86: {  	v0 =	vadd.f32 v14, v0;
	(v2sf) =	vpush v1, $0xC  }
0x87: {  	s28 =	spop (v2sf);
	(v2sf) =	vpush v1, $0xD  }
0x88: {  	v0 =	vadd.f32 v15, v0;
	[tilespmem:s21+$0x4880] =	vst v58  }
0x89: {  	[tilespmem:s21+$0x4890] =	vst v59  }
0x8a: {  	v0 =	vadd.f32 v2, v0;
	v60 =	vld [tilespmem:s28+$0x900]  }
0x8b: {  	v61 =	vld [tilespmem:s28+$0x910]  }
0x8c: {  	v0 =	vadd.f32 v3, v0;
	_ =	sdelay $0x1  }
0x8d: {  	v0 =	vadd.f32 v56, v0  }
0x8e: {  	[tilespmem:s21+$0x4900] =	vst v60  }
0x8f: {  	s29 =	spop (v2sf);
	v0 =	vadd.f32 v57, v0;
	[tilespmem:s21+$0x4910] =	vst v61  }
0x90: {  	v2 =	vld [tilespmem:s29+$0x980]  }
0x91: {  	v0 =	vadd.f32 v58, v0;
	v3 =	vld [tilespmem:s29+$0x990];
	_ =	sdelay $0x1  }
0x92: {  	v0 =	vadd.f32 v59, v0  }
0x93: {  	s30 =	spop (v2sf)  }
0x94: {  	s31 =	spop (v2sf);
	(v2sf) =	vpush v1, $0xE;
	v0 =	vadd.f32 v60, v0;
	[tilespmem:s21+$0x4980] =	vst v2  }
0x95: {  	[tilespmem:s21+$0x4990] =	vst v3  }
0x96: {  	v0 =	vadd.f32 v61, v0;
	v62 =	vld [tilespmem:s30+$0xA00]  }
0x97: {  	v63 =	vld [tilespmem:s30+$0xA10]  }
0x98: {  	v0 =	vadd.f32 v2, v0;
	_ =	sdelay $0x1  }
0x99: {  	v0 =	vadd.f32 v3, v0  }
0x9a: {  	(v2sf) =	vpush v1, $0xF;
	[tilespmem:s21+$0x4A00] =	vst v62  }
0x9b: {  	[tilespmem:s21+$0x4A10] =	vst v63;
	v0 =	vadd.f32 v62, v0  }
0x9c: {  	v2 =	vld [tilespmem:s31+$0xA80]  }
0x9d: {  	v3 =	vadd.f32 v63, v0;
	v0 =	vld [tilespmem:s31+$0xA90];
	_ =	sdelay $0x3  }
0x9e: {  	s22 =	simm.s32 $0x2000;
	s23 =	smov.u32 s18;
	[tilespmem:s21+$0x4A80] =	vst v2;
	v1 =	vadd.f32 v2, v3  }
.LBB2_3:
0x9f: {  	p0 =	sne.s32 s22, $0xE000;
	[tilespmem:s21+$0x4A90] =	vst v0;
	s23 =	sadd.s32 $0x10, s23;
	s24 =	spop (v2sf)  }
0xa0: {  	s25 =	smov.u32 s22;
	s22 =	sadd.s32 $0x2000, s22;
	v0 =	vadd.f32 v0, v1;
	v1 =	vld [tilespmem:s24+$0xB00]  }
0xa1: {  	v2 =	vld [tilespmem:s24+$0xB10];
	_ =	sdelay $0x3  }
0xa2: {  	[tilespmem:s21+$0x4B00] =	vst v1;
	v0 =	vadd.f32 v1, v0  }
0xa3: {  	[tilespmem:s21+$0x4B10] =	vst v2;
	s24 =	spop (v2sf)  }
0xa4: {  	v0 =	vadd.f32 v2, v0;
	v1 =	vld [tilespmem:s24+$0xB80]  }
0xa5: {  	v2 =	vld [tilespmem:s24+$0xB90];
	_ =	sdelay $0x3  }
0xa6: {  	[tilespmem:s21+$0x4B80] =	vst v1;
	v0 =	vadd.f32 v1, v0  }
0xa7: {  	[tilespmem:s21+$0x4B90] =	vst v2  }
0xa8: {  	v1 =	vld [tilespmem:s23+$0x0];
	v2 =	vadd.f32 v2, v0;
	_ =	sdelay $0x4  }
0xa9: {  	v0 =	vshrl.u32 v1, $0xB  }
0xaa: {  	v0 =	vand.u32 $0x3, v0  }
0xab: {  	s21 =	sshra.s32 s25, $0x2;
	v0 =	vshll.u32 v0, $0x5  }
0xac: {  	v0 =	vadd.s32 s21, v0  }
0xad: {  	(v2sf) =	vpush v0, $0x0;
	_ =	sdelay $0x6  }
0xae: {  	(v2sf) =	vpush v0, $0x1;
	_ =	sdelay $0x6  }
0xaf: {  	(v2sf) =	vpush v0, $0x2  }
0xb0: {  	s24 =	spop (v2sf)  }
0xb1: {  	v1 =	vld [tilespmem:s24+$0x400]  }
0xb2: {  	v3 =	vld [tilespmem:s24+$0x410];
	_ =	sdelay $0x3  }
0xb3: {  	[tilespmem:s21+$0x4400] =	vst v1;
	v1 =	vadd.f32 v1, v2;
	(v2sf) =	vpush v0, $0x3  }
0xb4: {  	[tilespmem:s21+$0x4410] =	vst v3;
	s24 =	spop (v2sf)  }
0xb5: {  	v1 =	vadd.f32 v3, v1;
	v2 =	vld [tilespmem:s24+$0x480]  }
0xb6: {  	v3 =	vld [tilespmem:s24+$0x490];
	_ =	sdelay $0x3  }
0xb7: {  	[tilespmem:s21+$0x4480] =	vst v2;
	v1 =	vadd.f32 v2, v1;
	(v2sf) =	vpush v0, $0x4  }
0xb8: {  	[tilespmem:s21+$0x4490] =	vst v3;
	s24 =	spop (v2sf)  }
0xb9: {  	v1 =	vadd.f32 v3, v1;
	v2 =	vld [tilespmem:s24+$0x500]  }
0xba: {  	v3 =	vld [tilespmem:s24+$0x510];
	_ =	sdelay $0x3  }
0xbb: {  	[tilespmem:s21+$0x4500] =	vst v2;
	v1 =	vadd.f32 v2, v1;
	(v2sf) =	vpush v0, $0x5  }
0xbc: {  	[tilespmem:s21+$0x4510] =	vst v3;
	s24 =	spop (v2sf)  }
0xbd: {  	v1 =	vadd.f32 v3, v1;
	v2 =	vld [tilespmem:s24+$0x580]  }
0xbe: {  	v3 =	vld [tilespmem:s24+$0x590];
	_ =	sdelay $0x3  }
0xbf: {  	[tilespmem:s21+$0x4580] =	vst v2;
	v1 =	vadd.f32 v2, v1;
	(v2sf) =	vpush v0, $0x6  }
0xc0: {  	[tilespmem:s21+$0x4590] =	vst v3;
	s24 =	spop (v2sf)  }
0xc1: {  	v1 =	vadd.f32 v3, v1;
	v2 =	vld [tilespmem:s24+$0x600]  }
0xc2: {  	v3 =	vld [tilespmem:s24+$0x610];
	_ =	sdelay $0x3  }
0xc3: {  	[tilespmem:s21+$0x4600] =	vst v2;
	v1 =	vadd.f32 v2, v1;
	(v2sf) =	vpush v0, $0x7  }
0xc4: {  	[tilespmem:s21+$0x4610] =	vst v3;
	s24 =	spop (v2sf)  }
0xc5: {  	v1 =	vadd.f32 v3, v1;
	v2 =	vld [tilespmem:s24+$0x680]  }
0xc6: {  	v3 =	vld [tilespmem:s24+$0x690];
	_ =	sdelay $0x3  }
0xc7: {  	[tilespmem:s21+$0x4680] =	vst v2;
	v1 =	vadd.f32 v2, v1;
	(v2sf) =	vpush v0, $0x8  }
0xc8: {  	[tilespmem:s21+$0x4690] =	vst v3;
	s24 =	spop (v2sf)  }
0xc9: {  	v1 =	vadd.f32 v3, v1;
	v2 =	vld [tilespmem:s24+$0x700]  }
0xca: {  	v3 =	vld [tilespmem:s24+$0x710];
	_ =	sdelay $0x3  }
0xcb: {  	[tilespmem:s21+$0x4700] =	vst v2;
	v1 =	vadd.f32 v2, v1;
	(v2sf) =	vpush v0, $0x9  }
0xcc: {  	[tilespmem:s21+$0x4710] =	vst v3;
	s24 =	spop (v2sf)  }
0xcd: {  	v1 =	vadd.f32 v3, v1;
	v2 =	vld [tilespmem:s24+$0x780]  }
0xce: {  	v3 =	vld [tilespmem:s24+$0x790];
	_ =	sdelay $0x3  }
0xcf: {  	[tilespmem:s21+$0x4780] =	vst v2;
	v1 =	vadd.f32 v2, v1;
	(v2sf) =	vpush v0, $0xA  }
0xd0: {  	[tilespmem:s21+$0x4790] =	vst v3;
	s24 =	spop (v2sf)  }
0xd1: {  	v1 =	vadd.f32 v3, v1;
	v2 =	vld [tilespmem:s24+$0x800]  }
0xd2: {  	v3 =	vld [tilespmem:s24+$0x810];
	_ =	sdelay $0x3  }
0xd3: {  	[tilespmem:s21+$0x4800] =	vst v2;
	v1 =	vadd.f32 v2, v1;
	(v2sf) =	vpush v0, $0xB  }
0xd4: {  	[tilespmem:s21+$0x4810] =	vst v3;
	s24 =	spop (v2sf)  }
0xd5: {  	v1 =	vadd.f32 v3, v1;
	v2 =	vld [tilespmem:s24+$0x880]  }
0xd6: {  	v3 =	vld [tilespmem:s24+$0x890];
	_ =	sdelay $0x3  }
0xd7: {  	[tilespmem:s21+$0x4880] =	vst v2;
	v1 =	vadd.f32 v2, v1;
	(v2sf) =	vpush v0, $0xC  }
0xd8: {  	[tilespmem:s21+$0x4890] =	vst v3;
	s24 =	spop (v2sf)  }
0xd9: {  	v1 =	vadd.f32 v3, v1;
	v2 =	vld [tilespmem:s24+$0x900]  }
0xda: {  	v3 =	vld [tilespmem:s24+$0x910];
	_ =	sdelay $0x3  }
0xdb: {  	[tilespmem:s21+$0x4900] =	vst v2;
	v1 =	vadd.f32 v2, v1;
	(v2sf) =	vpush v0, $0xD  }
0xdc: {  	[tilespmem:s21+$0x4910] =	vst v3;
	s24 =	spop (v2sf)  }
0xdd: {  	v1 =	vadd.f32 v3, v1;
	v2 =	vld [tilespmem:s24+$0x980]  }
0xde: {  	v3 =	vld [tilespmem:s24+$0x990];
	_ =	sdelay $0x3  }
0xdf: {  	[tilespmem:s21+$0x4980] =	vst v2;
	v1 =	vadd.f32 v2, v1;
	(v2sf) =	vpush v0, $0xE  }
0xe0: {  	[tilespmem:s21+$0x4990] =	vst v3;
	s24 =	spop (v2sf)  }
0xe1: {  	v1 =	vadd.f32 v3, v1;
	v2 =	vld [tilespmem:s24+$0xA00]  }
0xe2: {  	v3 =	vld [tilespmem:s24+$0xA10];
	_ =	sdelay $0x3  }
0xe3: {  	[tilespmem:s21+$0x4A00] =	vst v2;
	v1 =	vadd.f32 v2, v1;
	(v2sf) =	vpush v0, $0xF  }
0xe4: {  	[tilespmem:s21+$0x4A10] =	vst v3;
	s24 =	spop (v2sf)  }
0xe5: {  	v1 =	vadd.f32 v3, v1;
	v2 =	vld [tilespmem:s24+$0xA80]  }
.Ltmp0:
0xe6: {  	v0 =	vld [tilespmem:s24+$0xA90];
	(pc) =	sbr.rel @p0 .LBB2_3-.Ltmp0, $2  }
0xe7: {  	_ =	sdelay $0x2  }
0xe8: {  	[tilespmem:s21+$0x4A80] =	vst v2;
	v1 =	vadd.f32 v2, v1  }
0xe9: {  	[tilespmem:s21+$0x4A90] =	vst v0;
	s22 =	spop (v2sf)  }
0xea: {  	v2 =	vld [tilespmem:s22+$0xB00]  }
0xeb: {  	v3 =	vld [tilespmem:s22+$0xB10];
	_ =	sdelay $0x3  }
0xec: {  	[tilespmem:s21+$0x4B00] =	vst v2  }
0xed: {  	[tilespmem:s21+$0x4B10] =	vst v3;
	s31 =	spop (v2sf)  }
0xee: {  	v4 =	vld [tilespmem:s31+$0xB80]  }
0xef: {  	v5 =	vld [tilespmem:s31+$0xB90]  }
0xf0: {  	v0 =	vadd.f32 v0, v1;
	_ =	sdelay $0x1  }
0xf1: {  	s20 =	sadd.s32 s5, s20;
	s19 =	sadd.s32 $0x1, s19;
	v0 =	vadd.f32 v2, v0  }
0xf2: {  	s20 =	sshll.u32 s20, $0x4;
	p0 =	sne.s32 s19, $0x4;
	[tilespmem:s21+$0x4B80] =	vst v4  }
.Ltmp1:
0xf3: {  	s20 =	sadd.s32 s6, s20;
	v0 =	vadd.f32 v3, v0;
	[tilespmem:s21+$0x4B90] =	vst v5;
	(pc) =	sbr.rel @p0 .LBB2_2-.Ltmp1, $4  }
0xf4: {  	[hbm4b:s20+s2] =	stream.linear.scatter [tilespmem:s15], [sflag:$0x2], $0x4000, $0x38;
	[tilespmem:$0x8480] =	vst v63  }
0xf5: {  	v0 =	vadd.f32 v4, v0;
	_ =	swait.ge [sflag:s11], $0x4000  }
0xf6: {  	[sflag:s11] =	ssyncset.done $0x0  }
0xf7: {  	s18 =	sadd.s32 $0x80, s18;
	v0 =	vadd.f32 v5, v0;
	[sflag:s11] =	ssyncadd.s32 $0xFFFFC000  }
0xf8: {  	s18 =	simm.s32 $0x0  }
0xf9: {  	[tilespmem:s18], [sflag:$0x2] =	stream.linear.gather [hbm4b:s8+s18], $0x200, $0x38;
	[tilespmem:$0x8480] =	vst v63  }
0xfa: {  	_ =	swait.ge [sflag:s11], $0x200  }
0xfb: {  	[sflag:s11] =	ssyncset.done $0x0  }
0xfc: {  	[sflag:s11] =	ssyncadd.s32 $0xFFFFFE00  }
0xfd: {  	v1 =	vld [tilespmem:$0x0]  }
0xfe: {  	v2 =	vld [tilespmem:$0x10]  }
0xff: {  	v3 =	vld [tilespmem:$0x20]  }
0x100: {  	v4 =	vld [tilespmem:$0x30]  }
0x101: {  	v6 =	vld [tilespmem:$0x40]  }
0x102: {  	v8 =	vld [tilespmem:$0x50]  }
0x103: {  	v9 =	vld [tilespmem:$0x60]  }
0x104: {  	v39 =	vld [tilespmem:$0x70]  }
0x105: {  	v11 =	vld [tilespmem:$0x80]  }
0x106: {  	v12 =	vld [tilespmem:$0x90]  }
0x107: {  	v44 =	vld [tilespmem:$0xA0]  }
0x108: {  	v14 =	vld [tilespmem:$0xB0];
	v5 =	vshrl.u32 v1, $0x2  }
0x109: {  	v15 =	vld [tilespmem:$0xC0];
	v1 =	vand.u32 $0x7FF, v1;
	v7 =	vshrl.u32 v2, $0x2;
	v37 =	vshrl.u32 v3, $0x2  }
0x10a: {  	v49 =	vld [tilespmem:$0xD0];
	v2 =	vand.u32 $0x7FF, v2;
	v3 =	vand.u32 $0x7FF, v3;
	v38 =	vshrl.u32 v4, $0x2  }
0x10b: {  	v16 =	vld [tilespmem:$0xE0];
	v4 =	vand.u32 $0x7FF, v4;
	v10 =	vshrl.u32 v6, $0x2;
	v41 =	vshrl.u32 v8, $0x2  }
0x10c: {  	v55 =	vld [tilespmem:$0xF0];
	v6 =	vand.u32 $0x7FF, v6;
	v8 =	vand.u32 $0x7FF, v8;
	v43 =	vshrl.u32 v9, $0x2  }
0x10d: {  	v57 =	vld [tilespmem:$0x100];
	v9 =	vand.u32 $0x7FF, v9;
	v13 =	vshrl.u32 v39, $0x2;
	v46 =	vshrl.u32 v11, $0x2  }
0x10e: {  	v60 =	vld [tilespmem:$0x110];
	v11 =	vand.u32 $0x7FF, v11;
	v48 =	vshrl.u32 v12, $0x2;
	v50 =	vand.u32 $0x7FF, v12  }
0x10f: {  	v17 =	vld [tilespmem:$0x120];
	v51 =	vshrl.u32 v44, $0x2;
	v52 =	vshrl.u32 v14, $0x2;
	v54 =	vand.u32 $0x7FF, v14  }
0x110: {  	v56 =	vshrl.u32 v15, $0x2;
	v58 =	vand.u32 $0x7FF, v15;
	v59 =	vshrl.u32 v49, $0x2  }
0x111: {  	v62 =	vshrl.u32 v16, $0x2;
	v63 =	vand.u32 $0x7FF, v49;
	v16 =	vand.u32 $0x7FF, v16  }
0x112: {  	v18 =	vshrl.u32 v55, $0x2;
	v20 =	vand.u32 $0x7FF, v55;
	v21 =	vshrl.u32 v57, $0x2  }
0x113: {  	v19 =	vld [tilespmem:$0x130];
	v24 =	vshrl.u32 v60, $0x2;
	v25 =	vand.u32 $0x7FF, v60;
	v5 =	vand.u32 $0x3FFFF800, v5  }
0x114: {  	v22 =	vld [tilespmem:$0x140];
	v27 =	vshrl.u32 v17, $0x2;
	v36 =	vand.u32 $0x3FFFF800, v7;
	v1 =	vor.u32 v1, v5  }
0x115: {  	v30 =	vand.u32 $0x7FF, v17;
	v7 =	vand.u32 $0x3FFFF800, v37;
	v2 =	vor.u32 v2, v36;
	[tilespmem:$0x200] =	vst v1  }
0x116: {  	v40 =	vand.u32 $0x3FFFF800, v10;
	v10 =	vand.u32 $0x3FFFF800, v41;
	v3 =	vor.u32 v3, v7;
	[tilespmem:$0x210] =	vst v2  }
0x117: {  	v45 =	vand.u32 $0x3FFFF800, v13;
	v13 =	vand.u32 $0x3FFFF800, v46;
	v42 =	vor.u32 v8, v10;
	[tilespmem:$0x220] =	vst v3  }
0x118: {  	v31 =	vshrl.u32 v19, $0x2;
	v5 =	vand.u32 $0x3FFFF800, v38;
	v47 =	vor.u32 v11, v13;
	[tilespmem:$0x250] =	vst v42  }
0x119: {  	v26 =	vld [tilespmem:$0x150];
	v34 =	vshrl.u32 v22, $0x2;
	v35 =	vand.u32 $0x7FF, v19;
	v4 =	vor.u32 v4, v5;
	[tilespmem:$0x280] =	vst v47  }
0x11a: {  	v32 =	vld [tilespmem:$0x170];
	v53 =	vand.u32 $0x3FFFF800, v52;
	v8 =	vand.u32 $0x3FFFF800, v43;
	v5 =	vor.u32 v6, v40;
	[tilespmem:$0x230] =	vst v4  }
0x11b: {  	v61 =	vand.u32 $0x3FFFF800, v59;
	v7 =	vand.u32 $0x7FF, v39;
	v8 =	vor.u32 v9, v8;
	[tilespmem:$0x240] =	vst v5  }
0x11c: {  	v23 =	vand.u32 $0x3FFFF800, v21;
	v7 =	vor.u32 v7, v45;
	v1 =	vand.u32 $0x3FFFF800, v48;
	[tilespmem:$0x260] =	vst v8  }
0x11d: {  	v2 =	vand.u32 $0x3FFFF800, v51;
	v3 =	vand.u32 $0x7FF, v44;
	v1 =	vor.u32 v50, v1;
	[tilespmem:$0x270] =	vst v7  }
0x11e: {  	v28 =	vld [tilespmem:$0x160];
	v29 =	vand.u32 $0x3FFFF800, v27;
	v33 =	vand.u32 $0x3FFFF800, v31;
	v2 =	vor.u32 v3, v2;
	[tilespmem:$0x290] =	vst v1  }
0x11f: {  	v41 =	vand.u32 $0x7FF, v26;
	v46 =	vand.u32 $0x7FF, v32;
	v3 =	vor.u32 v54, v53;
	[tilespmem:$0x2A0] =	vst v2  }
0x120: {  	v36 =	vand.u32 $0x7FF, v22;
	v6 =	vand.u32 $0x3FFFF800, v62;
	v5 =	vor.u32 v63, v61;
	[tilespmem:$0x2B0] =	vst v3  }
0x121: {  	v49 =	vld [tilespmem:$0x1C0];
	v39 =	vshrl.u32 v26, $0x2;
	v4 =	vand.u32 $0x3FFFF800, v56;
	v6 =	vor.u32 v16, v6;
	[tilespmem:$0x2D0] =	vst v5  }
0x122: {  	v37 =	vld [tilespmem:$0x180];
	v9 =	vand.u32 $0x3FFFF800, v24;
	v7 =	vand.u32 $0x3FFFF800, v18;
	v4 =	vor.u32 v58, v4;
	[tilespmem:$0x2E0] =	vst v6  }
0x123: {  	v52 =	vld [tilespmem:$0x1D0];
	v42 =	vshrl.u32 v28, $0x2;
	v44 =	vshrl.u32 v32, $0x2;
	v1 =	vor.u32 v20, v7;
	[tilespmem:$0x2C0] =	vst v4  }
0x124: {  	v45 =	vand.u32 $0x7FF, v28;
	v2 =	vand.u32 $0x7FF, v57;
	v3 =	vor.u32 v25, v9;
	[tilespmem:$0x2F0] =	vst v1  }
0x125: {  	v43 =	vld [tilespmem:$0x1A0];
	v7 =	vand.u32 $0x3FFFF800, v34;
	v6 =	vand.u32 $0x3FFFF800, v44;
	v2 =	vor.u32 v2, v23;
	[tilespmem:$0x310] =	vst v3  }
0x126: {  	v40 =	vld [tilespmem:$0x190];
	v60 =	vshrl.u32 v49, $0x2;
	v4 =	vor.u32 v30, v29;
	v1 =	vor.u32 v35, v33;
	[tilespmem:$0x300] =	vst v2  }
0x127: {  	v47 =	vld [tilespmem:$0x1B0];
	v38 =	vor.u32 v36, v7;
	v3 =	vand.u32 $0x3FFFF800, v42;
	v48 =	vshrl.u32 v37, $0x2;
	[tilespmem:$0x320] =	vst v4  }
0x128: {  	v50 =	vand.u32 $0x7FF, v37;
	v61 =	vshrl.u32 v52, $0x2;
	v62 =	vand.u32 $0x7FF, v52;
	[tilespmem:$0x330] =	vst v1  }
0x129: {  	v2 =	vand.u32 $0x3FFFF800, v39;
	v1 =	vor.u32 v45, v3;
	v3 =	vor.u32 v46, v6;
	[tilespmem:$0x340] =	vst v38  }
0x12a: {  	v56 =	vld [tilespmem:$0x1E0];
	v4 =	vand.u32 $0x3FFFF800, v48;
	v54 =	vshrl.u32 v43, $0x2;
	v55 =	vand.u32 $0x7FF, v43;
	[tilespmem:$0x360] =	vst v1  }
0x12b: {  	v58 =	vld [tilespmem:$0x1F0];
	v2 =	vor.u32 v41, v2;
	v51 =	vshrl.u32 v40, $0x2;
	v1 =	vand.u32 $0x7FF, v40;
	[tilespmem:$0x370] =	vst v3  }
0x12c: {  	v5 =	vand.u32 $0x3FFFF800, v54;
	v57 =	vshrl.u32 v47, $0x2;
	[tilespmem:$0x350] =	vst v2;
	v2 =	vor.u32 v50, v4  }
0x12d: {  	v59 =	vand.u32 $0x7FF, v47;
	v53 =	vand.u32 $0x3FFFF800, v51;
	v3 =	vor.u32 v55, v5;
	[tilespmem:$0x380] =	vst v2  }
0x12e: {  	v4 =	vand.u32 $0x3FFFF800, v61;
	v1 =	vor.u32 v1, v53;
	v2 =	vand.u32 $0x3FFFF800, v57;
	[tilespmem:$0x3A0] =	vst v3  }
0x12f: {  	v3 =	vand.u32 $0x7FF, v49;
	[tilespmem:$0x390] =	vst v1;
	v1 =	vor.u32 v59, v2;
	v2 =	vand.u32 $0x3FFFF800, v60  }
0x130: {  	v63 =	vshrl.u32 v58, $0x2;
	[tilespmem:$0x3B0] =	vst v1;
	v1 =	vor.u32 v3, v2;
	v3 =	vshrl.u32 v56, $0x2  }
0x131: {  	v2 =	vor.u32 v62, v4;
	[tilespmem:$0x3C0] =	vst v1;
	v1 =	vand.u32 $0x3FFFF800, v3;
	v3 =	vand.u32 $0x7FF, v56  }
0x132: {  	[tilespmem:$0x3D0] =	vst v2;
	v2 =	vand.u32 $0x3FFFF800, v63;
	v1 =	vor.u32 v3, v1;
	v3 =	vand.u32 $0x7FF, v58  }
0x133: {  	[tilespmem:$0x3E0] =	vst v1;
	v1 =	vor.u32 v3, v2  }
0x134: {  	s19 =	simm.s32 $0x0;
	[tilespmem:$0x3F0] =	vst v1  }
.LBB2_6:
0x135: {  	s20 =	sshll.u32 s19, $0x7  }
0x136: {  	s21 =	sadd.s32 $0x200, s20  }
0x137: {  	[tilespmem:s13], [sflag:$0x1] =	stream.indirect.gather [hbm4b:s4+s12], $0x80, s21, s12, $0xb8;
	[tilespmem:$0x8480] =	vst v63  }
0x138: {  	_ =	swait.ge [sflag:s14], $0x4000  }
0x139: {  	[sflag:s14] =	ssyncset.done $0x0  }
0x13a: {  	[sflag:s14] =	ssyncadd.s32 $0xFFFFC000  }
0x13b: {  	v1 =	vld [tilespmem:s18+$0x0];
	_ =	sdelay $0x4  }
0x13c: {  	v1 =	vshrl.u32 v1, $0xB  }
0x13d: {  	v1 =	vand.u32 $0x3, v1  }
0x13e: {  	s21 =	simm.s32 $0x0;
	v1 =	vshll.u32 v1, $0x5  }
0x13f: {  	v1 =	vadd.s32 s21, v1  }
0x140: {  	(v2sf) =	vpush v1, $0x0;
	_ =	sdelay $0x6  }
0x141: {  	(v2sf) =	vpush v1, $0x1;
	_ =	sdelay $0x6  }
0x142: {  	(v2sf) =	vpush v1, $0x2  }
0x143: {  	s22 =	spop (v2sf)  }
0x144: {  	v2 =	vld [tilespmem:s22+$0x400]  }
0x145: {  	v3 =	vld [tilespmem:s22+$0x410];
	_ =	sdelay $0x3  }
0x146: {  	(v2sf) =	vpush v1, $0x3;
	[tilespmem:s21+$0x4400] =	vst v2  }
0x147: {  	s26 =	spop (v2sf);
	[tilespmem:s21+$0x4410] =	vst v3  }
0x148: {  	v4 =	vld [tilespmem:s26+$0x480]  }
0x149: {  	v5 =	vld [tilespmem:s26+$0x490];
	_ =	sdelay $0x3  }
0x14a: {  	(v2sf) =	vpush v1, $0x4;
	[tilespmem:s21+$0x4480] =	vst v4  }
0x14b: {  	s28 =	spop (v2sf);
	[tilespmem:s21+$0x4490] =	vst v5  }
0x14c: {  	v6 =	vld [tilespmem:s28+$0x500]  }
0x14d: {  	v7 =	vld [tilespmem:s28+$0x510];
	_ =	sdelay $0x3  }
0x14e: {  	(v2sf) =	vpush v1, $0x5;
	[tilespmem:s21+$0x4500] =	vst v6  }
0x14f: {  	s29 =	spop (v2sf);
	[tilespmem:s21+$0x4510] =	vst v7  }
0x150: {  	v8 =	vld [tilespmem:s29+$0x580]  }
0x151: {  	v9 =	vld [tilespmem:s29+$0x590];
	_ =	sdelay $0x3  }
0x152: {  	(v2sf) =	vpush v1, $0x6;
	[tilespmem:s21+$0x4580] =	vst v8  }
0x153: {  	s30 =	spop (v2sf);
	[tilespmem:s21+$0x4590] =	vst v9  }
0x154: {  	v10 =	vld [tilespmem:s30+$0x600]  }
0x155: {  	v11 =	vld [tilespmem:s30+$0x610];
	_ =	sdelay $0x3  }
0x156: {  	(v2sf) =	vpush v1, $0x7;
	[tilespmem:s21+$0x4600] =	vst v10  }
0x157: {  	s31 =	spop (v2sf);
	[tilespmem:s21+$0x4610] =	vst v11  }
0x158: {  	v12 =	vld [tilespmem:s31+$0x680]  }
0x159: {  	v13 =	vld [tilespmem:s31+$0x690];
	_ =	sdelay $0x3  }
0x15a: {  	(v2sf) =	vpush v1, $0x8;
	[tilespmem:s21+$0x4680] =	vst v12  }
0x15b: {  	s23 =	spop (v2sf);
	[tilespmem:s21+$0x4690] =	vst v13  }
0x15c: {  	v0 =	vadd.f32 v2, v0;
	v14 =	vld [tilespmem:s23+$0x700]  }
0x15d: {  	v15 =	vld [tilespmem:s23+$0x710]  }
0x15e: {  	v0 =	vadd.f32 v3, v0;
	_ =	sdelay $0x1  }
0x15f: {  	v0 =	vadd.f32 v4, v0  }
0x160: {  	(v2sf) =	vpush v1, $0x9;
	[tilespmem:s21+$0x4700] =	vst v14  }
0x161: {  	v0 =	vadd.f32 v5, v0;
	s24 =	spop (v2sf);
	[tilespmem:s21+$0x4710] =	vst v15  }
0x162: {  	v2 =	vld [tilespmem:s24+$0x780]  }
0x163: {  	v0 =	vadd.f32 v6, v0;
	v3 =	vld [tilespmem:s24+$0x790];
	_ =	sdelay $0x1  }
0x164: {  	v0 =	vadd.f32 v7, v0;
	(v2sf) =	vpush v1, $0xA;
	_ =	sdelay $0x1  }
0x165: {  	v0 =	vadd.f32 v8, v0;
	[tilespmem:s21+$0x4780] =	vst v2  }
0x166: {  	s25 =	spop (v2sf);
	[tilespmem:s21+$0x4790] =	vst v3  }
0x167: {  	v0 =	vadd.f32 v9, v0;
	v56 =	vld [tilespmem:s25+$0x800]  }
0x168: {  	v57 =	vld [tilespmem:s25+$0x810]  }
0x169: {  	v0 =	vadd.f32 v10, v0;
	_ =	sdelay $0x1  }
0x16a: {  	v0 =	vadd.f32 v11, v0  }
0x16b: {  	(v2sf) =	vpush v1, $0xB;
	[tilespmem:s21+$0x4800] =	vst v56  }
0x16c: {  	v0 =	vadd.f32 v12, v0;
	s26 =	spop (v2sf);
	[tilespmem:s21+$0x4810] =	vst v57  }
0x16d: {  	v58 =	vld [tilespmem:s26+$0x880]  }
0x16e: {  	v0 =	vadd.f32 v13, v0;
	v59 =	vld [tilespmem:s26+$0x890];
	_ =	sdelay $0x1  }
0x16f: {  	v0 =	vadd.f32 v14, v0;
	(v2sf) =	vpush v1, $0xC  }
0x170: {  	s28 =	spop (v2sf);
	(v2sf) =	vpush v1, $0xD  }
0x171: {  	v0 =	vadd.f32 v15, v0;
	[tilespmem:s21+$0x4880] =	vst v58  }
0x172: {  	[tilespmem:s21+$0x4890] =	vst v59  }
0x173: {  	v0 =	vadd.f32 v2, v0;
	v60 =	vld [tilespmem:s28+$0x900]  }
0x174: {  	v61 =	vld [tilespmem:s28+$0x910]  }
0x175: {  	v0 =	vadd.f32 v3, v0;
	_ =	sdelay $0x1  }
0x176: {  	v0 =	vadd.f32 v56, v0  }
0x177: {  	[tilespmem:s21+$0x4900] =	vst v60  }
0x178: {  	s29 =	spop (v2sf);
	v0 =	vadd.f32 v57, v0;
	[tilespmem:s21+$0x4910] =	vst v61  }
0x179: {  	v2 =	vld [tilespmem:s29+$0x980]  }
0x17a: {  	v0 =	vadd.f32 v58, v0;
	v3 =	vld [tilespmem:s29+$0x990];
	_ =	sdelay $0x1  }
0x17b: {  	v0 =	vadd.f32 v59, v0  }
0x17c: {  	s30 =	spop (v2sf)  }
0x17d: {  	s31 =	spop (v2sf);
	(v2sf) =	vpush v1, $0xE;
	v0 =	vadd.f32 v60, v0;
	[tilespmem:s21+$0x4980] =	vst v2  }
0x17e: {  	[tilespmem:s21+$0x4990] =	vst v3  }
0x17f: {  	v0 =	vadd.f32 v61, v0;
	v62 =	vld [tilespmem:s30+$0xA00]  }
0x180: {  	v63 =	vld [tilespmem:s30+$0xA10]  }
0x181: {  	v0 =	vadd.f32 v2, v0;
	_ =	sdelay $0x1  }
0x182: {  	v0 =	vadd.f32 v3, v0  }
0x183: {  	(v2sf) =	vpush v1, $0xF;
	[tilespmem:s21+$0x4A00] =	vst v62  }
0x184: {  	[tilespmem:s21+$0x4A10] =	vst v63;
	v0 =	vadd.f32 v62, v0  }
0x185: {  	v2 =	vld [tilespmem:s31+$0xA80]  }
0x186: {  	v3 =	vadd.f32 v63, v0;
	v0 =	vld [tilespmem:s31+$0xA90];
	_ =	sdelay $0x3  }
0x187: {  	s22 =	simm.s32 $0x2000;
	s23 =	smov.u32 s18;
	[tilespmem:s21+$0x4A80] =	vst v2;
	v1 =	vadd.f32 v2, v3  }
.LBB2_7:
0x188: {  	p0 =	sne.s32 s22, $0xE000;
	[tilespmem:s21+$0x4A90] =	vst v0;
	s23 =	sadd.s32 $0x10, s23;
	s24 =	spop (v2sf)  }
0x189: {  	s25 =	smov.u32 s22;
	s22 =	sadd.s32 $0x2000, s22;
	v0 =	vadd.f32 v0, v1;
	v1 =	vld [tilespmem:s24+$0xB00]  }
0x18a: {  	v2 =	vld [tilespmem:s24+$0xB10];
	_ =	sdelay $0x3  }
0x18b: {  	[tilespmem:s21+$0x4B00] =	vst v1;
	v0 =	vadd.f32 v1, v0  }
0x18c: {  	[tilespmem:s21+$0x4B10] =	vst v2;
	s24 =	spop (v2sf)  }
0x18d: {  	v0 =	vadd.f32 v2, v0;
	v1 =	vld [tilespmem:s24+$0xB80]  }
0x18e: {  	v2 =	vld [tilespmem:s24+$0xB90];
	_ =	sdelay $0x3  }
0x18f: {  	[tilespmem:s21+$0x4B80] =	vst v1;
	v0 =	vadd.f32 v1, v0  }
0x190: {  	[tilespmem:s21+$0x4B90] =	vst v2  }
0x191: {  	v1 =	vld [tilespmem:s23+$0x0];
	v2 =	vadd.f32 v2, v0;
	_ =	sdelay $0x4  }
0x192: {  	v0 =	vshrl.u32 v1, $0xB  }
0x193: {  	v0 =	vand.u32 $0x3, v0  }
0x194: {  	s21 =	sshra.s32 s25, $0x2;
	v0 =	vshll.u32 v0, $0x5  }
0x195: {  	v0 =	vadd.s32 s21, v0  }
0x196: {  	(v2sf) =	vpush v0, $0x0;
	_ =	sdelay $0x6  }
0x197: {  	(v2sf) =	vpush v0, $0x1;
	_ =	sdelay $0x6  }
0x198: {  	(v2sf) =	vpush v0, $0x2  }
0x199: {  	s24 =	spop (v2sf)  }
0x19a: {  	v1 =	vld [tilespmem:s24+$0x400]  }
0x19b: {  	v3 =	vld [tilespmem:s24+$0x410];
	_ =	sdelay $0x3  }
0x19c: {  	[tilespmem:s21+$0x4400] =	vst v1;
	v1 =	vadd.f32 v1, v2;
	(v2sf) =	vpush v0, $0x3  }
0x19d: {  	[tilespmem:s21+$0x4410] =	vst v3;
	s24 =	spop (v2sf)  }
0x19e: {  	v1 =	vadd.f32 v3, v1;
	v2 =	vld [tilespmem:s24+$0x480]  }
0x19f: {  	v3 =	vld [tilespmem:s24+$0x490];
	_ =	sdelay $0x3  }
0x1a0: {  	[tilespmem:s21+$0x4480] =	vst v2;
	v1 =	vadd.f32 v2, v1;
	(v2sf) =	vpush v0, $0x4  }
0x1a1: {  	[tilespmem:s21+$0x4490] =	vst v3;
	s24 =	spop (v2sf)  }
0x1a2: {  	v1 =	vadd.f32 v3, v1;
	v2 =	vld [tilespmem:s24+$0x500]  }
0x1a3: {  	v3 =	vld [tilespmem:s24+$0x510];
	_ =	sdelay $0x3  }
0x1a4: {  	[tilespmem:s21+$0x4500] =	vst v2;
	v1 =	vadd.f32 v2, v1;
	(v2sf) =	vpush v0, $0x5  }
0x1a5: {  	[tilespmem:s21+$0x4510] =	vst v3;
	s24 =	spop (v2sf)  }
0x1a6: {  	v1 =	vadd.f32 v3, v1;
	v2 =	vld [tilespmem:s24+$0x580]  }
0x1a7: {  	v3 =	vld [tilespmem:s24+$0x590];
	_ =	sdelay $0x3  }
0x1a8: {  	[tilespmem:s21+$0x4580] =	vst v2;
	v1 =	vadd.f32 v2, v1;
	(v2sf) =	vpush v0, $0x6  }
0x1a9: {  	[tilespmem:s21+$0x4590] =	vst v3;
	s24 =	spop (v2sf)  }
0x1aa: {  	v1 =	vadd.f32 v3, v1;
	v2 =	vld [tilespmem:s24+$0x600]  }
0x1ab: {  	v3 =	vld [tilespmem:s24+$0x610];
	_ =	sdelay $0x3  }
0x1ac: {  	[tilespmem:s21+$0x4600] =	vst v2;
	v1 =	vadd.f32 v2, v1;
	(v2sf) =	vpush v0, $0x7  }
0x1ad: {  	[tilespmem:s21+$0x4610] =	vst v3;
	s24 =	spop (v2sf)  }
0x1ae: {  	v1 =	vadd.f32 v3, v1;
	v2 =	vld [tilespmem:s24+$0x680]  }
0x1af: {  	v3 =	vld [tilespmem:s24+$0x690];
	_ =	sdelay $0x3  }
0x1b0: {  	[tilespmem:s21+$0x4680] =	vst v2;
	v1 =	vadd.f32 v2, v1;
	(v2sf) =	vpush v0, $0x8  }
0x1b1: {  	[tilespmem:s21+$0x4690] =	vst v3;
	s24 =	spop (v2sf)  }
0x1b2: {  	v1 =	vadd.f32 v3, v1;
	v2 =	vld [tilespmem:s24+$0x700]  }
0x1b3: {  	v3 =	vld [tilespmem:s24+$0x710];
	_ =	sdelay $0x3  }
0x1b4: {  	[tilespmem:s21+$0x4700] =	vst v2;
	v1 =	vadd.f32 v2, v1;
	(v2sf) =	vpush v0, $0x9  }
0x1b5: {  	[tilespmem:s21+$0x4710] =	vst v3;
	s24 =	spop (v2sf)  }
0x1b6: {  	v1 =	vadd.f32 v3, v1;
	v2 =	vld [tilespmem:s24+$0x780]  }
0x1b7: {  	v3 =	vld [tilespmem:s24+$0x790];
	_ =	sdelay $0x3  }
0x1b8: {  	[tilespmem:s21+$0x4780] =	vst v2;
	v1 =	vadd.f32 v2, v1;
	(v2sf) =	vpush v0, $0xA  }
0x1b9: {  	[tilespmem:s21+$0x4790] =	vst v3;
	s24 =	spop (v2sf)  }
0x1ba: {  	v1 =	vadd.f32 v3, v1;
	v2 =	vld [tilespmem:s24+$0x800]  }
0x1bb: {  	v3 =	vld [tilespmem:s24+$0x810];
	_ =	sdelay $0x3  }
0x1bc: {  	[tilespmem:s21+$0x4800] =	vst v2;
	v1 =	vadd.f32 v2, v1;
	(v2sf) =	vpush v0, $0xB  }
0x1bd: {  	[tilespmem:s21+$0x4810] =	vst v3;
	s24 =	spop (v2sf)  }
0x1be: {  	v1 =	vadd.f32 v3, v1;
	v2 =	vld [tilespmem:s24+$0x880]  }
0x1bf: {  	v3 =	vld [tilespmem:s24+$0x890];
	_ =	sdelay $0x3  }
0x1c0: {  	[tilespmem:s21+$0x4880] =	vst v2;
	v1 =	vadd.f32 v2, v1;
	(v2sf) =	vpush v0, $0xC  }
0x1c1: {  	[tilespmem:s21+$0x4890] =	vst v3;
	s24 =	spop (v2sf)  }
0x1c2: {  	v1 =	vadd.f32 v3, v1;
	v2 =	vld [tilespmem:s24+$0x900]  }
0x1c3: {  	v3 =	vld [tilespmem:s24+$0x910];
	_ =	sdelay $0x3  }
0x1c4: {  	[tilespmem:s21+$0x4900] =	vst v2;
	v1 =	vadd.f32 v2, v1;
	(v2sf) =	vpush v0, $0xD  }
0x1c5: {  	[tilespmem:s21+$0x4910] =	vst v3;
	s24 =	spop (v2sf)  }
0x1c6: {  	v1 =	vadd.f32 v3, v1;
	v2 =	vld [tilespmem:s24+$0x980]  }
0x1c7: {  	v3 =	vld [tilespmem:s24+$0x990];
	_ =	sdelay $0x3  }
0x1c8: {  	[tilespmem:s21+$0x4980] =	vst v2;
	v1 =	vadd.f32 v2, v1;
	(v2sf) =	vpush v0, $0xE  }
0x1c9: {  	[tilespmem:s21+$0x4990] =	vst v3;
	s24 =	spop (v2sf)  }
0x1ca: {  	v1 =	vadd.f32 v3, v1;
	v2 =	vld [tilespmem:s24+$0xA00]  }
0x1cb: {  	v3 =	vld [tilespmem:s24+$0xA10];
	_ =	sdelay $0x3  }
0x1cc: {  	[tilespmem:s21+$0x4A00] =	vst v2;
	v1 =	vadd.f32 v2, v1;
	(v2sf) =	vpush v0, $0xF  }
0x1cd: {  	[tilespmem:s21+$0x4A10] =	vst v3;
	s24 =	spop (v2sf)  }
0x1ce: {  	v1 =	vadd.f32 v3, v1;
	v2 =	vld [tilespmem:s24+$0xA80]  }
.Ltmp2:
0x1cf: {  	v0 =	vld [tilespmem:s24+$0xA90];
	(pc) =	sbr.rel @p0 .LBB2_7-.Ltmp2, $2  }
0x1d0: {  	_ =	sdelay $0x2  }
0x1d1: {  	[tilespmem:s21+$0x4A80] =	vst v2;
	v1 =	vadd.f32 v2, v1  }
0x1d2: {  	[tilespmem:s21+$0x4A90] =	vst v0;
	s22 =	spop (v2sf)  }
0x1d3: {  	v2 =	vld [tilespmem:s22+$0xB00]  }
0x1d4: {  	v3 =	vld [tilespmem:s22+$0xB10];
	_ =	sdelay $0x3  }
0x1d5: {  	[tilespmem:s21+$0x4B00] =	vst v2  }
0x1d6: {  	[tilespmem:s21+$0x4B10] =	vst v3;
	s31 =	spop (v2sf)  }
0x1d7: {  	v4 =	vld [tilespmem:s31+$0xB80]  }
0x1d8: {  	v5 =	vld [tilespmem:s31+$0xB90]  }
0x1d9: {  	v0 =	vadd.f32 v0, v1  }
0x1da: {  	s20 =	sadd.s32 s5, s20  }
0x1db: {  	s19 =	sadd.s32 $0x1, s19;
	s20 =	sshll.u32 s20, $0x4;
	v0 =	vadd.f32 v2, v0  }
0x1dc: {  	p0 =	sne.s32 s19, $0x4;
	s20 =	sor.u32 $0x40000, s20;
	[tilespmem:s21+$0x4B80] =	vst v4  }
.Ltmp3:
0x1dd: {  	s20 =	sadd.s32 s6, s20;
	v0 =	vadd.f32 v3, v0;
	[tilespmem:s21+$0x4B90] =	vst v5;
	(pc) =	sbr.rel @p0 .LBB2_6-.Ltmp3, $4  }
0x1de: {  	[hbm4b:s20+s2] =	stream.linear.scatter [tilespmem:s15], [sflag:$0x2], $0x4000, $0x38;
	[tilespmem:$0x8480] =	vst v63  }
0x1df: {  	v0 =	vadd.f32 v4, v0;
	_ =	swait.ge [sflag:s11], $0x4000  }
0x1e0: {  	[sflag:s11] =	ssyncset.done $0x0  }
0x1e1: {  	s18 =	sadd.s32 $0x80, s18;
	v0 =	vadd.f32 v5, v0;
	[sflag:s11] =	ssyncadd.s32 $0xFFFFC000  }
0x1e2: {  	s17 =	sadd.s32 $0x1, s17  }
0x1e3: {  	p0 =	sne.s32 s17, s10  }
.Ltmp4:
0x1e4: {  	[tilespmem:$0x8400] =	vst v0;
	(pc) =	sbr.rel @p0 .LBB2_1-.Ltmp4, $4  }
0x1e5: {  	[hbm4b:s9+s2] =	stream.linear.scatter [tilespmem:s16], [sflag:$0x2], $0x80, $0x38;
	[tilespmem:$0x8480] =	vst v63  }
0x1e6: {  	_ =	swait.ge [sflag:s11], $0x80  }
0x1e7: {  	[sflag:s11] =	ssyncset.done $0x0  }
0x1e8: {  	[sflag:s11] =	ssyncadd.s32 $0xFFFFFF80  }
0x1e9: {  	_ =	sfence.sel $0x180000  }
0x1ea: {  	[bflag:$0x0] =	sbarrier.arrive $0xFFFF  }
0x1eb: {  	p0 =	sne.s32 s1, $0x0;
	_ =	strace $0x90000047  }
0x1ec: {  	s0 =	sadd.s32 @!p0 $0x100000, s0;
	[bflag:$0x2] =	sbarrier.arrive $0xFFFF  }
0x1ed: {  	[sflag:s0] =	ssyncadd.tile.s32 @!p0 $0x1;
	_ =	shalt  }
.Lfunc_end2:
_tile_overlayer_lowered:
.L_overlay_start_2:
0x1ee: {  	(tag) =	ssettag $0x2  }
0x1ef: {  	s0 =	rddreg [dreg:$0x0];
	s2 =	stileid.u32  }
0x1f0: {  	s1 =	rddreg [dreg:$0x1];
	p0 =	sne.s32 s2, $0x0  }
0x1f1: {  	s3 =	rddreg [dreg:$0x2];
	[bflag:$0x3] =	sbarrier.arrive $0xFFFF;
	s2 =	simm.s32 @!p0 $0x1C02  }
0x1f2: {  	[timem:s3], [sflag:s2] =	dma.local @!p0 [hbm:s0], s1  }
0x1f3: {  	s0 =	simm.s32 @!p0 $0x2  }
0x1f4: {  	_ =	swait.ge @!p0 [sflag:s0], s1  }
0x1f5: {  	s1 =	ssub.s32 @!p0 $0x0, s1;
	[sflag:s0] =	ssyncset.done @!p0 $0x0  }
0x1f6: {  	[sflag:s0] =	ssyncadd.s32 @!p0 s1  }
0x1f7: {  	[bflag:$0x3] =	sbarrier.arrive $0xFFFF  }
0x1f8: {  	_ =	shalt  }

</sc_bundles>
